<compile_context>
chip_gen: v7x
topology: tpu7x:2x2x1
jax: 0.10.2.dev20260603
libtpu: 0.0.44.dev20260713+nightly
codegen_flags: <defaults>
</compile_context>

<pallas_src>
import functools

import jax
import jax.numpy as jnp
from jax import lax
from jax.experimental import pallas as pl
from jax.experimental.pallas import tpu as pltpu
from jax.experimental.pallas import tpu_sc as plsc

N_NODES = 10000
DIM_IN = 128
DIM_H = 64
DIM_O = 6
N_GRAPH = 64
N_EDGE = 320000

NC, NS, LANES = 2, 16, 16
NW = NC * NS
NP = 10240
ROWS_W = NP // NS
CH = 128
NCH_W = 81
NCH_TOT = NW * NCH_W
EP = NCH_TOT * CH
NB = 4
BLK = 640
BLK2 = BLK // 2
GRID = NP // BLK

_mesh = plsc.VectorSubcoreMesh(
    core_axis_name="c", subcore_axis_name="s", num_cores=NC, num_subcores=NS)
_sc_params = pltpu.CompilerParams(use_tc_tiling_on_sc=False)

NCH_E = N_EDGE // CH
W_SPLIT = NCH_E // NCH_W
N_REAL_SPLIT = NCH_E - W_SPLIT * NCH_W
NCH_AUX = NCH_TOT - NCH_E


def _load_idx(e_hbm, aux_hbm, idx, w):

    @pl.when(w < W_SPLIT)
    def _():
        pltpu.sync_copy(e_hbm.at[pl.ds(w * NCH_W, NCH_W)], idx)

    @pl.when(w == W_SPLIT)
    def _():
        pltpu.sync_copy(e_hbm.at[pl.ds(W_SPLIT * NCH_W, N_REAL_SPLIT)],
                        idx.at[pl.ds(0, N_REAL_SPLIT)])
        pltpu.sync_copy(aux_hbm.at[pl.ds(0, NCH_W - N_REAL_SPLIT)],
                        idx.at[pl.ds(N_REAL_SPLIT, NCH_W - N_REAL_SPLIT)])

    @pl.when(w == W_SPLIT + 1)
    def _():
        pltpu.sync_copy(aux_hbm.at[pl.ds(NCH_W - N_REAL_SPLIT, NCH_W)], idx)


@functools.partial(
    pl.kernel,
    out_type=jax.ShapeDtypeStruct((NC * NP, LANES), jnp.float32),
    mesh=_mesh,
    scratch_types=[
        pltpu.VMEM((CH, LANES), jnp.float32),
        pltpu.VMEM((CH, LANES), jnp.float32),
        pltpu.VMEM((NCH_W, CH), jnp.int32),
        pltpu.SemaphoreType.DMA,
        pltpu.VMEM_SHARED((NP, LANES), jnp.float32),
    ],
    compiler_params=_sc_params,
)
def _deg_kernel(dst_hbm, aux_hbm, out_hbm, zb, ones_v, didx, ssem, cnt_sp):
    c = lax.axis_index("c")
    s = lax.axis_index("s")
    w = c * NS + s

    def fill(i, _):
        zb[i, :] = jnp.zeros((LANES,), jnp.float32)
        ones_v[i, :] = jnp.ones((LANES,), jnp.float32)
        return 0

    lax.fori_loop(0, CH, fill, 0)
    _load_idx(dst_hbm, aux_hbm, didx, w)
    for k in range(ROWS_W // CH):
        pltpu.sync_copy(zb, cnt_sp.at[pl.ds(s * ROWS_W + k * CH, CH)])
    plsc.subcore_barrier()

    def pair(i, _):
        for k in range(2):
            j = i * 2 + k
            pltpu.async_copy(ones_v, cnt_sp.at[didx.at[j]], ssem, add=True)

            @pl.when(j >= 4)
            def _():
                pltpu.make_async_copy(ones_v, cnt_sp.at[didx.at[j]],
                                      ssem).wait()
        return 0

    lax.fori_loop(0, (NCH_W - 1) // 2, pair, 0)
    pltpu.async_copy(ones_v, cnt_sp.at[didx.at[NCH_W - 1]], ssem, add=True)
    for _ in range(5):
        pltpu.make_async_copy(ones_v, cnt_sp.at[didx.at[0]], ssem).wait()
    plsc.subcore_barrier()
    pltpu.sync_copy(cnt_sp.at[pl.ds(s * ROWS_W, ROWS_W)],
                    out_hbm.at[pl.ds(c * NP + s * ROWS_W, ROWS_W)])


@functools.partial(
    pl.kernel,
    out_type=jax.ShapeDtypeStruct((NC * NP, DIM_H), jnp.float32),
    mesh=_mesh,
    scratch_types=[
        pltpu.VMEM((CH, DIM_H), jnp.float32),
        pltpu.VMEM((NB, CH, DIM_H), jnp.float32),
        pltpu.VMEM((NCH_W, CH), jnp.int32),
        pltpu.VMEM((NCH_W, CH), jnp.int32),
        pltpu.SemaphoreType.DMA,
        pltpu.VMEM_SHARED((NP, DIM_H), jnp.float32),
    ],
    compiler_params=_sc_params,
)
def _agg_kernel(g_hbm, src_hbm, dst_hbm, aux_hbm, out_hbm, zb, rows, sidx,
                didx, gsem, acc_sp):
    c = lax.axis_index("c")
    s = lax.axis_index("s")
    w = c * NS + s

    def fill(i, _):
        for k in range(DIM_H // LANES):
            zb[i, pl.ds(k * LANES, LANES)] = jnp.zeros((LANES,), jnp.float32)
        return 0

    lax.fori_loop(0, CH, fill, 0)
    _load_idx(src_hbm, aux_hbm, sidx, w)
    _load_idx(dst_hbm, aux_hbm, didx, w)
    for k in range(ROWS_W // CH):
        pltpu.sync_copy(zb, acc_sp.at[pl.ds(s * ROWS_W + k * CH, CH)])
    plsc.subcore_barrier()

    for b in range(NB - 1):
        pltpu.async_copy(g_hbm.at[sidx.at[b]], rows.at[b], gsem)

    def quad(i, _):
        for k in range(NB):
            j = i * NB + k
            pltpu.make_async_copy(g_hbm.at[sidx.at[k]], rows.at[k],
                                  gsem).wait()
            jn = j + NB - 1

            @pl.when(jn < NCH_W)
            def _():
                bn = (k + NB - 1) % NB
                pltpu.async_copy(g_hbm.at[sidx.at[jn]], rows.at[bn], gsem)

            pltpu.sync_copy(rows.at[k], acc_sp.at[didx.at[j]], add=True)
        return 0

    lax.fori_loop(0, (NCH_W - 1) // NB, quad, 0)
    pltpu.make_async_copy(g_hbm.at[sidx.at[0]], rows.at[0], gsem).wait()
    pltpu.sync_copy(rows.at[0], acc_sp.at[didx.at[NCH_W - 1]], add=True)
    plsc.subcore_barrier()
    pltpu.sync_copy(acc_sp.at[pl.ds(s * ROWS_W, ROWS_W)],
                    out_hbm.at[pl.ds(c * NP + s * ROWS_W, ROWS_W)])


GRIDB = 8
BB2 = NP // 2 // GRIDB
BLKB = 2 * BB2


def _scales(dd):
    i = pl.program_id(0)
    rn = lax.broadcasted_iota(jnp.int32, (BB2, BLKB // 8), 0)
    rc = lax.broadcasted_iota(jnp.int32, (BB2, BLKB // 8), 1)
    u2 = (rc == rn // 4).astype(jnp.float32)
    t2 = jnp.dot(u2, dd, preferred_element_type=jnp.float32)
    jm = lax.broadcasted_iota(jnp.int32, (BB2, 128), 0) % 4
    lane = lax.broadcasted_iota(jnp.int32, (BB2, 128), 1)
    degp = jnp.zeros((BB2, 128), jnp.float32)
    for q in range(4):
        half = jnp.where(lane < DIM_H,
                         jnp.broadcast_to(t2[:, 32 * q:32 * q + 1],
                                          (BB2, 128)),
                         jnp.broadcast_to(t2[:, 32 * q + 16:32 * q + 17],
                                          (BB2, 128)))
        degp = jnp.where(jm == q, half, degp)
    j_glob = i * BB2 + lax.broadcasted_iota(jnp.int32, (BB2, 128), 0)
    node = 2 * j_glob + (lane >= DIM_H).astype(jnp.int32)
    ok = (node < N_NODES) & (degp > 0.0)
    return jnp.where(ok, lax.rsqrt(jnp.maximum(degp, 1e-30)), 0.0)


def _tc1_body(x_ref, w1_ref, se_ref, so_ref, m_ref):
    g = jnp.dot(x_ref[...], w1_ref[...], preferred_element_type=jnp.float32)
    lo = jnp.dot(se_ref[...], g, preferred_element_type=jnp.float32)
    hi = jnp.dot(so_ref[...], g, preferred_element_type=jnp.float32)
    m_ref[...] = jnp.concatenate([lo, hi], axis=1)


def _tc1(xp, W1, sep, sop):
    return pl.pallas_call(
        _tc1_body,
        grid=(GRIDB,),
        in_specs=[
            pl.BlockSpec((BLKB, DIM_IN), lambda i: (i, 0)),
            pl.BlockSpec((DIM_IN, DIM_H), lambda i: (0, 0)),
            pl.BlockSpec((BB2, BLKB), lambda i: (0, 0)),
            pl.BlockSpec((BB2, BLKB), lambda i: (0, 0)),
        ],
        out_specs=pl.BlockSpec((BB2, 128), lambda i: (i, 0)),
        out_shape=jax.ShapeDtypeStruct((NP // 2, 128), jnp.float32),
    )(xp, W1, sep, sop)


def _tcd_body(m_ref, deg_ref, sc_ref, g_ref):
    dd = deg_ref[0] + deg_ref[1]
    sc2 = _scales(dd)
    sc_ref[...] = sc2
    g_ref[...] = m_ref[...] * sc2


def _tcd(m1p, deg2):
    return pl.pallas_call(
        _tcd_body,
        grid=(GRIDB,),
        in_specs=[
            pl.BlockSpec((BB2, 128), lambda i: (i, 0)),
            pl.BlockSpec((NC, BLKB // 8, 128), lambda i: (0, i, 0)),
        ],
        out_specs=[
            pl.BlockSpec((BB2, 128), lambda i: (i, 0)),
            pl.BlockSpec((BB2, 128), lambda i: (i, 0)),
        ],
        out_shape=[
            jax.ShapeDtypeStruct((NP // 2, 128), jnp.float32),
            jax.ShapeDtypeStruct((NP // 2, 128), jnp.float32),
        ],
    )(m1p, deg2)


def _tc2_body(a_ref, sc_ref, b1_ref, w2_ref, g_ref):
    sc2 = sc_ref[...]
    a = (a_ref[0] + a_ref[1]) * sc2 + b1_ref[...]
    h = jnp.maximum(a, 0.0)
    g_ref[...] = jnp.dot(h, w2_ref[...],
                         preferred_element_type=jnp.float32) * sc2


def _tc2(a1, scp, b1p, W2blk):
    return pl.pallas_call(
        _tc2_body,
        grid=(GRIDB,),
        in_specs=[
            pl.BlockSpec((NC, BB2, 128), lambda i: (0, i, 0)),
            pl.BlockSpec((BB2, 128), lambda i: (i, 0)),
            pl.BlockSpec((1, 128), lambda i: (0, 0)),
            pl.BlockSpec((128, 128), lambda i: (0, 0)),
        ],
        out_specs=pl.BlockSpec((BB2, 128), lambda i: (i, 0)),
        out_shape=jax.ShapeDtypeStruct((NP // 2, 128), jnp.float32),
    )(a1, scp, b1p, W2blk)


def _tc3_body(a_ref, sc_ref, b2_ref, bt_ref, wl_ref, bl_ref, fin_ref, acc):
    i = pl.program_id(0)
    sc2 = sc_ref[...]
    h2p = jnp.maximum((a_ref[0] + a_ref[1]) * sc2 + b2_ref[...], 0.0)
    h2cat = jnp.concatenate([h2p[:, :DIM_H], h2p[:, DIM_H:]], axis=0)
    bt = bt_ref[0]
    gids = lax.broadcasted_iota(jnp.int32, (N_GRAPH, BLKB), 0)
    oh = (bt == gids).astype(jnp.float32)
    haug = jnp.concatenate([h2cat, jnp.ones((BLKB, DIM_H), jnp.float32)],
                           axis=1)
    part = jnp.dot(oh, haug, preferred_element_type=jnp.float32)

    @pl.when(i == 0)
    def _():
        acc[...] = part

    @pl.when(i > 0)
    def _():
        acc[...] += part

    @pl.when(i == GRIDB - 1)
    def _():
        sums = acc[:, :DIM_H]
        cnt = acc[:, DIM_H:DIM_H + 1]
        pooled = sums / jnp.maximum(cnt, 1.0)
        fin_ref[...] = jnp.dot(pooled, wl_ref[...],
                               preferred_element_type=jnp.float32) + bl_ref[...]


def _tc3(a2, scp, b2p, batchp, wlp, blp):
    return pl.pallas_call(
        _tc3_body,
        grid=(GRIDB,),
        in_specs=[
            pl.BlockSpec((NC, BB2, 128), lambda i: (0, i, 0)),
            pl.BlockSpec((BB2, 128), lambda i: (i, 0)),
            pl.BlockSpec((1, 128), lambda i: (0, 0)),
            pl.BlockSpec((1, 1, BLKB), lambda i: (i, 0, 0)),
            pl.BlockSpec((DIM_H, 128), lambda i: (0, 0)),
            pl.BlockSpec((1, 128), lambda i: (0, 0)),
        ],
        out_specs=pl.BlockSpec((N_GRAPH, 128), lambda i: (0, 0)),
        out_shape=jax.ShapeDtypeStruct((N_GRAPH, 128), jnp.float32),
        scratch_shapes=[pltpu.VMEM((N_GRAPH, 128), jnp.float32)],
    )(a2, scp, b2p, batchp, wlp, blp)


def kernel(x, edge_index, batch, W1, b1, W2, b2, Wlin, blin):
    loop = jnp.arange(N_NODES, dtype=jnp.int32)
    npad = EP - (N_EDGE + N_NODES)
    pad_rows = N_NODES + (jnp.arange(npad, dtype=jnp.int32) % (NP - N_NODES))
    aux = jnp.concatenate([loop, pad_rows]).reshape(NCH_AUX, CH)
    e0 = edge_index[0].reshape(NCH_E, CH)
    e1 = edge_index[1].reshape(NCH_E, CH)

    deg2 = _deg_kernel(e1, aux).reshape(NC, NP // 8, 128)

    xp = jnp.pad(x, ((0, NP - N_NODES), (0, 0)))
    r2 = lax.broadcasted_iota(jnp.int32, (BB2, BLKB), 0)
    c2 = lax.broadcasted_iota(jnp.int32, (BB2, BLKB), 1)
    sep = (c2 == 2 * r2).astype(jnp.float32)
    sop = (c2 == 2 * r2 + 1).astype(jnp.float32)
    m1p = _tc1(xp, W1, sep, sop)
    scp, g1 = _tcd(m1p, deg2)
    a1 = _agg_kernel(g1.reshape(NP, DIM_H), e0, e1, aux
                     ).reshape(NC, NP // 2, 128)
    b1p = jnp.concatenate([b1, b1]).reshape(1, 128)
    W2blk = jnp.zeros((128, 128), W2.dtype)
    W2blk = W2blk.at[:DIM_H, :DIM_H].set(W2).at[DIM_H:, DIM_H:].set(W2)
    g2 = _tc2(a1, scp, b1p, W2blk)
    a2 = _agg_kernel(g2.reshape(NP, DIM_H), e0, e1, aux
                     ).reshape(NC, NP // 2, 128)

    batchp = jnp.pad(batch, (0, NP - N_NODES), constant_values=N_GRAPH
                     ).reshape(GRIDB, BB2, 2).transpose(0, 2, 1
                     ).reshape(GRIDB, 1, BLKB)
    b2p = jnp.concatenate([b2, b2]).reshape(1, 128)
    wlp = jnp.pad(Wlin, ((0, 0), (0, 128 - DIM_O)))
    blp = jnp.pad(blin, (0, 128 - DIM_O)).reshape(1, 128)
    fin = _tc3(a2, scp, b2p, batchp, wlp, blp)
    return fin[:, :DIM_O]

# --- scband reference (transcript-rebuilt; emitter-appended) ---
"""Pipeline reference for scband-gcn-72164040507601 (READ-ONLY COPY).

The authoritative reference and input builder live on the scoring server;
editing this copy changes nothing except your own understanding.
"""

import jax, jax.numpy as jnp
import numpy as np

N = 10000
E = 320000
D = 128
H = 64
O = 6
G = 64


def setup_inputs(seed: int = 0) -> dict:
    key = jax.random.key(seed)
    ks = jax.random.split(key, 10)
    x = jax.random.normal(ks[0], (N, D), dtype=jnp.float32)
    edge_index = jax.random.randint(ks[1], (2, E), 0, N, dtype=jnp.int32)
    batch = jnp.sort(jax.random.randint(ks[2], (N,), 0, G, dtype=jnp.int32))
    W1 = jax.random.normal(ks[3], (D, H), dtype=jnp.float32) * 0.05
    b1 = jnp.zeros((H,), dtype=jnp.float32)
    W2 = jax.random.normal(ks[4], (H, H), dtype=jnp.float32) * 0.05
    b2 = jnp.zeros((H,), dtype=jnp.float32)
    Wlin = jax.random.normal(ks[5], (H, O), dtype=jnp.float32) * 0.05
    blin = jnp.zeros((O,), dtype=jnp.float32)
    return {"x": x, "edge_index": edge_index, "batch": batch,
            "W1": W1, "b1": b1, "W2": W2, "b2": b2,
            "Wlin": Wlin, "blin": blin}


def _gcn_conv(x, src, dst, W, b, n_nodes):
    # GCNConv: x' = D^{-1/2} (A + I) D^{-1/2} X W + b (self loops already in src/dst)
    h = x @ W
    ones = jnp.ones(src.shape[0], dtype=x.dtype)
    deg = jax.ops.segment_sum(ones, dst, num_segments=n_nodes)
    dinv = jnp.where(deg > 0, jax.lax.rsqrt(deg), 0.0)
    norm = dinv[src] * dinv[dst]
    msg = h[src] * norm[:, None]
    out = jax.ops.segment_sum(msg, dst, num_segments=n_nodes)
    return out + b


def reference(x, edge_index, batch, W1, b1, W2, b2, Wlin, blin):
    loop = jnp.arange(N, dtype=edge_index.dtype)
    src = jnp.concatenate([edge_index[0], loop])
    dst = jnp.concatenate([edge_index[1], loop])
    h = jax.nn.relu(_gcn_conv(x, src, dst, W1, b1, N))
    h = jax.nn.relu(_gcn_conv(h, src, dst, W2, b2, N))
    # global_mean_pool over graph ids
    sums = jax.ops.segment_sum(h, batch, num_segments=G)
    cnt = jax.ops.segment_sum(jnp.ones((N,), dtype=h.dtype), batch, num_segments=G)
    pooled = sums / jnp.maximum(cnt, 1.0)[:, None]
    return pooled @ Wlin + blin

if __name__ == "__main__":
    import jax
    _d = setup_inputs()
    print(jax.jit(kernel)(*tuple(_d.values())))

</pallas_src>

<mosaic_0001>
#map = affine_map<(d0, d1) -> (0, 0)>
module attributes {stable_mosaic.version = 14 : i64} {
  func.func @_agg_kernel(%arg0: i32, %arg1: i32, %arg2: memref<10240x64xf32, #tpu.memory_space<hbm>>, %arg3: memref<2500x128xi32, #tpu.memory_space<hbm>>, %arg4: memref<2500x128xi32, #tpu.memory_space<hbm>>, %arg5: memref<92x128xi32, #tpu.memory_space<hbm>>, %arg6: memref<20480x64xf32, #tpu.memory_space<hbm>>, %arg7: memref<128x64xf32, #tpu.memory_space<vmem>>, %arg8: memref<4x128x64xf32, #tpu.memory_space<vmem>>, %arg9: memref<81x128xi32, #tpu.memory_space<vmem>>, %arg10: memref<81x128xi32, #tpu.memory_space<vmem>>, %arg11: memref<!tpu.dma_semaphore, #tpu.memory_space<semaphore_mem>>, %arg12: memref<10240x64xf32, #tpu.memory_space<vmem_shared>>) attributes {dimension_semantics = [#tpu.dimension_semantics<core_parallel>, #tpu.dimension_semantics<subcore_parallel>], iteration_bounds = array<i64: 2, 16>, scalar_prefetch = 0 : i64, scratch_operands = 6 : i64, tpu.core_type = #tpu.core_type<sc_vector_subcore>, window_params = [{transform_indices = #map}, {transform_indices = #map}, {transform_indices = #map}, {transform_indices = #map}, {transform_indices = #map}]} {
    %mul3A = arith.constant 16 : i32
    %mul3A_0 = arith.muli %arg0, %mul3A : i32
    %add3A = arith.addi %mul3A_0, %arg1 : i32
    %scan3A = arith.constant 0 : i32
    %scan3A_1 = arith.constant 0 : i32
    %scan3A_2 = arith.constant 128 : i32
    %scan3A_3 = arith.addi %scan3A_1, %scan3A_2 : i32
    %scan3A_4 = arith.constant 1 : i32
    %scan3A_5 = scf.for %scan3A_115 = %scan3A_1 to %scan3A_3 step %scan3A_4 iter_args(%scan3A_116 = %scan3A) -> (i32)  : i32 {
      %broadcast_in_dim3A = arith.constant 0.000000e+00 : f32
      %broadcast_in_dim3A_117 = vector.broadcast %broadcast_in_dim3A : f32 to vector<16xf32>
      %swap3A = arith.index_cast %scan3A_115 : i32 to index
      %swap3A_118 = arith.constant 0 : index
      %swap3A_119 = tpu.vector_load %arg7[%swap3A, %swap3A_118] {strides = array<i32>} : memref<128x64xf32, #tpu.memory_space<vmem>>, vector<1x16xf32>,
      %swap3A_120 = vector.shape_cast %swap3A_119 : vector<1x16xf32> to vector<16xf32>
      %swap3A_121 = vector.shape_cast %broadcast_in_dim3A_117 : vector<16xf32> to vector<1x16xf32>
      tpu.vector_store %arg7[%swap3A, %swap3A_118], %swap3A_121 {strides = array<i32>} : memref<128x64xf32, #tpu.memory_space<vmem>>, vector<1x16xf32>,
      %broadcast_in_dim3A_122 = arith.constant 0.000000e+00 : f32
      %broadcast_in_dim3A_123 = vector.broadcast %broadcast_in_dim3A_122 : f32 to vector<16xf32>
      %swap3A_124 = arith.index_cast %scan3A_115 : i32 to index
      %swap3A_125 = arith.constant 16 : index
      %swap3A_126 = tpu.vector_load %arg7[%swap3A_124, %swap3A_125] {strides = array<i32>} : memref<128x64xf32, #tpu.memory_space<vmem>>, vector<1x16xf32>,
      %swap3A_127 = vector.shape_cast %swap3A_126 : vector<1x16xf32> to vector<16xf32>
      %swap3A_128 = vector.shape_cast %broadcast_in_dim3A_123 : vector<16xf32> to vector<1x16xf32>
      tpu.vector_store %arg7[%swap3A_124, %swap3A_125], %swap3A_128 {strides = array<i32>} : memref<128x64xf32, #tpu.memory_space<vmem>>, vector<1x16xf32>,
      %broadcast_in_dim3A_129 = arith.constant 0.000000e+00 : f32
      %broadcast_in_dim3A_130 = vector.broadcast %broadcast_in_dim3A_129 : f32 to vector<16xf32>
      %swap3A_131 = arith.index_cast %scan3A_115 : i32 to index
      %swap3A_132 = arith.constant 32 : index
      %swap3A_133 = tpu.vector_load %arg7[%swap3A_131, %swap3A_132] {strides = array<i32>} : memref<128x64xf32, #tpu.memory_space<vmem>>, vector<1x16xf32>,
      %swap3A_134 = vector.shape_cast %swap3A_133 : vector<1x16xf32> to vector<16xf32>
      %swap3A_135 = vector.shape_cast %broadcast_in_dim3A_130 : vector<16xf32> to vector<1x16xf32>
      tpu.vector_store %arg7[%swap3A_131, %swap3A_132], %swap3A_135 {strides = array<i32>} : memref<128x64xf32, #tpu.memory_space<vmem>>, vector<1x16xf32>,
      %broadcast_in_dim3A_136 = arith.constant 0.000000e+00 : f32
      %broadcast_in_dim3A_137 = vector.broadcast %broadcast_in_dim3A_136 : f32 to vector<16xf32>
      %swap3A_138 = arith.index_cast %scan3A_115 : i32 to index
      %swap3A_139 = arith.constant 48 : index
      %swap3A_140 = tpu.vector_load %arg7[%swap3A_138, %swap3A_139] {strides = array<i32>} : memref<128x64xf32, #tpu.memory_space<vmem>>, vector<1x16xf32>,
      %swap3A_141 = vector.shape_cast %swap3A_140 : vector<1x16xf32> to vector<16xf32>
      %swap3A_142 = vector.shape_cast %broadcast_in_dim3A_137 : vector<16xf32> to vector<1x16xf32>
      tpu.vector_store %arg7[%swap3A_138, %swap3A_139], %swap3A_142 {strides = array<i32>} : memref<128x64xf32, #tpu.memory_space<vmem>>, vector<1x16xf32>,
      %scan3A_143 = arith.constant 0 : i32
      scf.yield %scan3A_143 : i32
    }
    %scan3A_6 = arith.constant 128 : i32
    %lt3A = arith.constant 30 : i32
    %lt3A_7 = arith.cmpi slt, %add3A, %lt3A : i32
    %convert_element_type3A = arith.extui %lt3A_7 : i1 to i32
    %cond3A = arith.constant 0 : i32
    %cond3A_8 = arith.cmpi ne, %convert_element_type3A, %cond3A : i32
    scf.if %cond3A_8 {
      %mul3A_115 = arith.constant 81 : i32
      %mul3A_116 = arith.muli %add3A, %mul3A_115 : i32
      "tpu.region"() ({
        %run_scoped3A_117 = tpu.sem_alloc : memref<!tpu.dma_semaphore, #tpu.memory_space<semaphore_mem>>
        %dma_start3A_118 = arith.constant 0 : i32
        %dma_start3A_119 = tpu.memref_slice %arg3[%mul3A_116, %dma_start3A_118] : memref<2500x128xi32, #tpu.memory_space<hbm>> -> memref<81x128xi32, #tpu.memory_space<hbm>>
        %dma_start3A_120 = arith.constant 0 : i32
        %dma_start3A_121 = tpu.memref_slice %arg3[%mul3A_116, %dma_start3A_120] : memref<2500x128xi32, #tpu.memory_space<hbm>> -> memref<81x128xi32, #tpu.memory_space<hbm>>
        tpu.enqueue_dma source(%dma_start3A_121 : memref<81x128xi32, #tpu.memory_space<hbm>>) target(%arg9 : memref<81x128xi32, #tpu.memory_space<vmem>>) target_semaphore(%run_scoped3A_117 : memref<!tpu.dma_semaphore, #tpu.memory_space<semaphore_mem>>)
        %dma_wait3A_122 = arith.constant 0 : i32
        %dma_wait3A_123 = tpu.memref_slice %arg3[%mul3A_116, %dma_wait3A_122] : memref<2500x128xi32, #tpu.memory_space<hbm>> -> memref<81x128xi32, #tpu.memory_space<hbm>>
        %dma_wait3A_124 = arith.constant 0 : i32
        %dma_wait3A_125 = tpu.memref_slice %arg3[%mul3A_116, %dma_wait3A_124] : memref<2500x128xi32, #tpu.memory_space<hbm>> -> memref<81x128xi32, #tpu.memory_space<hbm>>
        tpu.wait_dma2 semaphore(%run_scoped3A_117 : memref<!tpu.dma_semaphore, #tpu.memory_space<semaphore_mem>>) src(%dma_wait3A_125 : memref<81x128xi32, #tpu.memory_space<hbm>>) dst(%arg9 : memref<81x128xi32, #tpu.memory_space<vmem>>)
        tpu.yield
      }) : () -> ()
    } else {
    }
    %eq3A = arith.constant 30 : i32
    %eq3A_9 = arith.cmpi eq, %add3A, %eq3A : i32
    %convert_element_type3A_10 = arith.extui %eq3A_9 : i1 to i32
    %cond3A_11 = arith.constant 0 : i32
    %cond3A_12 = arith.cmpi ne, %convert_element_type3A_10, %cond3A_11 : i32
    scf.if %cond3A_12 {
      "tpu.region"() ({
        %run_scoped3A_115 = tpu.sem_alloc : memref<!tpu.dma_semaphore, #tpu.memory_space<semaphore_mem>>
        %dma_start3A_116 = arith.constant 0 : i32
        %dma_start3A_117 = arith.constant 0 : i32
        %dma_start3A_118 = tpu.memref_slice %arg9[%dma_start3A_116, %dma_start3A_117] : memref<81x128xi32, #tpu.memory_space<vmem>> -> memref<70x128xi32, #tpu.memory_space<vmem>>
        %dma_start3A_119 = arith.constant 2430 : i32
        %dma_start3A_120 = arith.constant 0 : i32
        %dma_start3A_121 = tpu.memref_slice %arg3[%dma_start3A_119, %dma_start3A_120] : memref<2500x128xi32, #tpu.memory_space<hbm>> -> memref<70x128xi32, #tpu.memory_space<hbm>>
        %dma_start3A_122 = arith.constant 0 : i32
        %dma_start3A_123 = arith.constant 0 : i32
        %dma_start3A_124 = tpu.memref_slice %arg9[%dma_start3A_122, %dma_start3A_123] : memref<81x128xi32, #tpu.memory_space<vmem>> -> memref<70x128xi32, #tpu.memory_space<vmem>>
        %dma_start3A_125 = arith.constant 2430 : i32
        %dma_start3A_126 = arith.constant 0 : i32
        %dma_start3A_127 = tpu.memref_slice %arg3[%dma_start3A_125, %dma_start3A_126] : memref<2500x128xi32, #tpu.memory_space<hbm>> -> memref<70x128xi32, #tpu.memory_space<hbm>>
        tpu.enqueue_dma source(%dma_start3A_127 : memref<70x128xi32, #tpu.memory_space<hbm>>) target(%dma_start3A_124 : memref<70x128xi32, #tpu.memory_space<vmem>>) target_semaphore(%run_scoped3A_115 : memref<!tpu.dma_semaphore, #tpu.memory_space<semaphore_mem>>)
        %dma_wait3A_128 = arith.constant 0 : i32
        %dma_wait3A_129 = arith.constant 0 : i32
        %dma_wait3A_130 = tpu.memref_slice %arg9[%dma_wait3A_128, %dma_wait3A_129] : memref<81x128xi32, #tpu.memory_space<vmem>> -> memref<70x128xi32, #tpu.memory_space<vmem>>
        %dma_wait3A_131 = arith.constant 2430 : i32
        %dma_wait3A_132 = arith.constant 0 : i32
        %dma_wait3A_133 = tpu.memref_slice %arg3[%dma_wait3A_131, %dma_wait3A_132] : memref<2500x128xi32, #tpu.memory_space<hbm>> -> memref<70x128xi32, #tpu.memory_space<hbm>>
        %dma_wait3A_134 = arith.constant 0 : i32
        %dma_wait3A_135 = arith.constant 0 : i32
        %dma_wait3A_136 = tpu.memref_slice %arg9[%dma_wait3A_134, %dma_wait3A_135] : memref<81x128xi32, #tpu.memory_space<vmem>> -> memref<70x128xi32, #tpu.memory_space<vmem>>
        %dma_wait3A_137 = arith.constant 2430 : i32
        %dma_wait3A_138 = arith.constant 0 : i32
        %dma_wait3A_139 = tpu.memref_slice %arg3[%dma_wait3A_137, %dma_wait3A_138] : memref<2500x128xi32, #tpu.memory_space<hbm>> -> memref<70x128xi32, #tpu.memory_space<hbm>>
        tpu.wait_dma2 semaphore(%run_scoped3A_115 : memref<!tpu.dma_semaphore, #tpu.memory_space<semaphore_mem>>) src(%dma_wait3A_139 : memref<70x128xi32, #tpu.memory_space<hbm>>) dst(%dma_wait3A_136 : memref<70x128xi32, #tpu.memory_space<vmem>>)
        tpu.yield
      }) : () -> ()
      "tpu.region"() ({
        %run_scoped3A_115 = tpu.sem_alloc : memref<!tpu.dma_semaphore, #tpu.memory_space<semaphore_mem>>
        %dma_start3A_116 = arith.constant 70 : i32
        %dma_start3A_117 = arith.constant 0 : i32
        %dma_start3A_118 = tpu.memref_slice %arg9[%dma_start3A_116, %dma_start3A_117] : memref<81x128xi32, #tpu.memory_space<vmem>> -> memref<11x128xi32, #tpu.memory_space<vmem>>
        %dma_start3A_119 = arith.constant 0 : i32
        %dma_start3A_120 = arith.constant 0 : i32
        %dma_start3A_121 = tpu.memref_slice %arg5[%dma_start3A_119, %dma_start3A_120] : memref<92x128xi32, #tpu.memory_space<hbm>> -> memref<11x128xi32, #tpu.memory_space<hbm>>
        %dma_start3A_122 = arith.constant 70 : i32
        %dma_start3A_123 = arith.constant 0 : i32
        %dma_start3A_124 = tpu.memref_slice %arg9[%dma_start3A_122, %dma_start3A_123] : memref<81x128xi32, #tpu.memory_space<vmem>> -> memref<11x128xi32, #tpu.memory_space<vmem>>
        %dma_start3A_125 = arith.constant 0 : i32
        %dma_start3A_126 = arith.constant 0 : i32
        %dma_start3A_127 = tpu.memref_slice %arg5[%dma_start3A_125, %dma_start3A_126] : memref<92x128xi32, #tpu.memory_space<hbm>> -> memref<11x128xi32, #tpu.memory_space<hbm>>
        tpu.enqueue_dma source(%dma_start3A_127 : memref<11x128xi32, #tpu.memory_space<hbm>>) target(%dma_start3A_124 : memref<11x128xi32, #tpu.memory_space<vmem>>) target_semaphore(%run_scoped3A_115 : memref<!tpu.dma_semaphore, #tpu.memory_space<semaphore_mem>>)
        %dma_wait3A_128 = arith.constant 70 : i32
        %dma_wait3A_129 = arith.constant 0 : i32
        %dma_wait3A_130 = tpu.memref_slice %arg9[%dma_wait3A_128, %dma_wait3A_129] : memref<81x128xi32, #tpu.memory_space<vmem>> -> memref<11x128xi32, #tpu.memory_space<vmem>>
        %dma_wait3A_131 = arith.constant 0 : i32
        %dma_wait3A_132 = arith.constant 0 : i32
        %dma_wait3A_133 = tpu.memref_slice %arg5[%dma_wait3A_131, %dma_wait3A_132] : memref<92x128xi32, #tpu.memory_space<hbm>> -> memref<11x128xi32, #tpu.memory_space<hbm>>
        %dma_wait3A_134 = arith.constant 70 : i32
        %dma_wait3A_135 = arith.constant 0 : i32
        %dma_wait3A_136 = tpu.memref_slice %arg9[%dma_wait3A_134, %dma_wait3A_135] : memref<81x128xi32, #tpu.memory_space<vmem>> -> memref<11x128xi32, #tpu.memory_space<vmem>>
        %dma_wait3A_137 = arith.constant 0 : i32
        %dma_wait3A_138 = arith.constant 0 : i32
        %dma_wait3A_139 = tpu.memref_slice %arg5[%dma_wait3A_137, %dma_wait3A_138] : memref<92x128xi32, #tpu.memory_space<hbm>> -> memref<11x128xi32, #tpu.memory_space<hbm>>
        tpu.wait_dma2 semaphore(%run_scoped3A_115 : memref<!tpu.dma_semaphore, #tpu.memory_space<semaphore_mem>>) src(%dma_wait3A_139 : memref<11x128xi32, #tpu.memory_space<hbm>>) dst(%dma_wait3A_136 : memref<11x128xi32, #tpu.memory_space<vmem>>)
        tpu.yield
      }) : () -> ()
    } else {
    }
    %eq3A_13 = arith.constant 31 : i32
    %eq3A_14 = arith.cmpi eq, %add3A, %eq3A_13 : i32
    %convert_element_type3A_15 = arith.extui %eq3A_14 : i1 to i32
    %cond3A_16 = arith.constant 0 : i32
    %cond3A_17 = arith.cmpi ne, %convert_element_type3A_15, %cond3A_16 : i32
    scf.if %cond3A_17 {
      "tpu.region"() ({
        %run_scoped3A_115 = tpu.sem_alloc : memref<!tpu.dma_semaphore, #tpu.memory_space<semaphore_mem>>
        %dma_start3A_116 = arith.constant 11 : i32
        %dma_start3A_117 = arith.constant 0 : i32
        %dma_start3A_118 = tpu.memref_slice %arg5[%dma_start3A_116, %dma_start3A_117] : memref<92x128xi32, #tpu.memory_space<hbm>> -> memref<81x128xi32, #tpu.memory_space<hbm>>
        %dma_start3A_119 = arith.constant 11 : i32
        %dma_start3A_120 = arith.constant 0 : i32
        %dma_start3A_121 = tpu.memref_slice %arg5[%dma_start3A_119, %dma_start3A_120] : memref<92x128xi32, #tpu.memory_space<hbm>> -> memref<81x128xi32, #tpu.memory_space<hbm>>
        tpu.enqueue_dma source(%dma_start3A_121 : memref<81x128xi32, #tpu.memory_space<hbm>>) target(%arg9 : memref<81x128xi32, #tpu.memory_space<vmem>>) target_semaphore(%run_scoped3A_115 : memref<!tpu.dma_semaphore, #tpu.memory_space<semaphore_mem>>)
        %dma_wait3A_122 = arith.constant 11 : i32
        %dma_wait3A_123 = arith.constant 0 : i32
        %dma_wait3A_124 = tpu.memref_slice %arg5[%dma_wait3A_122, %dma_wait3A_123] : memref<92x128xi32, #tpu.memory_space<hbm>> -> memref<81x128xi32, #tpu.memory_space<hbm>>
        %dma_wait3A_125 = arith.constant 11 : i32
        %dma_wait3A_126 = arith.constant 0 : i32
        %dma_wait3A_127 = tpu.memref_slice %arg5[%dma_wait3A_125, %dma_wait3A_126] : memref<92x128xi32, #tpu.memory_space<hbm>> -> memref<81x128xi32, #tpu.memory_space<hbm>>
        tpu.wait_dma2 semaphore(%run_scoped3A_115 : memref<!tpu.dma_semaphore, #tpu.memory_space<semaphore_mem>>) src(%dma_wait3A_127 : memref<81x128xi32, #tpu.memory_space<hbm>>) dst(%arg9 : memref<81x128xi32, #tpu.memory_space<vmem>>)
        tpu.yield
      }) : () -> ()
    } else {
    }
    %lt3A_18 = arith.constant 30 : i32
    %lt3A_19 = arith.cmpi slt, %add3A, %lt3A_18 : i32
    %convert_element_type3A_20 = arith.extui %lt3A_19 : i1 to i32
    %cond3A_21 = arith.constant 0 : i32
    %cond3A_22 = arith.cmpi ne, %convert_element_type3A_20, %cond3A_21 : i32
    scf.if %cond3A_22 {
      %mul3A_115 = arith.constant 81 : i32
      %mul3A_116 = arith.muli %add3A, %mul3A_115 : i32
      "tpu.region"() ({
        %run_scoped3A_117 = tpu.sem_alloc : memref<!tpu.dma_semaphore, #tpu.memory_space<semaphore_mem>>
        %dma_start3A_118 = arith.constant 0 : i32
        %dma_start3A_119 = tpu.memref_slice %arg4[%mul3A_116, %dma_start3A_118] : memref<2500x128xi32, #tpu.memory_space<hbm>> -> memref<81x128xi32, #tpu.memory_space<hbm>>
        %dma_start3A_120 = arith.constant 0 : i32
        %dma_start3A_121 = tpu.memref_slice %arg4[%mul3A_116, %dma_start3A_120] : memref<2500x128xi32, #tpu.memory_space<hbm>> -> memref<81x128xi32, #tpu.memory_space<hbm>>
        tpu.enqueue_dma source(%dma_start3A_121 : memref<81x128xi32, #tpu.memory_space<hbm>>) target(%arg10 : memref<81x128xi32, #tpu.memory_space<vmem>>) target_semaphore(%run_scoped3A_117 : memref<!tpu.dma_semaphore, #tpu.memory_space<semaphore_mem>>)
        %dma_wait3A_122 = arith.constant 0 : i32
        %dma_wait3A_123 = tpu.memref_slice %arg4[%mul3A_116, %dma_wait3A_122] : memref<2500x128xi32, #tpu.memory_space<hbm>> -> memref<81x128xi32, #tpu.memory_space<hbm>>
        %dma_wait3A_124 = arith.constant 0 : i32
        %dma_wait3A_125 = tpu.memref_slice %arg4[%mul3A_116, %dma_wait3A_124] : memref<2500x128xi32, #tpu.memory_space<hbm>> -> memref<81x128xi32, #tpu.memory_space<hbm>>
        tpu.wait_dma2 semaphore(%run_scoped3A_117 : memref<!tpu.dma_semaphore, #tpu.memory_space<semaphore_mem>>) src(%dma_wait3A_125 : memref<81x128xi32, #tpu.memory_space<hbm>>) dst(%arg10 : memref<81x128xi32, #tpu.memory_space<vmem>>)
        tpu.yield
      }) : () -> ()
    } else {
    }
    %eq3A_23 = arith.constant 30 : i32
    %eq3A_24 = arith.cmpi eq, %add3A, %eq3A_23 : i32
    %convert_element_type3A_25 = arith.extui %eq3A_24 : i1 to i32
    %cond3A_26 = arith.constant 0 : i32
    %cond3A_27 = arith.cmpi ne, %convert_element_type3A_25, %cond3A_26 : i32
    scf.if %cond3A_27 {
      "tpu.region"() ({
        %run_scoped3A_115 = tpu.sem_alloc : memref<!tpu.dma_semaphore, #tpu.memory_space<semaphore_mem>>
        %dma_start3A_116 = arith.constant 0 : i32
        %dma_start3A_117 = arith.constant 0 : i32
        %dma_start3A_118 = tpu.memref_slice %arg10[%dma_start3A_116, %dma_start3A_117] : memref<81x128xi32, #tpu.memory_space<vmem>> -> memref<70x128xi32, #tpu.memory_space<vmem>>
        %dma_start3A_119 = arith.constant 2430 : i32
        %dma_start3A_120 = arith.constant 0 : i32
        %dma_start3A_121 = tpu.memref_slice %arg4[%dma_start3A_119, %dma_start3A_120] : memref<2500x128xi32, #tpu.memory_space<hbm>> -> memref<70x128xi32, #tpu.memory_space<hbm>>
        %dma_start3A_122 = arith.constant 0 : i32
        %dma_start3A_123 = arith.constant 0 : i32
        %dma_start3A_124 = tpu.memref_slice %arg10[%dma_start3A_122, %dma_start3A_123] : memref<81x128xi32, #tpu.memory_space<vmem>> -> memref<70x128xi32, #tpu.memory_space<vmem>>
        %dma_start3A_125 = arith.constant 2430 : i32
        %dma_start3A_126 = arith.constant 0 : i32
        %dma_start3A_127 = tpu.memref_slice %arg4[%dma_start3A_125, %dma_start3A_126] : memref<2500x128xi32, #tpu.memory_space<hbm>> -> memref<70x128xi32, #tpu.memory_space<hbm>>
        tpu.enqueue_dma source(%dma_start3A_127 : memref<70x128xi32, #tpu.memory_space<hbm>>) target(%dma_start3A_124 : memref<70x128xi32, #tpu.memory_space<vmem>>) target_semaphore(%run_scoped3A_115 : memref<!tpu.dma_semaphore, #tpu.memory_space<semaphore_mem>>)
        %dma_wait3A_128 = arith.constant 0 : i32
        %dma_wait3A_129 = arith.constant 0 : i32
        %dma_wait3A_130 = tpu.memref_slice %arg10[%dma_wait3A_128, %dma_wait3A_129] : memref<81x128xi32, #tpu.memory_space<vmem>> -> memref<70x128xi32, #tpu.memory_space<vmem>>
        %dma_wait3A_131 = arith.constant 2430 : i32
        %dma_wait3A_132 = arith.constant 0 : i32
        %dma_wait3A_133 = tpu.memref_slice %arg4[%dma_wait3A_131, %dma_wait3A_132] : memref<2500x128xi32, #tpu.memory_space<hbm>> -> memref<70x128xi32, #tpu.memory_space<hbm>>
        %dma_wait3A_134 = arith.constant 0 : i32
        %dma_wait3A_135 = arith.constant 0 : i32
        %dma_wait3A_136 = tpu.memref_slice %arg10[%dma_wait3A_134, %dma_wait3A_135] : memref<81x128xi32, #tpu.memory_space<vmem>> -> memref<70x128xi32, #tpu.memory_space<vmem>>
        %dma_wait3A_137 = arith.constant 2430 : i32
        %dma_wait3A_138 = arith.constant 0 : i32
        %dma_wait3A_139 = tpu.memref_slice %arg4[%dma_wait3A_137, %dma_wait3A_138] : memref<2500x128xi32, #tpu.memory_space<hbm>> -> memref<70x128xi32, #tpu.memory_space<hbm>>
        tpu.wait_dma2 semaphore(%run_scoped3A_115 : memref<!tpu.dma_semaphore, #tpu.memory_space<semaphore_mem>>) src(%dma_wait3A_139 : memref<70x128xi32, #tpu.memory_space<hbm>>) dst(%dma_wait3A_136 : memref<70x128xi32, #tpu.memory_space<vmem>>)
        tpu.yield
      }) : () -> ()
      "tpu.region"() ({
        %run_scoped3A_115 = tpu.sem_alloc : memref<!tpu.dma_semaphore, #tpu.memory_space<semaphore_mem>>
        %dma_start3A_116 = arith.constant 70 : i32
        %dma_start3A_117 = arith.constant 0 : i32
        %dma_start3A_118 = tpu.memref_slice %arg10[%dma_start3A_116, %dma_start3A_117] : memref<81x128xi32, #tpu.memory_space<vmem>> -> memref<11x128xi32, #tpu.memory_space<vmem>>
        %dma_start3A_119 = arith.constant 0 : i32
        %dma_start3A_120 = arith.constant 0 : i32
        %dma_start3A_121 = tpu.memref_slice %arg5[%dma_start3A_119, %dma_start3A_120] : memref<92x128xi32, #tpu.memory_space<hbm>> -> memref<11x128xi32, #tpu.memory_space<hbm>>
        %dma_start3A_122 = arith.constant 70 : i32
        %dma_start3A_123 = arith.constant 0 : i32
        %dma_start3A_124 = tpu.memref_slice %arg10[%dma_start3A_122, %dma_start3A_123] : memref<81x128xi32, #tpu.memory_space<vmem>> -> memref<11x128xi32, #tpu.memory_space<vmem>>
        %dma_start3A_125 = arith.constant 0 : i32
        %dma_start3A_126 = arith.constant 0 : i32
        %dma_start3A_127 = tpu.memref_slice %arg5[%dma_start3A_125, %dma_start3A_126] : memref<92x128xi32, #tpu.memory_space<hbm>> -> memref<11x128xi32, #tpu.memory_space<hbm>>
        tpu.enqueue_dma source(%dma_start3A_127 : memref<11x128xi32, #tpu.memory_space<hbm>>) target(%dma_start3A_124 : memref<11x128xi32, #tpu.memory_space<vmem>>) target_semaphore(%run_scoped3A_115 : memref<!tpu.dma_semaphore, #tpu.memory_space<semaphore_mem>>)
        %dma_wait3A_128 = arith.constant 70 : i32
        %dma_wait3A_129 = arith.constant 0 : i32
        %dma_wait3A_130 = tpu.memref_slice %arg10[%dma_wait3A_128, %dma_wait3A_129] : memref<81x128xi32, #tpu.memory_space<vmem>> -> memref<11x128xi32, #tpu.memory_space<vmem>>
        %dma_wait3A_131 = arith.constant 0 : i32
        %dma_wait3A_132 = arith.constant 0 : i32
        %dma_wait3A_133 = tpu.memref_slice %arg5[%dma_wait3A_131, %dma_wait3A_132] : memref<92x128xi32, #tpu.memory_space<hbm>> -> memref<11x128xi32, #tpu.memory_space<hbm>>
        %dma_wait3A_134 = arith.constant 70 : i32
        %dma_wait3A_135 = arith.constant 0 : i32
        %dma_wait3A_136 = tpu.memref_slice %arg10[%dma_wait3A_134, %dma_wait3A_135] : memref<81x128xi32, #tpu.memory_space<vmem>> -> memref<11x128xi32, #tpu.memory_space<vmem>>
        %dma_wait3A_137 = arith.constant 0 : i32
        %dma_wait3A_138 = arith.constant 0 : i32
        %dma_wait3A_139 = tpu.memref_slice %arg5[%dma_wait3A_137, %dma_wait3A_138] : memref<92x128xi32, #tpu.memory_space<hbm>> -> memref<11x128xi32, #tpu.memory_space<hbm>>
        tpu.wait_dma2 semaphore(%run_scoped3A_115 : memref<!tpu.dma_semaphore, #tpu.memory_space<semaphore_mem>>) src(%dma_wait3A_139 : memref<11x128xi32, #tpu.memory_space<hbm>>) dst(%dma_wait3A_136 : memref<11x128xi32, #tpu.memory_space<vmem>>)
        tpu.yield
      }) : () -> ()
    } else {
    }
    %eq3A_28 = arith.constant 31 : i32
    %eq3A_29 = arith.cmpi eq, %add3A, %eq3A_28 : i32
    %convert_element_type3A_30 = arith.extui %eq3A_29 : i1 to i32
    %cond3A_31 = arith.constant 0 : i32
    %cond3A_32 = arith.cmpi ne, %convert_element_type3A_30, %cond3A_31 : i32
    scf.if %cond3A_32 {
      "tpu.region"() ({
        %run_scoped3A_115 = tpu.sem_alloc : memref<!tpu.dma_semaphore, #tpu.memory_space<semaphore_mem>>
        %dma_start3A_116 = arith.constant 11 : i32
        %dma_start3A_117 = arith.constant 0 : i32
        %dma_start3A_118 = tpu.memref_slice %arg5[%dma_start3A_116, %dma_start3A_117] : memref<92x128xi32, #tpu.memory_space<hbm>> -> memref<81x128xi32, #tpu.memory_space<hbm>>
        %dma_start3A_119 = arith.constant 11 : i32
        %dma_start3A_120 = arith.constant 0 : i32
        %dma_start3A_121 = tpu.memref_slice %arg5[%dma_start3A_119, %dma_start3A_120] : memref<92x128xi32, #tpu.memory_space<hbm>> -> memref<81x128xi32, #tpu.memory_space<hbm>>
        tpu.enqueue_dma source(%dma_start3A_121 : memref<81x128xi32, #tpu.memory_space<hbm>>) target(%arg10 : memref<81x128xi32, #tpu.memory_space<vmem>>) target_semaphore(%run_scoped3A_115 : memref<!tpu.dma_semaphore, #tpu.memory_space<semaphore_mem>>)
        %dma_wait3A_122 = arith.constant 11 : i32
        %dma_wait3A_123 = arith.constant 0 : i32
        %dma_wait3A_124 = tpu.memref_slice %arg5[%dma_wait3A_122, %dma_wait3A_123] : memref<92x128xi32, #tpu.memory_space<hbm>> -> memref<81x128xi32, #tpu.memory_space<hbm>>
        %dma_wait3A_125 = arith.constant 11 : i32
        %dma_wait3A_126 = arith.constant 0 : i32
        %dma_wait3A_127 = tpu.memref_slice %arg5[%dma_wait3A_125, %dma_wait3A_126] : memref<92x128xi32, #tpu.memory_space<hbm>> -> memref<81x128xi32, #tpu.memory_space<hbm>>
        tpu.wait_dma2 semaphore(%run_scoped3A_115 : memref<!tpu.dma_semaphore, #tpu.memory_space<semaphore_mem>>) src(%dma_wait3A_127 : memref<81x128xi32, #tpu.memory_space<hbm>>) dst(%arg10 : memref<81x128xi32, #tpu.memory_space<vmem>>)
        tpu.yield
      }) : () -> ()
    } else {
    }
    %mul3A_33 = arith.constant 640 : i32
    %mul3A_34 = arith.muli %arg1, %mul3A_33 : i32
    %add3A_35 = arith.constant 0 : i32
    %add3A_36 = arith.addi %mul3A_34, %add3A_35 : i32
    "tpu.region"() ({
      %run_scoped3A_115 = tpu.sem_alloc : memref<!tpu.dma_semaphore, #tpu.memory_space<semaphore_mem>>
      %dma_start3A_116 = arith.constant 0 : i32
      %dma_start3A_117 = tpu.memref_slice %arg12[%add3A_36, %dma_start3A_116] : memref<10240x64xf32, #tpu.memory_space<vmem_shared>> -> memref<128x64xf32, #tpu.memory_space<vmem_shared>>
      %dma_start3A_118 = arith.constant 0 : i32
      %dma_start3A_119 = tpu.memref_slice %arg12[%add3A_36, %dma_start3A_118] : memref<10240x64xf32, #tpu.memory_space<vmem_shared>> -> memref<128x64xf32, #tpu.memory_space<vmem_shared>>
      tpu.enqueue_dma source(%arg7 : memref<128x64xf32, #tpu.memory_space<vmem>>) target(%dma_start3A_119 : memref<128x64xf32, #tpu.memory_space<vmem_shared>>) target_semaphore(%run_scoped3A_115 : memref<!tpu.dma_semaphore, #tpu.memory_space<semaphore_mem>>)
      %dma_wait3A_120 = arith.constant 0 : i32
      %dma_wait3A_121 = tpu.memref_slice %arg12[%add3A_36, %dma_wait3A_120] : memref<10240x64xf32, #tpu.memory_space<vmem_shared>> -> memref<128x64xf32, #tpu.memory_space<vmem_shared>>
      %dma_wait3A_122 = arith.constant 0 : i32
      %dma_wait3A_123 = tpu.memref_slice %arg12[%add3A_36, %dma_wait3A_122] : memref<10240x64xf32, #tpu.memory_space<vmem_shared>> -> memref<128x64xf32, #tpu.memory_space<vmem_shared>>
      tpu.wait_dma2 semaphore(%run_scoped3A_115 : memref<!tpu.dma_semaphore, #tpu.memory_space<semaphore_mem>>) src(%arg7 : memref<128x64xf32, #tpu.memory_space<vmem>>) dst(%dma_wait3A_123 : memref<128x64xf32, #tpu.memory_space<vmem_shared>>)
      tpu.yield
    }) : () -> ()
    %mul3A_37 = arith.constant 640 : i32
    %mul3A_38 = arith.muli %arg1, %mul3A_37 : i32
    %add3A_39 = arith.constant 128 : i32
    %add3A_40 = arith.addi %mul3A_38, %add3A_39 : i32
    "tpu.region"() ({
      %run_scoped3A_115 = tpu.sem_alloc : memref<!tpu.dma_semaphore, #tpu.memory_space<semaphore_mem>>
      %dma_start3A_116 = arith.constant 0 : i32
      %dma_start3A_117 = tpu.memref_slice %arg12[%add3A_40, %dma_start3A_116] : memref<10240x64xf32, #tpu.memory_space<vmem_shared>> -> memref<128x64xf32, #tpu.memory_space<vmem_shared>>
      %dma_start3A_118 = arith.constant 0 : i32
      %dma_start3A_119 = tpu.memref_slice %arg12[%add3A_40, %dma_start3A_118] : memref<10240x64xf32, #tpu.memory_space<vmem_shared>> -> memref<128x64xf32, #tpu.memory_space<vmem_shared>>
      tpu.enqueue_dma source(%arg7 : memref<128x64xf32, #tpu.memory_space<vmem>>) target(%dma_start3A_119 : memref<128x64xf32, #tpu.memory_space<vmem_shared>>) target_semaphore(%run_scoped3A_115 : memref<!tpu.dma_semaphore, #tpu.memory_space<semaphore_mem>>)
      %dma_wait3A_120 = arith.constant 0 : i32
      %dma_wait3A_121 = tpu.memref_slice %arg12[%add3A_40, %dma_wait3A_120] : memref<10240x64xf32, #tpu.memory_space<vmem_shared>> -> memref<128x64xf32, #tpu.memory_space<vmem_shared>>
      %dma_wait3A_122 = arith.constant 0 : i32
      %dma_wait3A_123 = tpu.memref_slice %arg12[%add3A_40, %dma_wait3A_122] : memref<10240x64xf32, #tpu.memory_space<vmem_shared>> -> memref<128x64xf32, #tpu.memory_space<vmem_shared>>
      tpu.wait_dma2 semaphore(%run_scoped3A_115 : memref<!tpu.dma_semaphore, #tpu.memory_space<semaphore_mem>>) src(%arg7 : memref<128x64xf32, #tpu.memory_space<vmem>>) dst(%dma_wait3A_123 : memref<128x64xf32, #tpu.memory_space<vmem_shared>>)
      tpu.yield
    }) : () -> ()
    %mul3A_41 = arith.constant 640 : i32
    %mul3A_42 = arith.muli %arg1, %mul3A_41 : i32
    %add3A_43 = arith.constant 256 : i32
    %add3A_44 = arith.addi %mul3A_42, %add3A_43 : i32
    "tpu.region"() ({
      %run_scoped3A_115 = tpu.sem_alloc : memref<!tpu.dma_semaphore, #tpu.memory_space<semaphore_mem>>
      %dma_start3A_116 = arith.constant 0 : i32
      %dma_start3A_117 = tpu.memref_slice %arg12[%add3A_44, %dma_start3A_116] : memref<10240x64xf32, #tpu.memory_space<vmem_shared>> -> memref<128x64xf32, #tpu.memory_space<vmem_shared>>
      %dma_start3A_118 = arith.constant 0 : i32
      %dma_start3A_119 = tpu.memref_slice %arg12[%add3A_44, %dma_start3A_118] : memref<10240x64xf32, #tpu.memory_space<vmem_shared>> -> memref<128x64xf32, #tpu.memory_space<vmem_shared>>
      tpu.enqueue_dma source(%arg7 : memref<128x64xf32, #tpu.memory_space<vmem>>) target(%dma_start3A_119 : memref<128x64xf32, #tpu.memory_space<vmem_shared>>) target_semaphore(%run_scoped3A_115 : memref<!tpu.dma_semaphore, #tpu.memory_space<semaphore_mem>>)
      %dma_wait3A_120 = arith.constant 0 : i32
      %dma_wait3A_121 = tpu.memref_slice %arg12[%add3A_44, %dma_wait3A_120] : memref<10240x64xf32, #tpu.memory_space<vmem_shared>> -> memref<128x64xf32, #tpu.memory_space<vmem_shared>>
      %dma_wait3A_122 = arith.constant 0 : i32
      %dma_wait3A_123 = tpu.memref_slice %arg12[%add3A_44, %dma_wait3A_122] : memref<10240x64xf32, #tpu.memory_space<vmem_shared>> -> memref<128x64xf32, #tpu.memory_space<vmem_shared>>
      tpu.wait_dma2 semaphore(%run_scoped3A_115 : memref<!tpu.dma_semaphore, #tpu.memory_space<semaphore_mem>>) src(%arg7 : memref<128x64xf32, #tpu.memory_space<vmem>>) dst(%dma_wait3A_123 : memref<128x64xf32, #tpu.memory_space<vmem_shared>>)
      tpu.yield
    }) : () -> ()
    %mul3A_45 = arith.constant 640 : i32
    %mul3A_46 = arith.muli %arg1, %mul3A_45 : i32
    %add3A_47 = arith.constant 384 : i32
    %add3A_48 = arith.addi %mul3A_46, %add3A_47 : i32
    "tpu.region"() ({
      %run_scoped3A_115 = tpu.sem_alloc : memref<!tpu.dma_semaphore, #tpu.memory_space<semaphore_mem>>
      %dma_start3A_116 = arith.constant 0 : i32
      %dma_start3A_117 = tpu.memref_slice %arg12[%add3A_48, %dma_start3A_116] : memref<10240x64xf32, #tpu.memory_space<vmem_shared>> -> memref<128x64xf32, #tpu.memory_space<vmem_shared>>
      %dma_start3A_118 = arith.constant 0 : i32
      %dma_start3A_119 = tpu.memref_slice %arg12[%add3A_48, %dma_start3A_118] : memref<10240x64xf32, #tpu.memory_space<vmem_shared>> -> memref<128x64xf32, #tpu.memory_space<vmem_shared>>
      tpu.enqueue_dma source(%arg7 : memref<128x64xf32, #tpu.memory_space<vmem>>) target(%dma_start3A_119 : memref<128x64xf32, #tpu.memory_space<vmem_shared>>) target_semaphore(%run_scoped3A_115 : memref<!tpu.dma_semaphore, #tpu.memory_space<semaphore_mem>>)
      %dma_wait3A_120 = arith.constant 0 : i32
      %dma_wait3A_121 = tpu.memref_slice %arg12[%add3A_48, %dma_wait3A_120] : memref<10240x64xf32, #tpu.memory_space<vmem_shared>> -> memref<128x64xf32, #tpu.memory_space<vmem_shared>>
      %dma_wait3A_122 = arith.constant 0 : i32
      %dma_wait3A_123 = tpu.memref_slice %arg12[%add3A_48, %dma_wait3A_122] : memref<10240x64xf32, #tpu.memory_space<vmem_shared>> -> memref<128x64xf32, #tpu.memory_space<vmem_shared>>
      tpu.wait_dma2 semaphore(%run_scoped3A_115 : memref<!tpu.dma_semaphore, #tpu.memory_space<semaphore_mem>>) src(%arg7 : memref<128x64xf32, #tpu.memory_space<vmem>>) dst(%dma_wait3A_123 : memref<128x64xf32, #tpu.memory_space<vmem_shared>>)
      tpu.yield
    }) : () -> ()
    %mul3A_49 = arith.constant 640 : i32
    %mul3A_50 = arith.muli %arg1, %mul3A_49 : i32
    %add3A_51 = arith.constant 512 : i32
    %add3A_52 = arith.addi %mul3A_50, %add3A_51 : i32
    "tpu.region"() ({
      %run_scoped3A_115 = tpu.sem_alloc : memref<!tpu.dma_semaphore, #tpu.memory_space<semaphore_mem>>
      %dma_start3A_116 = arith.constant 0 : i32
      %dma_start3A_117 = tpu.memref_slice %arg12[%add3A_52, %dma_start3A_116] : memref<10240x64xf32, #tpu.memory_space<vmem_shared>> -> memref<128x64xf32, #tpu.memory_space<vmem_shared>>
      %dma_start3A_118 = arith.constant 0 : i32
      %dma_start3A_119 = tpu.memref_slice %arg12[%add3A_52, %dma_start3A_118] : memref<10240x64xf32, #tpu.memory_space<vmem_shared>> -> memref<128x64xf32, #tpu.memory_space<vmem_shared>>
      tpu.enqueue_dma source(%arg7 : memref<128x64xf32, #tpu.memory_space<vmem>>) target(%dma_start3A_119 : memref<128x64xf32, #tpu.memory_space<vmem_shared>>) target_semaphore(%run_scoped3A_115 : memref<!tpu.dma_semaphore, #tpu.memory_space<semaphore_mem>>)
      %dma_wait3A_120 = arith.constant 0 : i32
      %dma_wait3A_121 = tpu.memref_slice %arg12[%add3A_52, %dma_wait3A_120] : memref<10240x64xf32, #tpu.memory_space<vmem_shared>> -> memref<128x64xf32, #tpu.memory_space<vmem_shared>>
      %dma_wait3A_122 = arith.constant 0 : i32
      %dma_wait3A_123 = tpu.memref_slice %arg12[%add3A_52, %dma_wait3A_122] : memref<10240x64xf32, #tpu.memory_space<vmem_shared>> -> memref<128x64xf32, #tpu.memory_space<vmem_shared>>
      tpu.wait_dma2 semaphore(%run_scoped3A_115 : memref<!tpu.dma_semaphore, #tpu.memory_space<semaphore_mem>>) src(%arg7 : memref<128x64xf32, #tpu.memory_space<vmem>>) dst(%dma_wait3A_123 : memref<128x64xf32, #tpu.memory_space<vmem_shared>>)
      tpu.yield
    }) : () -> ()
    %barrier3A = arith.constant 0 : index
    tpu.barrier barrier_id(%barrier3A)
    %dma_start3A = arith.constant 0 : i32
    %dma_start3A_53 = arith.constant 0 : i32
    %dma_start3A_54 = arith.constant 0 : i32
    %dma_start3A_55 = arith.constant 0 : i32
    %dma_start3A_56 = tpu.memref_slice %arg8[%dma_start3A_53, %dma_start3A_54, %dma_start3A_55] : memref<4x128x64xf32, #tpu.memory_space<vmem>> -> memref<1x128x64xf32, #tpu.memory_space<vmem>>
    %dma_start3A_57 = tpu.memref_squeeze %dma_start3A_56 : memref<1x128x64xf32, #tpu.memory_space<vmem>> -> memref<128x64xf32, #tpu.memory_space<vmem>>
    %dma_start3A_58 = arith.constant 0 : i32
    %dma_start3A_59 = tpu.memref_slice %arg9[%dma_start3A, %dma_start3A_58] : memref<81x128xi32, #tpu.memory_space<vmem>> -> memref<1x128xi32, #tpu.memory_space<vmem>>
    %dma_start3A_60 = tpu.memref_squeeze %dma_start3A_59 : memref<1x128xi32, #tpu.memory_space<vmem>> -> memref<128xi32, #tpu.memory_space<vmem>>
    %dma_start3A_61 = arith.constant 0 : i32
    %dma_start3A_62 = arith.constant 0 : i32
    %dma_start3A_63 = tpu.memref_slice %arg2[%dma_start3A_61, %dma_start3A_62] : memref<10240x64xf32, #tpu.memory_space<hbm>> -> memref<10240x64xf32, #tpu.memory_space<hbm>>
    tpu.enqueue_indirect_dma source(%dma_start3A_63 : memref<10240x64xf32, #tpu.memory_space<hbm>>) target(%dma_start3A_57 : memref<128x64xf32, #tpu.memory_space<vmem>>) offsets(%dma_start3A_60 : memref<128xi32, #tpu.memory_space<vmem>>) semaphore(%arg11 : memref<!tpu.dma_semaphore, #tpu.memory_space<semaphore_mem>>)
    %dma_start3A_64 = arith.constant 1 : i32
    %dma_start3A_65 = arith.constant 1 : i32
    %dma_start3A_66 = arith.constant 0 : i32
    %dma_start3A_67 = arith.constant 0 : i32
    %dma_start3A_68 = tpu.memref_slice %arg8[%dma_start3A_65, %dma_start3A_66, %dma_start3A_67] : memref<4x128x64xf32, #tpu.memory_space<vmem>> -> memref<1x128x64xf32, #tpu.memory_space<vmem>>
    %dma_start3A_69 = tpu.memref_squeeze %dma_start3A_68 : memref<1x128x64xf32, #tpu.memory_space<vmem>> -> memref<128x64xf32, #tpu.memory_space<vmem>>
    %dma_start3A_70 = arith.constant 0 : i32
    %dma_start3A_71 = tpu.memref_slice %arg9[%dma_start3A_64, %dma_start3A_70] : memref<81x128xi32, #tpu.memory_space<vmem>> -> memref<1x128xi32, #tpu.memory_space<vmem>>
    %dma_start3A_72 = tpu.memref_squeeze %dma_start3A_71 : memref<1x128xi32, #tpu.memory_space<vmem>> -> memref<128xi32, #tpu.memory_space<vmem>>
    %dma_start3A_73 = arith.constant 0 : i32
    %dma_start3A_74 = arith.constant 0 : i32
    %dma_start3A_75 = tpu.memref_slice %arg2[%dma_start3A_73, %dma_start3A_74] : memref<10240x64xf32, #tpu.memory_space<hbm>> -> memref<10240x64xf32, #tpu.memory_space<hbm>>
    tpu.enqueue_indirect_dma source(%dma_start3A_75 : memref<10240x64xf32, #tpu.memory_space<hbm>>) target(%dma_start3A_69 : memref<128x64xf32, #tpu.memory_space<vmem>>) offsets(%dma_start3A_72 : memref<128xi32, #tpu.memory_space<vmem>>) semaphore(%arg11 : memref<!tpu.dma_semaphore, #tpu.memory_space<semaphore_mem>>)
    %dma_start3A_76 = arith.constant 2 : i32
    %dma_start3A_77 = arith.constant 2 : i32
    %dma_start3A_78 = arith.constant 0 : i32
    %dma_start3A_79 = arith.constant 0 : i32
    %dma_start3A_80 = tpu.memref_slice %arg8[%dma_start3A_77, %dma_start3A_78, %dma_start3A_79] : memref<4x128x64xf32, #tpu.memory_space<vmem>> -> memref<1x128x64xf32, #tpu.memory_space<vmem>>
    %dma_start3A_81 = tpu.memref_squeeze %dma_start3A_80 : memref<1x128x64xf32, #tpu.memory_space<vmem>> -> memref<128x64xf32, #tpu.memory_space<vmem>>
    %dma_start3A_82 = arith.constant 0 : i32
    %dma_start3A_83 = tpu.memref_slice %arg9[%dma_start3A_76, %dma_start3A_82] : memref<81x128xi32, #tpu.memory_space<vmem>> -> memref<1x128xi32, #tpu.memory_space<vmem>>
    %dma_start3A_84 = tpu.memref_squeeze %dma_start3A_83 : memref<1x128xi32, #tpu.memory_space<vmem>> -> memref<128xi32, #tpu.memory_space<vmem>>
    %dma_start3A_85 = arith.constant 0 : i32
    %dma_start3A_86 = arith.constant 0 : i32
    %dma_start3A_87 = tpu.memref_slice %arg2[%dma_start3A_85, %dma_start3A_86] : memref<10240x64xf32, #tpu.memory_space<hbm>> -> memref<10240x64xf32, #tpu.memory_space<hbm>>
    tpu.enqueue_indirect_dma source(%dma_start3A_87 : memref<10240x64xf32, #tpu.memory_space<hbm>>) target(%dma_start3A_81 : memref<128x64xf32, #tpu.memory_space<vmem>>) offsets(%dma_start3A_84 : memref<128xi32, #tpu.memory_space<vmem>>) semaphore(%arg11 : memref<!tpu.dma_semaphore, #tpu.memory_space<semaphore_mem>>)
    %scan3A_88 = arith.constant 0 : i32
    %scan3A_89 = arith.constant 0 : i32
    %scan3A_90 = arith.constant 20 : i32
    %scan3A_91 = arith.addi %scan3A_89, %scan3A_90 : i32
    %scan3A_92 = arith.constant 1 : i32
    %scan3A_93 = scf.for %scan3A_115 = %scan3A_89 to %scan3A_91 step %scan3A_92 iter_args(%scan3A_116 = %scan3A_88) -> (i32)  : i32 {
      %mul3A_117 = arith.constant 4 : i32
      %mul3A_118 = arith.muli %scan3A_115, %mul3A_117 : i32
      %add3A_119 = arith.constant 0 : i32
      %add3A_120 = arith.addi %mul3A_118, %add3A_119 : i32
      %dma_wait3A_121 = arith.constant 0 : i32
      %dma_wait3A_122 = arith.constant 0 : i32
      %dma_wait3A_123 = arith.constant 0 : i32
      %dma_wait3A_124 = arith.constant 0 : i32
      %dma_wait3A_125 = tpu.memref_slice %arg8[%dma_wait3A_122, %dma_wait3A_123, %dma_wait3A_124] : memref<4x128x64xf32, #tpu.memory_space<vmem>> -> memref<1x128x64xf32, #tpu.memory_space<vmem>>
      %dma_wait3A_126 = tpu.memref_squeeze %dma_wait3A_125 : memref<1x128x64xf32, #tpu.memory_space<vmem>> -> memref<128x64xf32, #tpu.memory_space<vmem>>
      %dma_wait3A_127 = arith.constant 0 : i32
      %dma_wait3A_128 = tpu.memref_slice %arg9[%dma_wait3A_121, %dma_wait3A_127] : memref<81x128xi32, #tpu.memory_space<vmem>> -> memref<1x128xi32, #tpu.memory_space<vmem>>
      %dma_wait3A_129 = tpu.memref_squeeze %dma_wait3A_128 : memref<1x128xi32, #tpu.memory_space<vmem>> -> memref<128xi32, #tpu.memory_space<vmem>>
      %dma_wait3A_130 = arith.constant 0 : i32
      %dma_wait3A_131 = arith.constant 0 : i32
      %dma_wait3A_132 = tpu.memref_slice %arg2[%dma_wait3A_130, %dma_wait3A_131] : memref<10240x64xf32, #tpu.memory_space<hbm>> -> memref<10240x64xf32, #tpu.memory_space<hbm>>
      tpu.wait_indirect_dma semaphore(%arg11 : memref<!tpu.dma_semaphore, #tpu.memory_space<semaphore_mem>>) src(%dma_wait3A_132 : memref<10240x64xf32, #tpu.memory_space<hbm>>) dst(%dma_wait3A_126 : memref<128x64xf32, #tpu.memory_space<vmem>>)
      %add3A_133 = arith.constant 4 : i32
      %add3A_134 = arith.addi %add3A_120, %add3A_133 : i32
      %sub3A = arith.constant 1 : i32
      %sub3A_135 = arith.subi %add3A_134, %sub3A : i32
      %lt3A_136 = arith.constant 81 : i32
      %lt3A_137 = arith.cmpi slt, %sub3A_135, %lt3A_136 : i32
      %convert_element_type3A_138 = arith.extui %lt3A_137 : i1 to i32
      %cond3A_139 = arith.constant 0 : i32
      %cond3A_140 = arith.cmpi ne, %convert_element_type3A_138, %cond3A_139 : i32
      scf.if %cond3A_140 {
        %dma_start3A_221 = arith.constant 3 : i32
        %dma_start3A_222 = arith.constant 0 : i32
        %dma_start3A_223 = arith.constant 0 : i32
        %dma_start3A_224 = tpu.memref_slice %arg8[%dma_start3A_221, %dma_start3A_222, %dma_start3A_223] : memref<4x128x64xf32, #tpu.memory_space<vmem>> -> memref<1x128x64xf32, #tpu.memory_space<vmem>>
        %dma_start3A_225 = tpu.memref_squeeze %dma_start3A_224 : memref<1x128x64xf32, #tpu.memory_space<vmem>> -> memref<128x64xf32, #tpu.memory_space<vmem>>
        %dma_start3A_226 = arith.constant 0 : i32
        %dma_start3A_227 = tpu.memref_slice %arg9[%sub3A_135, %dma_start3A_226] : memref<81x128xi32, #tpu.memory_space<vmem>> -> memref<1x128xi32, #tpu.memory_space<vmem>>
        %dma_start3A_228 = tpu.memref_squeeze %dma_start3A_227 : memref<1x128xi32, #tpu.memory_space<vmem>> -> memref<128xi32, #tpu.memory_space<vmem>>
        %dma_start3A_229 = arith.constant 0 : i32
        %dma_start3A_230 = arith.constant 0 : i32
        %dma_start3A_231 = tpu.memref_slice %arg2[%dma_start3A_229, %dma_start3A_230] : memref<10240x64xf32, #tpu.memory_space<hbm>> -> memref<10240x64xf32, #tpu.memory_space<hbm>>
        tpu.enqueue_indirect_dma source(%dma_start3A_231 : memref<10240x64xf32, #tpu.memory_space<hbm>>) target(%dma_start3A_225 : memref<128x64xf32, #tpu.memory_space<vmem>>) offsets(%dma_start3A_228 : memref<128xi32, #tpu.memory_space<vmem>>) semaphore(%arg11 : memref<!tpu.dma_semaphore, #tpu.memory_space<semaphore_mem>>)
      } else {
      }
      %run_scoped3A_141 = arith.constant 0 : i32
      "tpu.region"() ({
        %run_scoped3A_221 = tpu.sem_alloc : memref<!tpu.dma_semaphore, #tpu.memory_space<semaphore_mem>>
        %dma_start3A_222 = arith.constant 0 : i32
        %dma_start3A_223 = arith.constant 0 : i32
        %dma_start3A_224 = tpu.memref_slice %arg8[%run_scoped3A_141, %dma_start3A_222, %dma_start3A_223] : memref<4x128x64xf32, #tpu.memory_space<vmem>> -> memref<1x128x64xf32, #tpu.memory_space<vmem>>
        %dma_start3A_225 = tpu.memref_squeeze %dma_start3A_224 : memref<1x128x64xf32, #tpu.memory_space<vmem>> -> memref<128x64xf32, #tpu.memory_space<vmem>>
        %dma_start3A_226 = arith.constant 0 : i32
        %dma_start3A_227 = tpu.memref_slice %arg10[%add3A_120, %dma_start3A_226] : memref<81x128xi32, #tpu.memory_space<vmem>> -> memref<1x128xi32, #tpu.memory_space<vmem>>
        %dma_start3A_228 = tpu.memref_squeeze %dma_start3A_227 : memref<1x128xi32, #tpu.memory_space<vmem>> -> memref<128xi32, #tpu.memory_space<vmem>>
        %dma_start3A_229 = arith.constant 0 : i32
        %dma_start3A_230 = arith.constant 0 : i32
        %dma_start3A_231 = tpu.memref_slice %arg12[%dma_start3A_229, %dma_start3A_230] : memref<10240x64xf32, #tpu.memory_space<vmem_shared>> -> memref<10240x64xf32, #tpu.memory_space<vmem_shared>>
        tpu.enqueue_indirect_dma source(%dma_start3A_225 : memref<128x64xf32, #tpu.memory_space<vmem>>) target(%dma_start3A_231 : memref<10240x64xf32, #tpu.memory_space<vmem_shared>>) offsets(%dma_start3A_228 : memref<128xi32, #tpu.memory_space<vmem>>) semaphore(%run_scoped3A_221 : memref<!tpu.dma_semaphore, #tpu.memory_space<semaphore_mem>>) {add = true}
        %dma_wait3A_232 = arith.constant 0 : i32
        %dma_wait3A_233 = arith.constant 0 : i32
        %dma_wait3A_234 = tpu.memref_slice %arg8[%run_scoped3A_141, %dma_wait3A_232, %dma_wait3A_233] : memref<4x128x64xf32, #tpu.memory_space<vmem>> -> memref<1x128x64xf32, #tpu.memory_space<vmem>>
        %dma_wait3A_235 = tpu.memref_squeeze %dma_wait3A_234 : memref<1x128x64xf32, #tpu.memory_space<vmem>> -> memref<128x64xf32, #tpu.memory_space<vmem>>
        %dma_wait3A_236 = arith.constant 0 : i32
        %dma_wait3A_237 = tpu.memref_slice %arg10[%add3A_120, %dma_wait3A_236] : memref<81x128xi32, #tpu.memory_space<vmem>> -> memref<1x128xi32, #tpu.memory_space<vmem>>
        %dma_wait3A_238 = tpu.memref_squeeze %dma_wait3A_237 : memref<1x128xi32, #tpu.memory_space<vmem>> -> memref<128xi32, #tpu.memory_space<vmem>>
        %dma_wait3A_239 = arith.constant 0 : i32
        %dma_wait3A_240 = arith.constant 0 : i32
        %dma_wait3A_241 = tpu.memref_slice %arg12[%dma_wait3A_239, %dma_wait3A_240] : memref<10240x64xf32, #tpu.memory_space<vmem_shared>> -> memref<10240x64xf32, #tpu.memory_space<vmem_shared>>
        tpu.wait_indirect_dma semaphore(%run_scoped3A_221 : memref<!tpu.dma_semaphore, #tpu.memory_space<semaphore_mem>>) src(%dma_wait3A_235 : memref<128x64xf32, #tpu.memory_space<vmem>>) dst(%dma_wait3A_241 : memref<10240x64xf32, #tpu.memory_space<vmem_shared>>)
        tpu.yield
      }) : () -> ()
      %mul3A_142 = arith.constant 4 : i32
      %mul3A_143 = arith.muli %scan3A_115, %mul3A_142 : i32
      %add3A_144 = arith.constant 1 : i32
      %add3A_145 = arith.addi %mul3A_143, %add3A_144 : i32
      %dma_wait3A_146 = arith.constant 1 : i32
      %dma_wait3A_147 = arith.constant 1 : i32
      %dma_wait3A_148 = arith.constant 0 : i32
      %dma_wait3A_149 = arith.constant 0 : i32
      %dma_wait3A_150 = tpu.memref_slice %arg8[%dma_wait3A_147, %dma_wait3A_148, %dma_wait3A_149] : memref<4x128x64xf32, #tpu.memory_space<vmem>> -> memref<1x128x64xf32, #tpu.memory_space<vmem>>
      %dma_wait3A_151 = tpu.memref_squeeze %dma_wait3A_150 : memref<1x128x64xf32, #tpu.memory_space<vmem>> -> memref<128x64xf32, #tpu.memory_space<vmem>>
      %dma_wait3A_152 = arith.constant 0 : i32
      %dma_wait3A_153 = tpu.memref_slice %arg9[%dma_wait3A_146, %dma_wait3A_152] : memref<81x128xi32, #tpu.memory_space<vmem>> -> memref<1x128xi32, #tpu.memory_space<vmem>>
      %dma_wait3A_154 = tpu.memref_squeeze %dma_wait3A_153 : memref<1x128xi32, #tpu.memory_space<vmem>> -> memref<128xi32, #tpu.memory_space<vmem>>
      %dma_wait3A_155 = arith.constant 0 : i32
      %dma_wait3A_156 = arith.constant 0 : i32
      %dma_wait3A_157 = tpu.memref_slice %arg2[%dma_wait3A_155, %dma_wait3A_156] : memref<10240x64xf32, #tpu.memory_space<hbm>> -> memref<10240x64xf32, #tpu.memory_space<hbm>>
      tpu.wait_indirect_dma semaphore(%arg11 : memref<!tpu.dma_semaphore, #tpu.memory_space<semaphore_mem>>) src(%dma_wait3A_157 : memref<10240x64xf32, #tpu.memory_space<hbm>>) dst(%dma_wait3A_151 : memref<128x64xf32, #tpu.memory_space<vmem>>)
      %add3A_158 = arith.constant 4 : i32
      %add3A_159 = arith.addi %add3A_145, %add3A_158 : i32
      %sub3A_160 = arith.constant 1 : i32
      %sub3A_161 = arith.subi %add3A_159, %sub3A_160 : i32
      %lt3A_162 = arith.constant 81 : i32
      %lt3A_163 = arith.cmpi slt, %sub3A_161, %lt3A_162 : i32
      %convert_element_type3A_164 = arith.extui %lt3A_163 : i1 to i32
      %cond3A_165 = arith.constant 0 : i32
      %cond3A_166 = arith.cmpi ne, %convert_element_type3A_164, %cond3A_165 : i32
      scf.if %cond3A_166 {
        %dma_start3A_221 = arith.constant 0 : i32
        %dma_start3A_222 = arith.constant 0 : i32
        %dma_start3A_223 = arith.constant 0 : i32
        %dma_start3A_224 = tpu.memref_slice %arg8[%dma_start3A_221, %dma_start3A_222, %dma_start3A_223] : memref<4x128x64xf32, #tpu.memory_space<vmem>> -> memref<1x128x64xf32, #tpu.memory_space<vmem>>
        %dma_start3A_225 = tpu.memref_squeeze %dma_start3A_224 : memref<1x128x64xf32, #tpu.memory_space<vmem>> -> memref<128x64xf32, #tpu.memory_space<vmem>>
        %dma_start3A_226 = arith.constant 0 : i32
        %dma_start3A_227 = tpu.memref_slice %arg9[%sub3A_161, %dma_start3A_226] : memref<81x128xi32, #tpu.memory_space<vmem>> -> memref<1x128xi32, #tpu.memory_space<vmem>>
        %dma_start3A_228 = tpu.memref_squeeze %dma_start3A_227 : memref<1x128xi32, #tpu.memory_space<vmem>> -> memref<128xi32, #tpu.memory_space<vmem>>
        %dma_start3A_229 = arith.constant 0 : i32
        %dma_start3A_230 = arith.constant 0 : i32
        %dma_start3A_231 = tpu.memref_slice %arg2[%dma_start3A_229, %dma_start3A_230] : memref<10240x64xf32, #tpu.memory_space<hbm>> -> memref<10240x64xf32, #tpu.memory_space<hbm>>
        tpu.enqueue_indirect_dma source(%dma_start3A_231 : memref<10240x64xf32, #tpu.memory_space<hbm>>) target(%dma_start3A_225 : memref<128x64xf32, #tpu.memory_space<vmem>>) offsets(%dma_start3A_228 : memref<128xi32, #tpu.memory_space<vmem>>) semaphore(%arg11 : memref<!tpu.dma_semaphore, #tpu.memory_space<semaphore_mem>>)
      } else {
      }
      %run_scoped3A_167 = arith.constant 1 : i32
      "tpu.region"() ({
        %run_scoped3A_221 = tpu.sem_alloc : memref<!tpu.dma_semaphore, #tpu.memory_space<semaphore_mem>>
        %dma_start3A_222 = arith.constant 0 : i32
        %dma_start3A_223 = arith.constant 0 : i32
        %dma_start3A_224 = tpu.memref_slice %arg8[%run_scoped3A_167, %dma_start3A_222, %dma_start3A_223] : memref<4x128x64xf32, #tpu.memory_space<vmem>> -> memref<1x128x64xf32, #tpu.memory_space<vmem>>
        %dma_start3A_225 = tpu.memref_squeeze %dma_start3A_224 : memref<1x128x64xf32, #tpu.memory_space<vmem>> -> memref<128x64xf32, #tpu.memory_space<vmem>>
        %dma_start3A_226 = arith.constant 0 : i32
        %dma_start3A_227 = tpu.memref_slice %arg10[%add3A_145, %dma_start3A_226] : memref<81x128xi32, #tpu.memory_space<vmem>> -> memref<1x128xi32, #tpu.memory_space<vmem>>
        %dma_start3A_228 = tpu.memref_squeeze %dma_start3A_227 : memref<1x128xi32, #tpu.memory_space<vmem>> -> memref<128xi32, #tpu.memory_space<vmem>>
        %dma_start3A_229 = arith.constant 0 : i32
        %dma_start3A_230 = arith.constant 0 : i32
        %dma_start3A_231 = tpu.memref_slice %arg12[%dma_start3A_229, %dma_start3A_230] : memref<10240x64xf32, #tpu.memory_space<vmem_shared>> -> memref<10240x64xf32, #tpu.memory_space<vmem_shared>>
        tpu.enqueue_indirect_dma source(%dma_start3A_225 : memref<128x64xf32, #tpu.memory_space<vmem>>) target(%dma_start3A_231 : memref<10240x64xf32, #tpu.memory_space<vmem_shared>>) offsets(%dma_start3A_228 : memref<128xi32, #tpu.memory_space<vmem>>) semaphore(%run_scoped3A_221 : memref<!tpu.dma_semaphore, #tpu.memory_space<semaphore_mem>>) {add = true}
        %dma_wait3A_232 = arith.constant 0 : i32
        %dma_wait3A_233 = arith.constant 0 : i32
        %dma_wait3A_234 = tpu.memref_slice %arg8[%run_scoped3A_167, %dma_wait3A_232, %dma_wait3A_233] : memref<4x128x64xf32, #tpu.memory_space<vmem>> -> memref<1x128x64xf32, #tpu.memory_space<vmem>>
        %dma_wait3A_235 = tpu.memref_squeeze %dma_wait3A_234 : memref<1x128x64xf32, #tpu.memory_space<vmem>> -> memref<128x64xf32, #tpu.memory_space<vmem>>
        %dma_wait3A_236 = arith.constant 0 : i32
        %dma_wait3A_237 = tpu.memref_slice %arg10[%add3A_145, %dma_wait3A_236] : memref<81x128xi32, #tpu.memory_space<vmem>> -> memref<1x128xi32, #tpu.memory_space<vmem>>
        %dma_wait3A_238 = tpu.memref_squeeze %dma_wait3A_237 : memref<1x128xi32, #tpu.memory_space<vmem>> -> memref<128xi32, #tpu.memory_space<vmem>>
        %dma_wait3A_239 = arith.constant 0 : i32
        %dma_wait3A_240 = arith.constant 0 : i32
        %dma_wait3A_241 = tpu.memref_slice %arg12[%dma_wait3A_239, %dma_wait3A_240] : memref<10240x64xf32, #tpu.memory_space<vmem_shared>> -> memref<10240x64xf32, #tpu.memory_space<vmem_shared>>
        tpu.wait_indirect_dma semaphore(%run_scoped3A_221 : memref<!tpu.dma_semaphore, #tpu.memory_space<semaphore_mem>>) src(%dma_wait3A_235 : memref<128x64xf32, #tpu.memory_space<vmem>>) dst(%dma_wait3A_241 : memref<10240x64xf32, #tpu.memory_space<vmem_shared>>)
        tpu.yield
      }) : () -> ()
      %mul3A_168 = arith.constant 4 : i32
      %mul3A_169 = arith.muli %scan3A_115, %mul3A_168 : i32
      %add3A_170 = arith.constant 2 : i32
      %add3A_171 = arith.addi %mul3A_169, %add3A_170 : i32
      %dma_wait3A_172 = arith.constant 2 : i32
      %dma_wait3A_173 = arith.constant 2 : i32
      %dma_wait3A_174 = arith.constant 0 : i32
      %dma_wait3A_175 = arith.constant 0 : i32
      %dma_wait3A_176 = tpu.memref_slice %arg8[%dma_wait3A_173, %dma_wait3A_174, %dma_wait3A_175] : memref<4x128x64xf32, #tpu.memory_space<vmem>> -> memref<1x128x64xf32, #tpu.memory_space<vmem>>
      %dma_wait3A_177 = tpu.memref_squeeze %dma_wait3A_176 : memref<1x128x64xf32, #tpu.memory_space<vmem>> -> memref<128x64xf32, #tpu.memory_space<vmem>>
      %dma_wait3A_178 = arith.constant 0 : i32
      %dma_wait3A_179 = tpu.memref_slice %arg9[%dma_wait3A_172, %dma_wait3A_178] : memref<81x128xi32, #tpu.memory_space<vmem>> -> memref<1x128xi32, #tpu.memory_space<vmem>>
      %dma_wait3A_180 = tpu.memref_squeeze %dma_wait3A_179 : memref<1x128xi32, #tpu.memory_space<vmem>> -> memref<128xi32, #tpu.memory_space<vmem>>
      %dma_wait3A_181 = arith.constant 0 : i32
      %dma_wait3A_182 = arith.constant 0 : i32
      %dma_wait3A_183 = tpu.memref_slice %arg2[%dma_wait3A_181, %dma_wait3A_182] : memref<10240x64xf32, #tpu.memory_space<hbm>> -> memref<10240x64xf32, #tpu.memory_space<hbm>>
      tpu.wait_indirect_dma semaphore(%arg11 : memref<!tpu.dma_semaphore, #tpu.memory_space<semaphore_mem>>) src(%dma_wait3A_183 : memref<10240x64xf32, #tpu.memory_space<hbm>>) dst(%dma_wait3A_177 : memref<128x64xf32, #tpu.memory_space<vmem>>)
      %add3A_184 = arith.constant 4 : i32
      %add3A_185 = arith.addi %add3A_171, %add3A_184 : i32
      %sub3A_186 = arith.constant 1 : i32
      %sub3A_187 = arith.subi %add3A_185, %sub3A_186 : i32
      %lt3A_188 = arith.constant 81 : i32
      %lt3A_189 = arith.cmpi slt, %sub3A_187, %lt3A_188 : i32
      %convert_element_type3A_190 = arith.extui %lt3A_189 : i1 to i32
      %cond3A_191 = arith.constant 0 : i32
      %cond3A_192 = arith.cmpi ne, %convert_element_type3A_190, %cond3A_191 : i32
      scf.if %cond3A_192 {
        %dma_start3A_221 = arith.constant 1 : i32
        %dma_start3A_222 = arith.constant 0 : i32
        %dma_start3A_223 = arith.constant 0 : i32
        %dma_start3A_224 = tpu.memref_slice %arg8[%dma_start3A_221, %dma_start3A_222, %dma_start3A_223] : memref<4x128x64xf32, #tpu.memory_space<vmem>> -> memref<1x128x64xf32, #tpu.memory_space<vmem>>
        %dma_start3A_225 = tpu.memref_squeeze %dma_start3A_224 : memref<1x128x64xf32, #tpu.memory_space<vmem>> -> memref<128x64xf32, #tpu.memory_space<vmem>>
        %dma_start3A_226 = arith.constant 0 : i32
        %dma_start3A_227 = tpu.memref_slice %arg9[%sub3A_187, %dma_start3A_226] : memref<81x128xi32, #tpu.memory_space<vmem>> -> memref<1x128xi32, #tpu.memory_space<vmem>>
        %dma_start3A_228 = tpu.memref_squeeze %dma_start3A_227 : memref<1x128xi32, #tpu.memory_space<vmem>> -> memref<128xi32, #tpu.memory_space<vmem>>
        %dma_start3A_229 = arith.constant 0 : i32
        %dma_start3A_230 = arith.constant 0 : i32
        %dma_start3A_231 = tpu.memref_slice %arg2[%dma_start3A_229, %dma_start3A_230] : memref<10240x64xf32, #tpu.memory_space<hbm>> -> memref<10240x64xf32, #tpu.memory_space<hbm>>
        tpu.enqueue_indirect_dma source(%dma_start3A_231 : memref<10240x64xf32, #tpu.memory_space<hbm>>) target(%dma_start3A_225 : memref<128x64xf32, #tpu.memory_space<vmem>>) offsets(%dma_start3A_228 : memref<128xi32, #tpu.memory_space<vmem>>) semaphore(%arg11 : memref<!tpu.dma_semaphore, #tpu.memory_space<semaphore_mem>>)
      } else {
      }
      %run_scoped3A_193 = arith.constant 2 : i32
      "tpu.region"() ({
        %run_scoped3A_221 = tpu.sem_alloc : memref<!tpu.dma_semaphore, #tpu.memory_space<semaphore_mem>>
        %dma_start3A_222 = arith.constant 0 : i32
        %dma_start3A_223 = arith.constant 0 : i32
        %dma_start3A_224 = tpu.memref_slice %arg8[%run_scoped3A_193, %dma_start3A_222, %dma_start3A_223] : memref<4x128x64xf32, #tpu.memory_space<vmem>> -> memref<1x128x64xf32, #tpu.memory_space<vmem>>
        %dma_start3A_225 = tpu.memref_squeeze %dma_start3A_224 : memref<1x128x64xf32, #tpu.memory_space<vmem>> -> memref<128x64xf32, #tpu.memory_space<vmem>>
        %dma_start3A_226 = arith.constant 0 : i32
        %dma_start3A_227 = tpu.memref_slice %arg10[%add3A_171, %dma_start3A_226] : memref<81x128xi32, #tpu.memory_space<vmem>> -> memref<1x128xi32, #tpu.memory_space<vmem>>
        %dma_start3A_228 = tpu.memref_squeeze %dma_start3A_227 : memref<1x128xi32, #tpu.memory_space<vmem>> -> memref<128xi32, #tpu.memory_space<vmem>>
        %dma_start3A_229 = arith.constant 0 : i32
        %dma_start3A_230 = arith.constant 0 : i32
        %dma_start3A_231 = tpu.memref_slice %arg12[%dma_start3A_229, %dma_start3A_230] : memref<10240x64xf32, #tpu.memory_space<vmem_shared>> -> memref<10240x64xf32, #tpu.memory_space<vmem_shared>>
        tpu.enqueue_indirect_dma source(%dma_start3A_225 : memref<128x64xf32, #tpu.memory_space<vmem>>) target(%dma_start3A_231 : memref<10240x64xf32, #tpu.memory_space<vmem_shared>>) offsets(%dma_start3A_228 : memref<128xi32, #tpu.memory_space<vmem>>) semaphore(%run_scoped3A_221 : memref<!tpu.dma_semaphore, #tpu.memory_space<semaphore_mem>>) {add = true}
        %dma_wait3A_232 = arith.constant 0 : i32
        %dma_wait3A_233 = arith.constant 0 : i32
        %dma_wait3A_234 = tpu.memref_slice %arg8[%run_scoped3A_193, %dma_wait3A_232, %dma_wait3A_233] : memref<4x128x64xf32, #tpu.memory_space<vmem>> -> memref<1x128x64xf32, #tpu.memory_space<vmem>>
        %dma_wait3A_235 = tpu.memref_squeeze %dma_wait3A_234 : memref<1x128x64xf32, #tpu.memory_space<vmem>> -> memref<128x64xf32, #tpu.memory_space<vmem>>
        %dma_wait3A_236 = arith.constant 0 : i32
        %dma_wait3A_237 = tpu.memref_slice %arg10[%add3A_171, %dma_wait3A_236] : memref<81x128xi32, #tpu.memory_space<vmem>> -> memref<1x128xi32, #tpu.memory_space<vmem>>
        %dma_wait3A_238 = tpu.memref_squeeze %dma_wait3A_237 : memref<1x128xi32, #tpu.memory_space<vmem>> -> memref<128xi32, #tpu.memory_space<vmem>>
        %dma_wait3A_239 = arith.constant 0 : i32
        %dma_wait3A_240 = arith.constant 0 : i32
        %dma_wait3A_241 = tpu.memref_slice %arg12[%dma_wait3A_239, %dma_wait3A_240] : memref<10240x64xf32, #tpu.memory_space<vmem_shared>> -> memref<10240x64xf32, #tpu.memory_space<vmem_shared>>
        tpu.wait_indirect_dma semaphore(%run_scoped3A_221 : memref<!tpu.dma_semaphore, #tpu.memory_space<semaphore_mem>>) src(%dma_wait3A_235 : memref<128x64xf32, #tpu.memory_space<vmem>>) dst(%dma_wait3A_241 : memref<10240x64xf32, #tpu.memory_space<vmem_shared>>)
        tpu.yield
      }) : () -> ()
      %mul3A_194 = arith.constant 4 : i32
      %mul3A_195 = arith.muli %scan3A_115, %mul3A_194 : i32
      %add3A_196 = arith.constant 3 : i32
      %add3A_197 = arith.addi %mul3A_195, %add3A_196 : i32
      %dma_wait3A_198 = arith.constant 3 : i32
      %dma_wait3A_199 = arith.constant 3 : i32
      %dma_wait3A_200 = arith.constant 0 : i32
      %dma_wait3A_201 = arith.constant 0 : i32
      %dma_wait3A_202 = tpu.memref_slice %arg8[%dma_wait3A_199, %dma_wait3A_200, %dma_wait3A_201] : memref<4x128x64xf32, #tpu.memory_space<vmem>> -> memref<1x128x64xf32, #tpu.memory_space<vmem>>
      %dma_wait3A_203 = tpu.memref_squeeze %dma_wait3A_202 : memref<1x128x64xf32, #tpu.memory_space<vmem>> -> memref<128x64xf32, #tpu.memory_space<vmem>>
      %dma_wait3A_204 = arith.constant 0 : i32
      %dma_wait3A_205 = tpu.memref_slice %arg9[%dma_wait3A_198, %dma_wait3A_204] : memref<81x128xi32, #tpu.memory_space<vmem>> -> memref<1x128xi32, #tpu.memory_space<vmem>>
      %dma_wait3A_206 = tpu.memref_squeeze %dma_wait3A_205 : memref<1x128xi32, #tpu.memory_space<vmem>> -> memref<128xi32, #tpu.memory_space<vmem>>
      %dma_wait3A_207 = arith.constant 0 : i32
      %dma_wait3A_208 = arith.constant 0 : i32
      %dma_wait3A_209 = tpu.memref_slice %arg2[%dma_wait3A_207, %dma_wait3A_208] : memref<10240x64xf32, #tpu.memory_space<hbm>> -> memref<10240x64xf32, #tpu.memory_space<hbm>>
      tpu.wait_indirect_dma semaphore(%arg11 : memref<!tpu.dma_semaphore, #tpu.memory_space<semaphore_mem>>) src(%dma_wait3A_209 : memref<10240x64xf32, #tpu.memory_space<hbm>>) dst(%dma_wait3A_203 : memref<128x64xf32, #tpu.memory_space<vmem>>)
      %add3A_210 = arith.constant 4 : i32
      %add3A_211 = arith.addi %add3A_197, %add3A_210 : i32
      %sub3A_212 = arith.constant 1 : i32
      %sub3A_213 = arith.subi %add3A_211, %sub3A_212 : i32
      %lt3A_214 = arith.constant 81 : i32
      %lt3A_215 = arith.cmpi slt, %sub3A_213, %lt3A_214 : i32
      %convert_element_type3A_216 = arith.extui %lt3A_215 : i1 to i32
      %cond3A_217 = arith.constant 0 : i32
      %cond3A_218 = arith.cmpi ne, %convert_element_type3A_216, %cond3A_217 : i32
      scf.if %cond3A_218 {
        %dma_start3A_221 = arith.constant 2 : i32
        %dma_start3A_222 = arith.constant 0 : i32
        %dma_start3A_223 = arith.constant 0 : i32
        %dma_start3A_224 = tpu.memref_slice %arg8[%dma_start3A_221, %dma_start3A_222, %dma_start3A_223] : memref<4x128x64xf32, #tpu.memory_space<vmem>> -> memref<1x128x64xf32, #tpu.memory_space<vmem>>
        %dma_start3A_225 = tpu.memref_squeeze %dma_start3A_224 : memref<1x128x64xf32, #tpu.memory_space<vmem>> -> memref<128x64xf32, #tpu.memory_space<vmem>>
        %dma_start3A_226 = arith.constant 0 : i32
        %dma_start3A_227 = tpu.memref_slice %arg9[%sub3A_213, %dma_start3A_226] : memref<81x128xi32, #tpu.memory_space<vmem>> -> memref<1x128xi32, #tpu.memory_space<vmem>>
        %dma_start3A_228 = tpu.memref_squeeze %dma_start3A_227 : memref<1x128xi32, #tpu.memory_space<vmem>> -> memref<128xi32, #tpu.memory_space<vmem>>
        %dma_start3A_229 = arith.constant 0 : i32
        %dma_start3A_230 = arith.constant 0 : i32
        %dma_start3A_231 = tpu.memref_slice %arg2[%dma_start3A_229, %dma_start3A_230] : memref<10240x64xf32, #tpu.memory_space<hbm>> -> memref<10240x64xf32, #tpu.memory_space<hbm>>
        tpu.enqueue_indirect_dma source(%dma_start3A_231 : memref<10240x64xf32, #tpu.memory_space<hbm>>) target(%dma_start3A_225 : memref<128x64xf32, #tpu.memory_space<vmem>>) offsets(%dma_start3A_228 : memref<128xi32, #tpu.memory_space<vmem>>) semaphore(%arg11 : memref<!tpu.dma_semaphore, #tpu.memory_space<semaphore_mem>>)
      } else {
      }
      %run_scoped3A_219 = arith.constant 3 : i32
      "tpu.region"() ({
        %run_scoped3A_221 = tpu.sem_alloc : memref<!tpu.dma_semaphore, #tpu.memory_space<semaphore_mem>>
        %dma_start3A_222 = arith.constant 0 : i32
        %dma_start3A_223 = arith.constant 0 : i32
        %dma_start3A_224 = tpu.memref_slice %arg8[%run_scoped3A_219, %dma_start3A_222, %dma_start3A_223] : memref<4x128x64xf32, #tpu.memory_space<vmem>> -> memref<1x128x64xf32, #tpu.memory_space<vmem>>
        %dma_start3A_225 = tpu.memref_squeeze %dma_start3A_224 : memref<1x128x64xf32, #tpu.memory_space<vmem>> -> memref<128x64xf32, #tpu.memory_space<vmem>>
        %dma_start3A_226 = arith.constant 0 : i32
        %dma_start3A_227 = tpu.memref_slice %arg10[%add3A_197, %dma_start3A_226] : memref<81x128xi32, #tpu.memory_space<vmem>> -> memref<1x128xi32, #tpu.memory_space<vmem>>
        %dma_start3A_228 = tpu.memref_squeeze %dma_start3A_227 : memref<1x128xi32, #tpu.memory_space<vmem>> -> memref<128xi32, #tpu.memory_space<vmem>>
        %dma_start3A_229 = arith.constant 0 : i32
        %dma_start3A_230 = arith.constant 0 : i32
        %dma_start3A_231 = tpu.memref_slice %arg12[%dma_start3A_229, %dma_start3A_230] : memref<10240x64xf32, #tpu.memory_space<vmem_shared>> -> memref<10240x64xf32, #tpu.memory_space<vmem_shared>>
        tpu.enqueue_indirect_dma source(%dma_start3A_225 : memref<128x64xf32, #tpu.memory_space<vmem>>) target(%dma_start3A_231 : memref<10240x64xf32, #tpu.memory_space<vmem_shared>>) offsets(%dma_start3A_228 : memref<128xi32, #tpu.memory_space<vmem>>) semaphore(%run_scoped3A_221 : memref<!tpu.dma_semaphore, #tpu.memory_space<semaphore_mem>>) {add = true}
        %dma_wait3A_232 = arith.constant 0 : i32
        %dma_wait3A_233 = arith.constant 0 : i32
        %dma_wait3A_234 = tpu.memref_slice %arg8[%run_scoped3A_219, %dma_wait3A_232, %dma_wait3A_233] : memref<4x128x64xf32, #tpu.memory_space<vmem>> -> memref<1x128x64xf32, #tpu.memory_space<vmem>>
        %dma_wait3A_235 = tpu.memref_squeeze %dma_wait3A_234 : memref<1x128x64xf32, #tpu.memory_space<vmem>> -> memref<128x64xf32, #tpu.memory_space<vmem>>
        %dma_wait3A_236 = arith.constant 0 : i32
        %dma_wait3A_237 = tpu.memref_slice %arg10[%add3A_197, %dma_wait3A_236] : memref<81x128xi32, #tpu.memory_space<vmem>> -> memref<1x128xi32, #tpu.memory_space<vmem>>
        %dma_wait3A_238 = tpu.memref_squeeze %dma_wait3A_237 : memref<1x128xi32, #tpu.memory_space<vmem>> -> memref<128xi32, #tpu.memory_space<vmem>>
        %dma_wait3A_239 = arith.constant 0 : i32
        %dma_wait3A_240 = arith.constant 0 : i32
        %dma_wait3A_241 = tpu.memref_slice %arg12[%dma_wait3A_239, %dma_wait3A_240] : memref<10240x64xf32, #tpu.memory_space<vmem_shared>> -> memref<10240x64xf32, #tpu.memory_space<vmem_shared>>
        tpu.wait_indirect_dma semaphore(%run_scoped3A_221 : memref<!tpu.dma_semaphore, #tpu.memory_space<semaphore_mem>>) src(%dma_wait3A_235 : memref<128x64xf32, #tpu.memory_space<vmem>>) dst(%dma_wait3A_241 : memref<10240x64xf32, #tpu.memory_space<vmem_shared>>)
        tpu.yield
      }) : () -> ()
      %scan3A_220 = arith.constant 0 : i32
      scf.yield %scan3A_220 : i32
    }
    %scan3A_94 = arith.constant 20 : i32
    %dma_wait3A = arith.constant 0 : i32
    %dma_wait3A_95 = arith.constant 0 : i32
    %dma_wait3A_96 = arith.constant 0 : i32
    %dma_wait3A_97 = arith.constant 0 : i32
    %dma_wait3A_98 = tpu.memref_slice %arg8[%dma_wait3A_95, %dma_wait3A_96, %dma_wait3A_97] : memref<4x128x64xf32, #tpu.memory_space<vmem>> -> memref<1x128x64xf32, #tpu.memory_space<vmem>>
    %dma_wait3A_99 = tpu.memref_squeeze %dma_wait3A_98 : memref<1x128x64xf32, #tpu.memory_space<vmem>> -> memref<128x64xf32, #tpu.memory_space<vmem>>
    %dma_wait3A_100 = arith.constant 0 : i32
    %dma_wait3A_101 = tpu.memref_slice %arg9[%dma_wait3A, %dma_wait3A_100] : memref<81x128xi32, #tpu.memory_space<vmem>> -> memref<1x128xi32, #tpu.memory_space<vmem>>
    %dma_wait3A_102 = tpu.memref_squeeze %dma_wait3A_101 : memref<1x128xi32, #tpu.memory_space<vmem>> -> memref<128xi32, #tpu.memory_space<vmem>>
    %dma_wait3A_103 = arith.constant 0 : i32
    %dma_wait3A_104 = arith.constant 0 : i32
    %dma_wait3A_105 = tpu.memref_slice %arg2[%dma_wait3A_103, %dma_wait3A_104] : memref<10240x64xf32, #tpu.memory_space<hbm>> -> memref<10240x64xf32, #tpu.memory_space<hbm>>
    tpu.wait_indirect_dma semaphore(%arg11 : memref<!tpu.dma_semaphore, #tpu.memory_space<semaphore_mem>>) src(%dma_wait3A_105 : memref<10240x64xf32, #tpu.memory_space<hbm>>) dst(%dma_wait3A_99 : memref<128x64xf32, #tpu.memory_space<vmem>>)
    %run_scoped3A = arith.constant 0 : i32
    %run_scoped3A_106 = arith.constant 80 : i32
    "tpu.region"() ({
      %run_scoped3A_115 = tpu.sem_alloc : memref<!tpu.dma_semaphore, #tpu.memory_space<semaphore_mem>>
      %dma_start3A_116 = arith.constant 0 : i32
      %dma_start3A_117 = arith.constant 0 : i32
      %dma_start3A_118 = tpu.memref_slice %arg8[%run_scoped3A, %dma_start3A_116, %dma_start3A_117] : memref<4x128x64xf32, #tpu.memory_space<vmem>> -> memref<1x128x64xf32, #tpu.memory_space<vmem>>
      %dma_start3A_119 = tpu.memref_squeeze %dma_start3A_118 : memref<1x128x64xf32, #tpu.memory_space<vmem>> -> memref<128x64xf32, #tpu.memory_space<vmem>>
      %dma_start3A_120 = arith.constant 0 : i32
      %dma_start3A_121 = tpu.memref_slice %arg10[%run_scoped3A_106, %dma_start3A_120] : memref<81x128xi32, #tpu.memory_space<vmem>> -> memref<1x128xi32, #tpu.memory_space<vmem>>
      %dma_start3A_122 = tpu.memref_squeeze %dma_start3A_121 : memref<1x128xi32, #tpu.memory_space<vmem>> -> memref<128xi32, #tpu.memory_space<vmem>>
      %dma_start3A_123 = arith.constant 0 : i32
      %dma_start3A_124 = arith.constant 0 : i32
      %dma_start3A_125 = tpu.memref_slice %arg12[%dma_start3A_123, %dma_start3A_124] : memref<10240x64xf32, #tpu.memory_space<vmem_shared>> -> memref<10240x64xf32, #tpu.memory_space<vmem_shared>>
      tpu.enqueue_indirect_dma source(%dma_start3A_119 : memref<128x64xf32, #tpu.memory_space<vmem>>) target(%dma_start3A_125 : memref<10240x64xf32, #tpu.memory_space<vmem_shared>>) offsets(%dma_start3A_122 : memref<128xi32, #tpu.memory_space<vmem>>) semaphore(%run_scoped3A_115 : memref<!tpu.dma_semaphore, #tpu.memory_space<semaphore_mem>>) {add = true}
      %dma_wait3A_126 = arith.constant 0 : i32
      %dma_wait3A_127 = arith.constant 0 : i32
      %dma_wait3A_128 = tpu.memref_slice %arg8[%run_scoped3A, %dma_wait3A_126, %dma_wait3A_127] : memref<4x128x64xf32, #tpu.memory_space<vmem>> -> memref<1x128x64xf32, #tpu.memory_space<vmem>>
      %dma_wait3A_129 = tpu.memref_squeeze %dma_wait3A_128 : memref<1x128x64xf32, #tpu.memory_space<vmem>> -> memref<128x64xf32, #tpu.memory_space<vmem>>
      %dma_wait3A_130 = arith.constant 0 : i32
      %dma_wait3A_131 = tpu.memref_slice %arg10[%run_scoped3A_106, %dma_wait3A_130] : memref<81x128xi32, #tpu.memory_space<vmem>> -> memref<1x128xi32, #tpu.memory_space<vmem>>
      %dma_wait3A_132 = tpu.memref_squeeze %dma_wait3A_131 : memref<1x128xi32, #tpu.memory_space<vmem>> -> memref<128xi32, #tpu.memory_space<vmem>>
      %dma_wait3A_133 = arith.constant 0 : i32
      %dma_wait3A_134 = arith.constant 0 : i32
      %dma_wait3A_135 = tpu.memref_slice %arg12[%dma_wait3A_133, %dma_wait3A_134] : memref<10240x64xf32, #tpu.memory_space<vmem_shared>> -> memref<10240x64xf32, #tpu.memory_space<vmem_shared>>
      tpu.wait_indirect_dma semaphore(%run_scoped3A_115 : memref<!tpu.dma_semaphore, #tpu.memory_space<semaphore_mem>>) src(%dma_wait3A_129 : memref<128x64xf32, #tpu.memory_space<vmem>>) dst(%dma_wait3A_135 : memref<10240x64xf32, #tpu.memory_space<vmem_shared>>)
      tpu.yield
    }) : () -> ()
    %barrier3A_107 = arith.constant 0 : index
    tpu.barrier barrier_id(%barrier3A_107)
    %mul3A_108 = arith.constant 640 : i32
    %mul3A_109 = arith.muli %arg1, %mul3A_108 : i32
    %mul3A_110 = arith.constant 10240 : i32
    %mul3A_111 = arith.muli %arg0, %mul3A_110 : i32
    %mul3A_112 = arith.constant 640 : i32
    %mul3A_113 = arith.muli %arg1, %mul3A_112 : i32
    %add3A_114 = arith.addi %mul3A_111, %mul3A_113 : i32
    "tpu.region"() ({
      %run_scoped3A_115 = tpu.sem_alloc : memref<!tpu.dma_semaphore, #tpu.memory_space<semaphore_mem>>
      %dma_start3A_116 = arith.constant 0 : i32
      %dma_start3A_117 = tpu.memref_slice %arg6[%add3A_114, %dma_start3A_116] : memref<20480x64xf32, #tpu.memory_space<hbm>> -> memref<640x64xf32, #tpu.memory_space<hbm>>
      %dma_start3A_118 = arith.constant 0 : i32
      %dma_start3A_119 = tpu.memref_slice %arg12[%mul3A_109, %dma_start3A_118] : memref<10240x64xf32, #tpu.memory_space<vmem_shared>> -> memref<640x64xf32, #tpu.memory_space<vmem_shared>>
      tpu.enqueue_dma source(%dma_start3A_119 : memref<640x64xf32, #tpu.memory_space<vmem_shared>>) target(%dma_start3A_117 : memref<640x64xf32, #tpu.memory_space<hbm>>) target_semaphore(%run_scoped3A_115 : memref<!tpu.dma_semaphore, #tpu.memory_space<semaphore_mem>>)
      %dma_wait3A_120 = arith.constant 0 : i32
      %dma_wait3A_121 = tpu.memref_slice %arg6[%add3A_114, %dma_wait3A_120] : memref<20480x64xf32, #tpu.memory_space<hbm>> -> memref<640x64xf32, #tpu.memory_space<hbm>>
      %dma_wait3A_122 = arith.constant 0 : i32
      %dma_wait3A_123 = tpu.memref_slice %arg12[%mul3A_109, %dma_wait3A_122] : memref<10240x64xf32, #tpu.memory_space<vmem_shared>> -> memref<640x64xf32, #tpu.memory_space<vmem_shared>>
      tpu.wait_dma2 semaphore(%run_scoped3A_115 : memref<!tpu.dma_semaphore, #tpu.memory_space<semaphore_mem>>) src(%dma_wait3A_123 : memref<640x64xf32, #tpu.memory_space<vmem_shared>>) dst(%dma_wait3A_121 : memref<640x64xf32, #tpu.memory_space<hbm>>)
      tpu.yield
    }) : () -> ()
    return
  }
}

#map = affine_map<(d0, d1) -> (0, 0)>
module attributes {stable_mosaic.version = 14 : i64} {
  func.func @_agg_kernel(%arg0: i32, %arg1: i32, %arg2: memref<10240x64xf32, #tpu.memory_space<hbm>>, %arg3: memref<2500x128xi32, #tpu.memory_space<hbm>>, %arg4: memref<2500x128xi32, #tpu.memory_space<hbm>>, %arg5: memref<92x128xi32, #tpu.memory_space<hbm>>, %arg6: memref<20480x64xf32, #tpu.memory_space<hbm>>, %arg7: memref<128x64xf32, #tpu.memory_space<vmem>>, %arg8: memref<4x128x64xf32, #tpu.memory_space<vmem>>, %arg9: memref<81x128xi32, #tpu.memory_space<vmem>>, %arg10: memref<81x128xi32, #tpu.memory_space<vmem>>, %arg11: memref<!tpu.dma_semaphore, #tpu.memory_space<semaphore_mem>>, %arg12: memref<10240x64xf32, #tpu.memory_space<vmem_shared>>) attributes {dimension_semantics = [#tpu.dimension_semantics<core_parallel>, #tpu.dimension_semantics<subcore_parallel>], iteration_bounds = array<i64: 2, 16>, scalar_prefetch = 0 : i64, scratch_operands = 6 : i64, tpu.core_type = #tpu.core_type<sc_vector_subcore>, window_params = [{transform_indices = #map}, {transform_indices = #map}, {transform_indices = #map}, {transform_indices = #map}, {transform_indices = #map}]} {
    %mul3A = arith.constant 16 : i32
    %mul3A_0 = arith.muli %arg0, %mul3A : i32
    %add3A = arith.addi %mul3A_0, %arg1 : i32
    %scan3A = arith.constant 0 : i32
    %scan3A_1 = arith.constant 0 : i32
    %scan3A_2 = arith.constant 128 : i32
    %scan3A_3 = arith.addi %scan3A_1, %scan3A_2 : i32
    %scan3A_4 = arith.constant 1 : i32
    %scan3A_5 = scf.for %scan3A_115 = %scan3A_1 to %scan3A_3 step %scan3A_4 iter_args(%scan3A_116 = %scan3A) -> (i32)  : i32 {
      %broadcast_in_dim3A = arith.constant 0.000000e+00 : f32
      %broadcast_in_dim3A_117 = vector.broadcast %broadcast_in_dim3A : f32 to vector<16xf32>
      %swap3A = arith.index_cast %scan3A_115 : i32 to index
      %swap3A_118 = arith.constant 0 : index
      %swap3A_119 = tpu.vector_load %arg7[%swap3A, %swap3A_118] {strides = array<i32>} : memref<128x64xf32, #tpu.memory_space<vmem>>, vector<1x16xf32>,
      %swap3A_120 = vector.shape_cast %swap3A_119 : vector<1x16xf32> to vector<16xf32>
      %swap3A_121 = vector.shape_cast %broadcast_in_dim3A_117 : vector<16xf32> to vector<1x16xf32>
      tpu.vector_store %arg7[%swap3A, %swap3A_118], %swap3A_121 {strides = array<i32>} : memref<128x64xf32, #tpu.memory_space<vmem>>, vector<1x16xf32>,
      %broadcast_in_dim3A_122 = arith.constant 0.000000e+00 : f32
      %broadcast_in_dim3A_123 = vector.broadcast %broadcast_in_dim3A_122 : f32 to vector<16xf32>
      %swap3A_124 = arith.index_cast %scan3A_115 : i32 to index
      %swap3A_125 = arith.constant 16 : index
      %swap3A_126 = tpu.vector_load %arg7[%swap3A_124, %swap3A_125] {strides = array<i32>} : memref<128x64xf32, #tpu.memory_space<vmem>>, vector<1x16xf32>,
      %swap3A_127 = vector.shape_cast %swap3A_126 : vector<1x16xf32> to vector<16xf32>
      %swap3A_128 = vector.shape_cast %broadcast_in_dim3A_123 : vector<16xf32> to vector<1x16xf32>
      tpu.vector_store %arg7[%swap3A_124, %swap3A_125], %swap3A_128 {strides = array<i32>} : memref<128x64xf32, #tpu.memory_space<vmem>>, vector<1x16xf32>,
      %broadcast_in_dim3A_129 = arith.constant 0.000000e+00 : f32
      %broadcast_in_dim3A_130 = vector.broadcast %broadcast_in_dim3A_129 : f32 to vector<16xf32>
      %swap3A_131 = arith.index_cast %scan3A_115 : i32 to index
      %swap3A_132 = arith.constant 32 : index
      %swap3A_133 = tpu.vector_load %arg7[%swap3A_131, %swap3A_132] {strides = array<i32>} : memref<128x64xf32, #tpu.memory_space<vmem>>, vector<1x16xf32>,
      %swap3A_134 = vector.shape_cast %swap3A_133 : vector<1x16xf32> to vector<16xf32>
      %swap3A_135 = vector.shape_cast %broadcast_in_dim3A_130 : vector<16xf32> to vector<1x16xf32>
      tpu.vector_store %arg7[%swap3A_131, %swap3A_132], %swap3A_135 {strides = array<i32>} : memref<128x64xf32, #tpu.memory_space<vmem>>, vector<1x16xf32>,
      %broadcast_in_dim3A_136 = arith.constant 0.000000e+00 : f32
      %broadcast_in_dim3A_137 = vector.broadcast %broadcast_in_dim3A_136 : f32 to vector<16xf32>
      %swap3A_138 = arith.index_cast %scan3A_115 : i32 to index
      %swap3A_139 = arith.constant 48 : index
      %swap3A_140 = tpu.vector_load %arg7[%swap3A_138, %swap3A_139] {strides = array<i32>} : memref<128x64xf32, #tpu.memory_space<vmem>>, vector<1x16xf32>,
      %swap3A_141 = vector.shape_cast %swap3A_140 : vector<1x16xf32> to vector<16xf32>
      %swap3A_142 = vector.shape_cast %broadcast_in_dim3A_137 : vector<16xf32> to vector<1x16xf32>
      tpu.vector_store %arg7[%swap3A_138, %swap3A_139], %swap3A_142 {strides = array<i32>} : memref<128x64xf32, #tpu.memory_space<vmem>>, vector<1x16xf32>,
      %scan3A_143 = arith.constant 0 : i32
      scf.yield %scan3A_143 : i32
    }
    %scan3A_6 = arith.constant 128 : i32
    %lt3A = arith.constant 30 : i32
    %lt3A_7 = arith.cmpi slt, %add3A, %lt3A : i32
    %convert_element_type3A = arith.extui %lt3A_7 : i1 to i32
    %cond3A = arith.constant 0 : i32
    %cond3A_8 = arith.cmpi ne, %convert_element_type3A, %cond3A : i32
    scf.if %cond3A_8 {
      %mul3A_115 = arith.constant 81 : i32
      %mul3A_116 = arith.muli %add3A, %mul3A_115 : i32
      "tpu.region"() ({
        %run_scoped3A_117 = tpu.sem_alloc : memref<!tpu.dma_semaphore, #tpu.memory_space<semaphore_mem>>
        %dma_start3A_118 = arith.constant 0 : i32
        %dma_start3A_119 = tpu.memref_slice %arg3[%mul3A_116, %dma_start3A_118] : memref<2500x128xi32, #tpu.memory_space<hbm>> -> memref<81x128xi32, #tpu.memory_space<hbm>>
        %dma_start3A_120 = arith.constant 0 : i32
        %dma_start3A_121 = tpu.memref_slice %arg3[%mul3A_116, %dma_start3A_120] : memref<2500x128xi32, #tpu.memory_space<hbm>> -> memref<81x128xi32, #tpu.memory_space<hbm>>
        tpu.enqueue_dma source(%dma_start3A_121 : memref<81x128xi32, #tpu.memory_space<hbm>>) target(%arg9 : memref<81x128xi32, #tpu.memory_space<vmem>>) target_semaphore(%run_scoped3A_117 : memref<!tpu.dma_semaphore, #tpu.memory_space<semaphore_mem>>)
        %dma_wait3A_122 = arith.constant 0 : i32
        %dma_wait3A_123 = tpu.memref_slice %arg3[%mul3A_116, %dma_wait3A_122] : memref<2500x128xi32, #tpu.memory_space<hbm>> -> memref<81x128xi32, #tpu.memory_space<hbm>>
        %dma_wait3A_124 = arith.constant 0 : i32
        %dma_wait3A_125 = tpu.memref_slice %arg3[%mul3A_116, %dma_wait3A_124] : memref<2500x128xi32, #tpu.memory_space<hbm>> -> memref<81x128xi32, #tpu.memory_space<hbm>>
        tpu.wait_dma2 semaphore(%run_scoped3A_117 : memref<!tpu.dma_semaphore, #tpu.memory_space<semaphore_mem>>) src(%dma_wait3A_125 : memref<81x128xi32, #tpu.memory_space<hbm>>) dst(%arg9 : memref<81x128xi32, #tpu.memory_space<vmem>>)
        tpu.yield
      }) : () -> ()
    } else {
    }
    %eq3A = arith.constant 30 : i32
    %eq3A_9 = arith.cmpi eq, %add3A, %eq3A : i32
    %convert_element_type3A_10 = arith.extui %eq3A_9 : i1 to i32
    %cond3A_11 = arith.constant 0 : i32
    %cond3A_12 = arith.cmpi ne, %convert_element_type3A_10, %cond3A_11 : i32
    scf.if %cond3A_12 {
      "tpu.region"() ({
        %run_scoped3A_115 = tpu.sem_alloc : memref<!tpu.dma_semaphore, #tpu.memory_space<semaphore_mem>>
        %dma_start3A_116 = arith.constant 0 : i32
        %dma_start3A_117 = arith.constant 0 : i32
        %dma_start3A_118 = tpu.memref_slice %arg9[%dma_start3A_116, %dma_start3A_117] : memref<81x128xi32, #tpu.memory_space<vmem>> -> memref<70x128xi32, #tpu.memory_space<vmem>>
        %dma_start3A_119 = arith.constant 2430 : i32
        %dma_start3A_120 = arith.constant 0 : i32
        %dma_start3A_121 = tpu.memref_slice %arg3[%dma_start3A_119, %dma_start3A_120] : memref<2500x128xi32, #tpu.memory_space<hbm>> -> memref<70x128xi32, #tpu.memory_space<hbm>>
        %dma_start3A_122 = arith.constant 0 : i32
        %dma_start3A_123 = arith.constant 0 : i32
        %dma_start3A_124 = tpu.memref_slice %arg9[%dma_start3A_122, %dma_start3A_123] : memref<81x128xi32, #tpu.memory_space<vmem>> -> memref<70x128xi32, #tpu.memory_space<vmem>>
        %dma_start3A_125 = arith.constant 2430 : i32
        %dma_start3A_126 = arith.constant 0 : i32
        %dma_start3A_127 = tpu.memref_slice %arg3[%dma_start3A_125, %dma_start3A_126] : memref<2500x128xi32, #tpu.memory_space<hbm>> -> memref<70x128xi32, #tpu.memory_space<hbm>>
        tpu.enqueue_dma source(%dma_start3A_127 : memref<70x128xi32, #tpu.memory_space<hbm>>) target(%dma_start3A_124 : memref<70x128xi32, #tpu.memory_space<vmem>>) target_semaphore(%run_scoped3A_115 : memref<!tpu.dma_semaphore, #tpu.memory_space<semaphore_mem>>)
        %dma_wait3A_128 = arith.constant 0 : i32
        %dma_wait3A_129 = arith.constant 0 : i32
        %dma_wait3A_130 = tpu.memref_slice %arg9[%dma_wait3A_128, %dma_wait3A_129] : memref<81x128xi32, #tpu.memory_space<vmem>> -> memref<70x128xi32, #tpu.memory_space<vmem>>
        %dma_wait3A_131 = arith.constant 2430 : i32
        %dma_wait3A_132 = arith.constant 0 : i32
        %dma_wait3A_133 = tpu.memref_slice %arg3[%dma_wait3A_131, %dma_wait3A_132] : memref<2500x128xi32, #tpu.memory_space<hbm>> -> memref<70x128xi32, #tpu.memory_space<hbm>>
        %dma_wait3A_134 = arith.constant 0 : i32
        %dma_wait3A_135 = arith.constant 0 : i32
        %dma_wait3A_136 = tpu.memref_slice %arg9[%dma_wait3A_134, %dma_wait3A_135] : memref<81x128xi32, #tpu.memory_space<vmem>> -> memref<70x128xi32, #tpu.memory_space<vmem>>
        %dma_wait3A_137 = arith.constant 2430 : i32
        %dma_wait3A_138 = arith.constant 0 : i32
        %dma_wait3A_139 = tpu.memref_slice %arg3[%dma_wait3A_137, %dma_wait3A_138] : memref<2500x128xi32, #tpu.memory_space<hbm>> -> memref<70x128xi32, #tpu.memory_space<hbm>>
        tpu.wait_dma2 semaphore(%run_scoped3A_115 : memref<!tpu.dma_semaphore, #tpu.memory_space<semaphore_mem>>) src(%dma_wait3A_139 : memref<70x128xi32, #tpu.memory_space<hbm>>) dst(%dma_wait3A_136 : memref<70x128xi32, #tpu.memory_space<vmem>>)
        tpu.yield
      }) : () -> ()
      "tpu.region"() ({
        %run_scoped3A_115 = tpu.sem_alloc : memref<!tpu.dma_semaphore, #tpu.memory_space<semaphore_mem>>
        %dma_start3A_116 = arith.constant 70 : i32
        %dma_start3A_117 = arith.constant 0 : i32
        %dma_start3A_118 = tpu.memref_slice %arg9[%dma_start3A_116, %dma_start3A_117] : memref<81x128xi32, #tpu.memory_space<vmem>> -> memref<11x128xi32, #tpu.memory_space<vmem>>
        %dma_start3A_119 = arith.constant 0 : i32
        %dma_start3A_120 = arith.constant 0 : i32
        %dma_start3A_121 = tpu.memref_slice %arg5[%dma_start3A_119, %dma_start3A_120] : memref<92x128xi32, #tpu.memory_space<hbm>> -> memref<11x128xi32, #tpu.memory_space<hbm>>
        %dma_start3A_122 = arith.constant 70 : i32
        %dma_start3A_123 = arith.constant 0 : i32
        %dma_start3A_124 = tpu.memref_slice %arg9[%dma_start3A_122, %dma_start3A_123] : memref<81x128xi32, #tpu.memory_space<vmem>> -> memref<11x128xi32, #tpu.memory_space<vmem>>
        %dma_start3A_125 = arith.constant 0 : i32
        %dma_start3A_126 = arith.constant 0 : i32
        %dma_start3A_127 = tpu.memref_slice %arg5[%dma_start3A_125, %dma_start3A_126] : memref<92x128xi32, #tpu.memory_space<hbm>> -> memref<11x128xi32, #tpu.memory_space<hbm>>
        tpu.enqueue_dma source(%dma_start3A_127 : memref<11x128xi32, #tpu.memory_space<hbm>>) target(%dma_start3A_124 : memref<11x128xi32, #tpu.memory_space<vmem>>) target_semaphore(%run_scoped3A_115 : memref<!tpu.dma_semaphore, #tpu.memory_space<semaphore_mem>>)
        %dma_wait3A_128 = arith.constant 70 : i32
        %dma_wait3A_129 = arith.constant 0 : i32
        %dma_wait3A_130 = tpu.memref_slice %arg9[%dma_wait3A_128, %dma_wait3A_129] : memref<81x128xi32, #tpu.memory_space<vmem>> -> memref<11x128xi32, #tpu.memory_space<vmem>>
        %dma_wait3A_131 = arith.constant 0 : i32
        %dma_wait3A_132 = arith.constant 0 : i32
        %dma_wait3A_133 = tpu.memref_slice %arg5[%dma_wait3A_131, %dma_wait3A_132] : memref<92x128xi32, #tpu.memory_space<hbm>> -> memref<11x128xi32, #tpu.memory_space<hbm>>
        %dma_wait3A_134 = arith.constant 70 : i32
        %dma_wait3A_135 = arith.constant 0 : i32
        %dma_wait3A_136 = tpu.memref_slice %arg9[%dma_wait3A_134, %dma_wait3A_135] : memref<81x128xi32, #tpu.memory_space<vmem>> -> memref<11x128xi32, #tpu.memory_space<vmem>>
        %dma_wait3A_137 = arith.constant 0 : i32
        %dma_wait3A_138 = arith.constant 0 : i32
        %dma_wait3A_139 = tpu.memref_slice %arg5[%dma_wait3A_137, %dma_wait3A_138] : memref<92x128xi32, #tpu.memory_space<hbm>> -> memref<11x128xi32, #tpu.memory_space<hbm>>
        tpu.wait_dma2 semaphore(%run_scoped3A_115 : memref<!tpu.dma_semaphore, #tpu.memory_space<semaphore_mem>>) src(%dma_wait3A_139 : memref<11x128xi32, #tpu.memory_space<hbm>>) dst(%dma_wait3A_136 : memref<11x128xi32, #tpu.memory_space<vmem>>)
        tpu.yield
      }) : () -> ()
    } else {
    }
    %eq3A_13 = arith.constant 31 : i32
    %eq3A_14 = arith.cmpi eq, %add3A, %eq3A_13 : i32
    %convert_element_type3A_15 = arith.extui %eq3A_14 : i1 to i32
    %cond3A_16 = arith.constant 0 : i32
    %cond3A_17 = arith.cmpi ne, %convert_element_type3A_15, %cond3A_16 : i32
    scf.if %cond3A_17 {
      "tpu.region"() ({
        %run_scoped3A_115 = tpu.sem_alloc : memref<!tpu.dma_semaphore, #tpu.memory_space<semaphore_mem>>
        %dma_start3A_116 = arith.constant 11 : i32
        %dma_start3A_117 = arith.constant 0 : i32
        %dma_start3A_118 = tpu.memref_slice %arg5[%dma_start3A_116, %dma_start3A_117] : memref<92x128xi32, #tpu.memory_space<hbm>> -> memref<81x128xi32, #tpu.memory_space<hbm>>
        %dma_start3A_119 = arith.constant 11 : i32
        %dma_start3A_120 = arith.constant 0 : i32
        %dma_start3A_121 = tpu.memref_slice %arg5[%dma_start3A_119, %dma_start3A_120] : memref<92x128xi32, #tpu.memory_space<hbm>> -> memref<81x128xi32, #tpu.memory_space<hbm>>
        tpu.enqueue_dma source(%dma_start3A_121 : memref<81x128xi32, #tpu.memory_space<hbm>>) target(%arg9 : memref<81x128xi32, #tpu.memory_space<vmem>>) target_semaphore(%run_scoped3A_115 : memref<!tpu.dma_semaphore, #tpu.memory_space<semaphore_mem>>)
        %dma_wait3A_122 = arith.constant 11 : i32
        %dma_wait3A_123 = arith.constant 0 : i32
        %dma_wait3A_124 = tpu.memref_slice %arg5[%dma_wait3A_122, %dma_wait3A_123] : memref<92x128xi32, #tpu.memory_space<hbm>> -> memref<81x128xi32, #tpu.memory_space<hbm>>
        %dma_wait3A_125 = arith.constant 11 : i32
        %dma_wait3A_126 = arith.constant 0 : i32
        %dma_wait3A_127 = tpu.memref_slice %arg5[%dma_wait3A_125, %dma_wait3A_126] : memref<92x128xi32, #tpu.memory_space<hbm>> -> memref<81x128xi32, #tpu.memory_space<hbm>>
        tpu.wait_dma2 semaphore(%run_scoped3A_115 : memref<!tpu.dma_semaphore, #tpu.memory_space<semaphore_mem>>) src(%dma_wait3A_127 : memref<81x128xi32, #tpu.memory_space<hbm>>) dst(%arg9 : memref<81x128xi32, #tpu.memory_space<vmem>>)
        tpu.yield
      }) : () -> ()
    } else {
    }
    %lt3A_18 = arith.constant 30 : i32
    %lt3A_19 = arith.cmpi slt, %add3A, %lt3A_18 : i32
    %convert_element_type3A_20 = arith.extui %lt3A_19 : i1 to i32
    %cond3A_21 = arith.constant 0 : i32
    %cond3A_22 = arith.cmpi ne, %convert_element_type3A_20, %cond3A_21 : i32
    scf.if %cond3A_22 {
      %mul3A_115 = arith.constant 81 : i32
      %mul3A_116 = arith.muli %add3A, %mul3A_115 : i32
      "tpu.region"() ({
        %run_scoped3A_117 = tpu.sem_alloc : memref<!tpu.dma_semaphore, #tpu.memory_space<semaphore_mem>>
        %dma_start3A_118 = arith.constant 0 : i32
        %dma_start3A_119 = tpu.memref_slice %arg4[%mul3A_116, %dma_start3A_118] : memref<2500x128xi32, #tpu.memory_space<hbm>> -> memref<81x128xi32, #tpu.memory_space<hbm>>
        %dma_start3A_120 = arith.constant 0 : i32
        %dma_start3A_121 = tpu.memref_slice %arg4[%mul3A_116, %dma_start3A_120] : memref<2500x128xi32, #tpu.memory_space<hbm>> -> memref<81x128xi32, #tpu.memory_space<hbm>>
        tpu.enqueue_dma source(%dma_start3A_121 : memref<81x128xi32, #tpu.memory_space<hbm>>) target(%arg10 : memref<81x128xi32, #tpu.memory_space<vmem>>) target_semaphore(%run_scoped3A_117 : memref<!tpu.dma_semaphore, #tpu.memory_space<semaphore_mem>>)
        %dma_wait3A_122 = arith.constant 0 : i32
        %dma_wait3A_123 = tpu.memref_slice %arg4[%mul3A_116, %dma_wait3A_122] : memref<2500x128xi32, #tpu.memory_space<hbm>> -> memref<81x128xi32, #tpu.memory_space<hbm>>
        %dma_wait3A_124 = arith.constant 0 : i32
        %dma_wait3A_125 = tpu.memref_slice %arg4[%mul3A_116, %dma_wait3A_124] : memref<2500x128xi32, #tpu.memory_space<hbm>> -> memref<81x128xi32, #tpu.memory_space<hbm>>
        tpu.wait_dma2 semaphore(%run_scoped3A_117 : memref<!tpu.dma_semaphore, #tpu.memory_space<semaphore_mem>>) src(%dma_wait3A_125 : memref<81x128xi32, #tpu.memory_space<hbm>>) dst(%arg10 : memref<81x128xi32, #tpu.memory_space<vmem>>)
        tpu.yield
      }) : () -> ()
    } else {
    }
    %eq3A_23 = arith.constant 30 : i32
    %eq3A_24 = arith.cmpi eq, %add3A, %eq3A_23 : i32
    %convert_element_type3A_25 = arith.extui %eq3A_24 : i1 to i32
    %cond3A_26 = arith.constant 0 : i32
    %cond3A_27 = arith.cmpi ne, %convert_element_type3A_25, %cond3A_26 : i32
    scf.if %cond3A_27 {
      "tpu.region"() ({
        %run_scoped3A_115 = tpu.sem_alloc : memref<!tpu.dma_semaphore, #tpu.memory_space<semaphore_mem>>
        %dma_start3A_116 = arith.constant 0 : i32
        %dma_start3A_117 = arith.constant 0 : i32
        %dma_start3A_118 = tpu.memref_slice %arg10[%dma_start3A_116, %dma_start3A_117] : memref<81x128xi32, #tpu.memory_space<vmem>> -> memref<70x128xi32, #tpu.memory_space<vmem>>
        %dma_start3A_119 = arith.constant 2430 : i32
        %dma_start3A_120 = arith.constant 0 : i32
        %dma_start3A_121 = tpu.memref_slice %arg4[%dma_start3A_119, %dma_start3A_120] : memref<2500x128xi32, #tpu.memory_space<hbm>> -> memref<70x128xi32, #tpu.memory_space<hbm>>
        %dma_start3A_122 = arith.constant 0 : i32
        %dma_start3A_123 = arith.constant 0 : i32
        %dma_start3A_124 = tpu.memref_slice %arg10[%dma_start3A_122, %dma_start3A_123] : memref<81x128xi32, #tpu.memory_space<vmem>> -> memref<70x128xi32, #tpu.memory_space<vmem>>
        %dma_start3A_125 = arith.constant 2430 : i32
        %dma_start3A_126 = arith.constant 0 : i32
        %dma_start3A_127 = tpu.memref_slice %arg4[%dma_start3A_125, %dma_start3A_126] : memref<2500x128xi32, #tpu.memory_space<hbm>> -> memref<70x128xi32, #tpu.memory_space<hbm>>
        tpu.enqueue_dma source(%dma_start3A_127 : memref<70x128xi32, #tpu.memory_space<hbm>>) target(%dma_start3A_124 : memref<70x128xi32, #tpu.memory_space<vmem>>) target_semaphore(%run_scoped3A_115 : memref<!tpu.dma_semaphore, #tpu.memory_space<semaphore_mem>>)
        %dma_wait3A_128 = arith.constant 0 : i32
        %dma_wait3A_129 = arith.constant 0 : i32
        %dma_wait3A_130 = tpu.memref_slice %arg10[%dma_wait3A_128, %dma_wait3A_129] : memref<81x128xi32, #tpu.memory_space<vmem>> -> memref<70x128xi32, #tpu.memory_space<vmem>>
        %dma_wait3A_131 = arith.constant 2430 : i32
        %dma_wait3A_132 = arith.constant 0 : i32
        %dma_wait3A_133 = tpu.memref_slice %arg4[%dma_wait3A_131, %dma_wait3A_132] : memref<2500x128xi32, #tpu.memory_space<hbm>> -> memref<70x128xi32, #tpu.memory_space<hbm>>
        %dma_wait3A_134 = arith.constant 0 : i32
        %dma_wait3A_135 = arith.constant 0 : i32
        %dma_wait3A_136 = tpu.memref_slice %arg10[%dma_wait3A_134, %dma_wait3A_135] : memref<81x128xi32, #tpu.memory_space<vmem>> -> memref<70x128xi32, #tpu.memory_space<vmem>>
        %dma_wait3A_137 = arith.constant 2430 : i32
        %dma_wait3A_138 = arith.constant 0 : i32
        %dma_wait3A_139 = tpu.memref_slice %arg4[%dma_wait3A_137, %dma_wait3A_138] : memref<2500x128xi32, #tpu.memory_space<hbm>> -> memref<70x128xi32, #tpu.memory_space<hbm>>
        tpu.wait_dma2 semaphore(%run_scoped3A_115 : memref<!tpu.dma_semaphore, #tpu.memory_space<semaphore_mem>>) src(%dma_wait3A_139 : memref<70x128xi32, #tpu.memory_space<hbm>>) dst(%dma_wait3A_136 : memref<70x128xi32, #tpu.memory_space<vmem>>)
        tpu.yield
      }) : () -> ()
      "tpu.region"() ({
        %run_scoped3A_115 = tpu.sem_alloc : memref<!tpu.dma_semaphore, #tpu.memory_space<semaphore_mem>>
        %dma_start3A_116 = arith.constant 70 : i32
        %dma_start3A_117 = arith.constant 0 : i32
        %dma_start3A_118 = tpu.memref_slice %arg10[%dma_start3A_116, %dma_start3A_117] : memref<81x128xi32, #tpu.memory_space<vmem>> -> memref<11x128xi32, #tpu.memory_space<vmem>>
        %dma_start3A_119 = arith.constant 0 : i32
        %dma_start3A_120 = arith.constant 0 : i32
        %dma_start3A_121 = tpu.memref_slice %arg5[%dma_start3A_119, %dma_start3A_120] : memref<92x128xi32, #tpu.memory_space<hbm>> -> memref<11x128xi32, #tpu.memory_space<hbm>>
        %dma_start3A_122 = arith.constant 70 : i32
        %dma_start3A_123 = arith.constant 0 : i32
        %dma_start3A_124 = tpu.memref_slice %arg10[%dma_start3A_122, %dma_start3A_123] : memref<81x128xi32, #tpu.memory_space<vmem>> -> memref<11x128xi32, #tpu.memory_space<vmem>>
        %dma_start3A_125 = arith.constant 0 : i32
        %dma_start3A_126 = arith.constant 0 : i32
        %dma_start3A_127 = tpu.memref_slice %arg5[%dma_start3A_125, %dma_start3A_126] : memref<92x128xi32, #tpu.memory_space<hbm>> -> memref<11x128xi32, #tpu.memory_space<hbm>>
        tpu.enqueue_dma source(%dma_start3A_127 : memref<11x128xi32, #tpu.memory_space<hbm>>) target(%dma_start3A_124 : memref<11x128xi32, #tpu.memory_space<vmem>>) target_semaphore(%run_scoped3A_115 : memref<!tpu.dma_semaphore, #tpu.memory_space<semaphore_mem>>)
        %dma_wait3A_128 = arith.constant 70 : i32
        %dma_wait3A_129 = arith.constant 0 : i32
        %dma_wait3A_130 = tpu.memref_slice %arg10[%dma_wait3A_128, %dma_wait3A_129] : memref<81x128xi32, #tpu.memory_space<vmem>> -> memref<11x128xi32, #tpu.memory_space<vmem>>
        %dma_wait3A_131 = arith.constant 0 : i32
        %dma_wait3A_132 = arith.constant 0 : i32
        %dma_wait3A_133 = tpu.memref_slice %arg5[%dma_wait3A_131, %dma_wait3A_132] : memref<92x128xi32, #tpu.memory_space<hbm>> -> memref<11x128xi32, #tpu.memory_space<hbm>>
        %dma_wait3A_134 = arith.constant 70 : i32
        %dma_wait3A_135 = arith.constant 0 : i32
        %dma_wait3A_136 = tpu.memref_slice %arg10[%dma_wait3A_134, %dma_wait3A_135] : memref<81x128xi32, #tpu.memory_space<vmem>> -> memref<11x128xi32, #tpu.memory_space<vmem>>
        %dma_wait3A_137 = arith.constant 0 : i32
        %dma_wait3A_138 = arith.constant 0 : i32
        %dma_wait3A_139 = tpu.memref_slice %arg5[%dma_wait3A_137, %dma_wait3A_138] : memref<92x128xi32, #tpu.memory_space<hbm>> -> memref<11x128xi32, #tpu.memory_space<hbm>>
        tpu.wait_dma2 semaphore(%run_scoped3A_115 : memref<!tpu.dma_semaphore, #tpu.memory_space<semaphore_mem>>) src(%dma_wait3A_139 : memref<11x128xi32, #tpu.memory_space<hbm>>) dst(%dma_wait3A_136 : memref<11x128xi32, #tpu.memory_space<vmem>>)
        tpu.yield
      }) : () -> ()
    } else {
    }
    %eq3A_28 = arith.constant 31 : i32
    %eq3A_29 = arith.cmpi eq, %add3A, %eq3A_28 : i32
    %convert_element_type3A_30 = arith.extui %eq3A_29 : i1 to i32
    %cond3A_31 = arith.constant 0 : i32
    %cond3A_32 = arith.cmpi ne, %convert_element_type3A_30, %cond3A_31 : i32
    scf.if %cond3A_32 {
      "tpu.region"() ({
        %run_scoped3A_115 = tpu.sem_alloc : memref<!tpu.dma_semaphore, #tpu.memory_space<semaphore_mem>>
        %dma_start3A_116 = arith.constant 11 : i32
        %dma_start3A_117 = arith.constant 0 : i32
        %dma_start3A_118 = tpu.memref_slice %arg5[%dma_start3A_116, %dma_start3A_117] : memref<92x128xi32, #tpu.memory_space<hbm>> -> memref<81x128xi32, #tpu.memory_space<hbm>>
        %dma_start3A_119 = arith.constant 11 : i32
        %dma_start3A_120 = arith.constant 0 : i32
        %dma_start3A_121 = tpu.memref_slice %arg5[%dma_start3A_119, %dma_start3A_120] : memref<92x128xi32, #tpu.memory_space<hbm>> -> memref<81x128xi32, #tpu.memory_space<hbm>>
        tpu.enqueue_dma source(%dma_start3A_121 : memref<81x128xi32, #tpu.memory_space<hbm>>) target(%arg10 : memref<81x128xi32, #tpu.memory_space<vmem>>) target_semaphore(%run_scoped3A_115 : memref<!tpu.dma_semaphore, #tpu.memory_space<semaphore_mem>>)
        %dma_wait3A_122 = arith.constant 11 : i32
        %dma_wait3A_123 = arith.constant 0 : i32
        %dma_wait3A_124 = tpu.memref_slice %arg5[%dma_wait3A_122, %dma_wait3A_123] : memref<92x128xi32, #tpu.memory_space<hbm>> -> memref<81x128xi32, #tpu.memory_space<hbm>>
        %dma_wait3A_125 = arith.constant 11 : i32
        %dma_wait3A_126 = arith.constant 0 : i32
        %dma_wait3A_127 = tpu.memref_slice %arg5[%dma_wait3A_125, %dma_wait3A_126] : memref<92x128xi32, #tpu.memory_space<hbm>> -> memref<81x128xi32, #tpu.memory_space<hbm>>
        tpu.wait_dma2 semaphore(%run_scoped3A_115 : memref<!tpu.dma_semaphore, #tpu.memory_space<semaphore_mem>>) src(%dma_wait3A_127 : memref<81x128xi32, #tpu.memory_space<hbm>>) dst(%arg10 : memref<81x128xi32, #tpu.memory_space<vmem>>)
        tpu.yield
      }) : () -> ()
    } else {
    }
    %mul3A_33 = arith.constant 640 : i32
    %mul3A_34 = arith.muli %arg1, %mul3A_33 : i32
    %add3A_35 = arith.constant 0 : i32
    %add3A_36 = arith.addi %mul3A_34, %add3A_35 : i32
    "tpu.region"() ({
      %run_scoped3A_115 = tpu.sem_alloc : memref<!tpu.dma_semaphore, #tpu.memory_space<semaphore_mem>>
      %dma_start3A_116 = arith.constant 0 : i32
      %dma_start3A_117 = tpu.memref_slice %arg12[%add3A_36, %dma_start3A_116] : memref<10240x64xf32, #tpu.memory_space<vmem_shared>> -> memref<128x64xf32, #tpu.memory_space<vmem_shared>>
      %dma_start3A_118 = arith.constant 0 : i32
      %dma_start3A_119 = tpu.memref_slice %arg12[%add3A_36, %dma_start3A_118] : memref<10240x64xf32, #tpu.memory_space<vmem_shared>> -> memref<128x64xf32, #tpu.memory_space<vmem_shared>>
      tpu.enqueue_dma source(%arg7 : memref<128x64xf32, #tpu.memory_space<vmem>>) target(%dma_start3A_119 : memref<128x64xf32, #tpu.memory_space<vmem_shared>>) target_semaphore(%run_scoped3A_115 : memref<!tpu.dma_semaphore, #tpu.memory_space<semaphore_mem>>)
      %dma_wait3A_120 = arith.constant 0 : i32
      %dma_wait3A_121 = tpu.memref_slice %arg12[%add3A_36, %dma_wait3A_120] : memref<10240x64xf32, #tpu.memory_space<vmem_shared>> -> memref<128x64xf32, #tpu.memory_space<vmem_shared>>
      %dma_wait3A_122 = arith.constant 0 : i32
      %dma_wait3A_123 = tpu.memref_slice %arg12[%add3A_36, %dma_wait3A_122] : memref<10240x64xf32, #tpu.memory_space<vmem_shared>> -> memref<128x64xf32, #tpu.memory_space<vmem_shared>>
      tpu.wait_dma2 semaphore(%run_scoped3A_115 : memref<!tpu.dma_semaphore, #tpu.memory_space<semaphore_mem>>) src(%arg7 : memref<128x64xf32, #tpu.memory_space<vmem>>) dst(%dma_wait3A_123 : memref<128x64xf32, #tpu.memory_space<vmem_shared>>)
      tpu.yield
    }) : () -> ()
    %mul3A_37 = arith.constant 640 : i32
    %mul3A_38 = arith.muli %arg1, %mul3A_37 : i32
    %add3A_39 = arith.constant 128 : i32
    %add3A_40 = arith.addi %mul3A_38, %add3A_39 : i32
    "tpu.region"() ({
      %run_scoped3A_115 = tpu.sem_alloc : memref<!tpu.dma_semaphore, #tpu.memory_space<semaphore_mem>>
      %dma_start3A_116 = arith.constant 0 : i32
      %dma_start3A_117 = tpu.memref_slice %arg12[%add3A_40, %dma_start3A_116] : memref<10240x64xf32, #tpu.memory_space<vmem_shared>> -> memref<128x64xf32, #tpu.memory_space<vmem_shared>>
      %dma_start3A_118 = arith.constant 0 : i32
      %dma_start3A_119 = tpu.memref_slice %arg12[%add3A_40, %dma_start3A_118] : memref<10240x64xf32, #tpu.memory_space<vmem_shared>> -> memref<128x64xf32, #tpu.memory_space<vmem_shared>>
      tpu.enqueue_dma source(%arg7 : memref<128x64xf32, #tpu.memory_space<vmem>>) target(%dma_start3A_119 : memref<128x64xf32, #tpu.memory_space<vmem_shared>>) target_semaphore(%run_scoped3A_115 : memref<!tpu.dma_semaphore, #tpu.memory_space<semaphore_mem>>)
      %dma_wait3A_120 = arith.constant 0 : i32
      %dma_wait3A_121 = tpu.memref_slice %arg12[%add3A_40, %dma_wait3A_120] : memref<10240x64xf32, #tpu.memory_space<vmem_shared>> -> memref<128x64xf32, #tpu.memory_space<vmem_shared>>
      %dma_wait3A_122 = arith.constant 0 : i32
      %dma_wait3A_123 = tpu.memref_slice %arg12[%add3A_40, %dma_wait3A_122] : memref<10240x64xf32, #tpu.memory_space<vmem_shared>> -> memref<128x64xf32, #tpu.memory_space<vmem_shared>>
      tpu.wait_dma2 semaphore(%run_scoped3A_115 : memref<!tpu.dma_semaphore, #tpu.memory_space<semaphore_mem>>) src(%arg7 : memref<128x64xf32, #tpu.memory_space<vmem>>) dst(%dma_wait3A_123 : memref<128x64xf32, #tpu.memory_space<vmem_shared>>)
      tpu.yield
    }) : () -> ()
    %mul3A_41 = arith.constant 640 : i32
    %mul3A_42 = arith.muli %arg1, %mul3A_41 : i32
    %add3A_43 = arith.constant 256 : i32
    %add3A_44 = arith.addi %mul3A_42, %add3A_43 : i32
    "tpu.region"() ({
      %run_scoped3A_115 = tpu.sem_alloc : memref<!tpu.dma_semaphore, #tpu.memory_space<semaphore_mem>>
      %dma_start3A_116 = arith.constant 0 : i32
      %dma_start3A_117 = tpu.memref_slice %arg12[%add3A_44, %dma_start3A_116] : memref<10240x64xf32, #tpu.memory_space<vmem_shared>> -> memref<128x64xf32, #tpu.memory_space<vmem_shared>>
      %dma_start3A_118 = arith.constant 0 : i32
      %dma_start3A_119 = tpu.memref_slice %arg12[%add3A_44, %dma_start3A_118] : memref<10240x64xf32, #tpu.memory_space<vmem_shared>> -> memref<128x64xf32, #tpu.memory_space<vmem_shared>>
      tpu.enqueue_dma source(%arg7 : memref<128x64xf32, #tpu.memory_space<vmem>>) target(%dma_start3A_119 : memref<128x64xf32, #tpu.memory_space<vmem_shared>>) target_semaphore(%run_scoped3A_115 : memref<!tpu.dma_semaphore, #tpu.memory_space<semaphore_mem>>)
      %dma_wait3A_120 = arith.constant 0 : i32
      %dma_wait3A_121 = tpu.memref_slice %arg12[%add3A_44, %dma_wait3A_120] : memref<10240x64xf32, #tpu.memory_space<vmem_shared>> -> memref<128x64xf32, #tpu.memory_space<vmem_shared>>
      %dma_wait3A_122 = arith.constant 0 : i32
      %dma_wait3A_123 = tpu.memref_slice %arg12[%add3A_44, %dma_wait3A_122] : memref<10240x64xf32, #tpu.memory_space<vmem_shared>> -> memref<128x64xf32, #tpu.memory_space<vmem_shared>>
      tpu.wait_dma2 semaphore(%run_scoped3A_115 : memref<!tpu.dma_semaphore, #tpu.memory_space<semaphore_mem>>) src(%arg7 : memref<128x64xf32, #tpu.memory_space<vmem>>) dst(%dma_wait3A_123 : memref<128x64xf32, #tpu.memory_space<vmem_shared>>)
      tpu.yield
    }) : () -> ()
    %mul3A_45 = arith.constant 640 : i32
    %mul3A_46 = arith.muli %arg1, %mul3A_45 : i32
    %add3A_47 = arith.constant 384 : i32
    %add3A_48 = arith.addi %mul3A_46, %add3A_47 : i32
    "tpu.region"() ({
      %run_scoped3A_115 = tpu.sem_alloc : memref<!tpu.dma_semaphore, #tpu.memory_space<semaphore_mem>>
      %dma_start3A_116 = arith.constant 0 : i32
      %dma_start3A_117 = tpu.memref_slice %arg12[%add3A_48, %dma_start3A_116] : memref<10240x64xf32, #tpu.memory_space<vmem_shared>> -> memref<128x64xf32, #tpu.memory_space<vmem_shared>>
      %dma_start3A_118 = arith.constant 0 : i32
      %dma_start3A_119 = tpu.memref_slice %arg12[%add3A_48, %dma_start3A_118] : memref<10240x64xf32, #tpu.memory_space<vmem_shared>> -> memref<128x64xf32, #tpu.memory_space<vmem_shared>>
      tpu.enqueue_dma source(%arg7 : memref<128x64xf32, #tpu.memory_space<vmem>>) target(%dma_start3A_119 : memref<128x64xf32, #tpu.memory_space<vmem_shared>>) target_semaphore(%run_scoped3A_115 : memref<!tpu.dma_semaphore, #tpu.memory_space<semaphore_mem>>)
      %dma_wait3A_120 = arith.constant 0 : i32
      %dma_wait3A_121 = tpu.memref_slice %arg12[%add3A_48, %dma_wait3A_120] : memref<10240x64xf32, #tpu.memory_space<vmem_shared>> -> memref<128x64xf32, #tpu.memory_space<vmem_shared>>
      %dma_wait3A_122 = arith.constant 0 : i32
      %dma_wait3A_123 = tpu.memref_slice %arg12[%add3A_48, %dma_wait3A_122] : memref<10240x64xf32, #tpu.memory_space<vmem_shared>> -> memref<128x64xf32, #tpu.memory_space<vmem_shared>>
      tpu.wait_dma2 semaphore(%run_scoped3A_115 : memref<!tpu.dma_semaphore, #tpu.memory_space<semaphore_mem>>) src(%arg7 : memref<128x64xf32, #tpu.memory_space<vmem>>) dst(%dma_wait3A_123 : memref<128x64xf32, #tpu.memory_space<vmem_shared>>)
      tpu.yield
    }) : () -> ()
    %mul3A_49 = arith.constant 640 : i32
    %mul3A_50 = arith.muli %arg1, %mul3A_49 : i32
    %add3A_51 = arith.constant 512 : i32
    %add3A_52 = arith.addi %mul3A_50, %add3A_51 : i32
    "tpu.region"() ({
      %run_scoped3A_115 = tpu.sem_alloc : memref<!tpu.dma_semaphore, #tpu.memory_space<semaphore_mem>>
      %dma_start3A_116 = arith.constant 0 : i32
      %dma_start3A_117 = tpu.memref_slice %arg12[%add3A_52, %dma_start3A_116] : memref<10240x64xf32, #tpu.memory_space<vmem_shared>> -> memref<128x64xf32, #tpu.memory_space<vmem_shared>>
      %dma_start3A_118 = arith.constant 0 : i32
      %dma_start3A_119 = tpu.memref_slice %arg12[%add3A_52, %dma_start3A_118] : memref<10240x64xf32, #tpu.memory_space<vmem_shared>> -> memref<128x64xf32, #tpu.memory_space<vmem_shared>>
      tpu.enqueue_dma source(%arg7 : memref<128x64xf32, #tpu.memory_space<vmem>>) target(%dma_start3A_119 : memref<128x64xf32, #tpu.memory_space<vmem_shared>>) target_semaphore(%run_scoped3A_115 : memref<!tpu.dma_semaphore, #tpu.memory_space<semaphore_mem>>)
      %dma_wait3A_120 = arith.constant 0 : i32
      %dma_wait3A_121 = tpu.memref_slice %arg12[%add3A_52, %dma_wait3A_120] : memref<10240x64xf32, #tpu.memory_space<vmem_shared>> -> memref<128x64xf32, #tpu.memory_space<vmem_shared>>
      %dma_wait3A_122 = arith.constant 0 : i32
      %dma_wait3A_123 = tpu.memref_slice %arg12[%add3A_52, %dma_wait3A_122] : memref<10240x64xf32, #tpu.memory_space<vmem_shared>> -> memref<128x64xf32, #tpu.memory_space<vmem_shared>>
      tpu.wait_dma2 semaphore(%run_scoped3A_115 : memref<!tpu.dma_semaphore, #tpu.memory_space<semaphore_mem>>) src(%arg7 : memref<128x64xf32, #tpu.memory_space<vmem>>) dst(%dma_wait3A_123 : memref<128x64xf32, #tpu.memory_space<vmem_shared>>)
      tpu.yield
    }) : () -> ()
    %barrier3A = arith.constant 0 : index
    tpu.barrier barrier_id(%barrier3A)
    %dma_start3A = arith.constant 0 : i32
    %dma_start3A_53 = arith.constant 0 : i32
    %dma_start3A_54 = arith.constant 0 : i32
    %dma_start3A_55 = arith.constant 0 : i32
    %dma_start3A_56 = tpu.memref_slice %arg8[%dma_start3A_53, %dma_start3A_54, %dma_start3A_55] : memref<4x128x64xf32, #tpu.memory_space<vmem>> -> memref<1x128x64xf32, #tpu.memory_space<vmem>>
    %dma_start3A_57 = tpu.memref_squeeze %dma_start3A_56 : memref<1x128x64xf32, #tpu.memory_space<vmem>> -> memref<128x64xf32, #tpu.memory_space<vmem>>
    %dma_start3A_58 = arith.constant 0 : i32
    %dma_start3A_59 = tpu.memref_slice %arg9[%dma_start3A, %dma_start3A_58] : memref<81x128xi32, #tpu.memory_space<vmem>> -> memref<1x128xi32, #tpu.memory_space<vmem>>
    %dma_start3A_60 = tpu.memref_squeeze %dma_start3A_59 : memref<1x128xi32, #tpu.memory_space<vmem>> -> memref<128xi32, #tpu.memory_space<vmem>>
    %dma_start3A_61 = arith.constant 0 : i32
    %dma_start3A_62 = arith.constant 0 : i32
    %dma_start3A_63 = tpu.memref_slice %arg2[%dma_start3A_61, %dma_start3A_62] : memref<10240x64xf32, #tpu.memory_space<hbm>> -> memref<10240x64xf32, #tpu.memory_space<hbm>>
    tpu.enqueue_indirect_dma source(%dma_start3A_63 : memref<10240x64xf32, #tpu.memory_space<hbm>>) target(%dma_start3A_57 : memref<128x64xf32, #tpu.memory_space<vmem>>) offsets(%dma_start3A_60 : memref<128xi32, #tpu.memory_space<vmem>>) semaphore(%arg11 : memref<!tpu.dma_semaphore, #tpu.memory_space<semaphore_mem>>)
    %dma_start3A_64 = arith.constant 1 : i32
    %dma_start3A_65 = arith.constant 1 : i32
    %dma_start3A_66 = arith.constant 0 : i32
    %dma_start3A_67 = arith.constant 0 : i32
    %dma_start3A_68 = tpu.memref_slice %arg8[%dma_start3A_65, %dma_start3A_66, %dma_start3A_67] : memref<4x128x64xf32, #tpu.memory_space<vmem>> -> memref<1x128x64xf32, #tpu.memory_space<vmem>>
    %dma_start3A_69 = tpu.memref_squeeze %dma_start3A_68 : memref<1x128x64xf32, #tpu.memory_space<vmem>> -> memref<128x64xf32, #tpu.memory_space<vmem>>
    %dma_start3A_70 = arith.constant 0 : i32
    %dma_start3A_71 = tpu.memref_slice %arg9[%dma_start3A_64, %dma_start3A_70] : memref<81x128xi32, #tpu.memory_space<vmem>> -> memref<1x128xi32, #tpu.memory_space<vmem>>
    %dma_start3A_72 = tpu.memref_squeeze %dma_start3A_71 : memref<1x128xi32, #tpu.memory_space<vmem>> -> memref<128xi32, #tpu.memory_space<vmem>>
    %dma_start3A_73 = arith.constant 0 : i32
    %dma_start3A_74 = arith.constant 0 : i32
    %dma_start3A_75 = tpu.memref_slice %arg2[%dma_start3A_73, %dma_start3A_74] : memref<10240x64xf32, #tpu.memory_space<hbm>> -> memref<10240x64xf32, #tpu.memory_space<hbm>>
    tpu.enqueue_indirect_dma source(%dma_start3A_75 : memref<10240x64xf32, #tpu.memory_space<hbm>>) target(%dma_start3A_69 : memref<128x64xf32, #tpu.memory_space<vmem>>) offsets(%dma_start3A_72 : memref<128xi32, #tpu.memory_space<vmem>>) semaphore(%arg11 : memref<!tpu.dma_semaphore, #tpu.memory_space<semaphore_mem>>)
    %dma_start3A_76 = arith.constant 2 : i32
    %dma_start3A_77 = arith.constant 2 : i32
    %dma_start3A_78 = arith.constant 0 : i32
    %dma_start3A_79 = arith.constant 0 : i32
    %dma_start3A_80 = tpu.memref_slice %arg8[%dma_start3A_77, %dma_start3A_78, %dma_start3A_79] : memref<4x128x64xf32, #tpu.memory_space<vmem>> -> memref<1x128x64xf32, #tpu.memory_space<vmem>>
    %dma_start3A_81 = tpu.memref_squeeze %dma_start3A_80 : memref<1x128x64xf32, #tpu.memory_space<vmem>> -> memref<128x64xf32, #tpu.memory_space<vmem>>
    %dma_start3A_82 = arith.constant 0 : i32
    %dma_start3A_83 = tpu.memref_slice %arg9[%dma_start3A_76, %dma_start3A_82] : memref<81x128xi32, #tpu.memory_space<vmem>> -> memref<1x128xi32, #tpu.memory_space<vmem>>
    %dma_start3A_84 = tpu.memref_squeeze %dma_start3A_83 : memref<1x128xi32, #tpu.memory_space<vmem>> -> memref<128xi32, #tpu.memory_space<vmem>>
    %dma_start3A_85 = arith.constant 0 : i32
    %dma_start3A_86 = arith.constant 0 : i32
    %dma_start3A_87 = tpu.memref_slice %arg2[%dma_start3A_85, %dma_start3A_86] : memref<10240x64xf32, #tpu.memory_space<hbm>> -> memref<10240x64xf32, #tpu.memory_space<hbm>>
    tpu.enqueue_indirect_dma source(%dma_start3A_87 : memref<10240x64xf32, #tpu.memory_space<hbm>>) target(%dma_start3A_81 : memref<128x64xf32, #tpu.memory_space<vmem>>) offsets(%dma_start3A_84 : memref<128xi32, #tpu.memory_space<vmem>>) semaphore(%arg11 : memref<!tpu.dma_semaphore, #tpu.memory_space<semaphore_mem>>)
    %scan3A_88 = arith.constant 0 : i32
    %scan3A_89 = arith.constant 0 : i32
    %scan3A_90 = arith.constant 20 : i32
    %scan3A_91 = arith.addi %scan3A_89, %scan3A_90 : i32
    %scan3A_92 = arith.constant 1 : i32
    %scan3A_93 = scf.for %scan3A_115 = %scan3A_89 to %scan3A_91 step %scan3A_92 iter_args(%scan3A_116 = %scan3A_88) -> (i32)  : i32 {
      %mul3A_117 = arith.constant 4 : i32
      %mul3A_118 = arith.muli %scan3A_115, %mul3A_117 : i32
      %add3A_119 = arith.constant 0 : i32
      %add3A_120 = arith.addi %mul3A_118, %add3A_119 : i32
      %dma_wait3A_121 = arith.constant 0 : i32
      %dma_wait3A_122 = arith.constant 0 : i32
      %dma_wait3A_123 = arith.constant 0 : i32
      %dma_wait3A_124 = arith.constant 0 : i32
      %dma_wait3A_125 = tpu.memref_slice %arg8[%dma_wait3A_122, %dma_wait3A_123, %dma_wait3A_124] : memref<4x128x64xf32, #tpu.memory_space<vmem>> -> memref<1x128x64xf32, #tpu.memory_space<vmem>>
      %dma_wait3A_126 = tpu.memref_squeeze %dma_wait3A_125 : memref<1x128x64xf32, #tpu.memory_space<vmem>> -> memref<128x64xf32, #tpu.memory_space<vmem>>
      %dma_wait3A_127 = arith.constant 0 : i32
      %dma_wait3A_128 = tpu.memref_slice %arg9[%dma_wait3A_121, %dma_wait3A_127] : memref<81x128xi32, #tpu.memory_space<vmem>> -> memref<1x128xi32, #tpu.memory_space<vmem>>
      %dma_wait3A_129 = tpu.memref_squeeze %dma_wait3A_128 : memref<1x128xi32, #tpu.memory_space<vmem>> -> memref<128xi32, #tpu.memory_space<vmem>>
      %dma_wait3A_130 = arith.constant 0 : i32
      %dma_wait3A_131 = arith.constant 0 : i32
      %dma_wait3A_132 = tpu.memref_slice %arg2[%dma_wait3A_130, %dma_wait3A_131] : memref<10240x64xf32, #tpu.memory_space<hbm>> -> memref<10240x64xf32, #tpu.memory_space<hbm>>
      tpu.wait_indirect_dma semaphore(%arg11 : memref<!tpu.dma_semaphore, #tpu.memory_space<semaphore_mem>>) src(%dma_wait3A_132 : memref<10240x64xf32, #tpu.memory_space<hbm>>) dst(%dma_wait3A_126 : memref<128x64xf32, #tpu.memory_space<vmem>>)
      %add3A_133 = arith.constant 4 : i32
      %add3A_134 = arith.addi %add3A_120, %add3A_133 : i32
      %sub3A = arith.constant 1 : i32
      %sub3A_135 = arith.subi %add3A_134, %sub3A : i32
      %lt3A_136 = arith.constant 81 : i32
      %lt3A_137 = arith.cmpi slt, %sub3A_135, %lt3A_136 : i32
      %convert_element_type3A_138 = arith.extui %lt3A_137 : i1 to i32
      %cond3A_139 = arith.constant 0 : i32
      %cond3A_140 = arith.cmpi ne, %convert_element_type3A_138, %cond3A_139 : i32
      scf.if %cond3A_140 {
        %dma_start3A_221 = arith.constant 3 : i32
        %dma_start3A_222 = arith.constant 0 : i32
        %dma_start3A_223 = arith.constant 0 : i32
        %dma_start3A_224 = tpu.memref_slice %arg8[%dma_start3A_221, %dma_start3A_222, %dma_start3A_223] : memref<4x128x64xf32, #tpu.memory_space<vmem>> -> memref<1x128x64xf32, #tpu.memory_space<vmem>>
        %dma_start3A_225 = tpu.memref_squeeze %dma_start3A_224 : memref<1x128x64xf32, #tpu.memory_space<vmem>> -> memref<128x64xf32, #tpu.memory_space<vmem>>
        %dma_start3A_226 = arith.constant 0 : i32
        %dma_start3A_227 = tpu.memref_slice %arg9[%sub3A_135, %dma_start3A_226] : memref<81x128xi32, #tpu.memory_space<vmem>> -> memref<1x128xi32, #tpu.memory_space<vmem>>
        %dma_start3A_228 = tpu.memref_squeeze %dma_start3A_227 : memref<1x128xi32, #tpu.memory_space<vmem>> -> memref<128xi32, #tpu.memory_space<vmem>>
        %dma_start3A_229 = arith.constant 0 : i32
        %dma_start3A_230 = arith.constant 0 : i32
        %dma_start3A_231 = tpu.memref_slice %arg2[%dma_start3A_229, %dma_start3A_230] : memref<10240x64xf32, #tpu.memory_space<hbm>> -> memref<10240x64xf32, #tpu.memory_space<hbm>>
        tpu.enqueue_indirect_dma source(%dma_start3A_231 : memref<10240x64xf32, #tpu.memory_space<hbm>>) target(%dma_start3A_225 : memref<128x64xf32, #tpu.memory_space<vmem>>) offsets(%dma_start3A_228 : memref<128xi32, #tpu.memory_space<vmem>>) semaphore(%arg11 : memref<!tpu.dma_semaphore, #tpu.memory_space<semaphore_mem>>)
      } else {
      }
      %run_scoped3A_141 = arith.constant 0 : i32
      "tpu.region"() ({
        %run_scoped3A_221 = tpu.sem_alloc : memref<!tpu.dma_semaphore, #tpu.memory_space<semaphore_mem>>
        %dma_start3A_222 = arith.constant 0 : i32
        %dma_start3A_223 = arith.constant 0 : i32
        %dma_start3A_224 = tpu.memref_slice %arg8[%run_scoped3A_141, %dma_start3A_222, %dma_start3A_223] : memref<4x128x64xf32, #tpu.memory_space<vmem>> -> memref<1x128x64xf32, #tpu.memory_space<vmem>>
        %dma_start3A_225 = tpu.memref_squeeze %dma_start3A_224 : memref<1x128x64xf32, #tpu.memory_space<vmem>> -> memref<128x64xf32, #tpu.memory_space<vmem>>
        %dma_start3A_226 = arith.constant 0 : i32
        %dma_start3A_227 = tpu.memref_slice %arg10[%add3A_120, %dma_start3A_226] : memref<81x128xi32, #tpu.memory_space<vmem>> -> memref<1x128xi32, #tpu.memory_space<vmem>>
        %dma_start3A_228 = tpu.memref_squeeze %dma_start3A_227 : memref<1x128xi32, #tpu.memory_space<vmem>> -> memref<128xi32, #tpu.memory_space<vmem>>
        %dma_start3A_229 = arith.constant 0 : i32
        %dma_start3A_230 = arith.constant 0 : i32
        %dma_start3A_231 = tpu.memref_slice %arg12[%dma_start3A_229, %dma_start3A_230] : memref<10240x64xf32, #tpu.memory_space<vmem_shared>> -> memref<10240x64xf32, #tpu.memory_space<vmem_shared>>
        tpu.enqueue_indirect_dma source(%dma_start3A_225 : memref<128x64xf32, #tpu.memory_space<vmem>>) target(%dma_start3A_231 : memref<10240x64xf32, #tpu.memory_space<vmem_shared>>) offsets(%dma_start3A_228 : memref<128xi32, #tpu.memory_space<vmem>>) semaphore(%run_scoped3A_221 : memref<!tpu.dma_semaphore, #tpu.memory_space<semaphore_mem>>) {add = true}
        %dma_wait3A_232 = arith.constant 0 : i32
        %dma_wait3A_233 = arith.constant 0 : i32
        %dma_wait3A_234 = tpu.memref_slice %arg8[%run_scoped3A_141, %dma_wait3A_232, %dma_wait3A_233] : memref<4x128x64xf32, #tpu.memory_space<vmem>> -> memref<1x128x64xf32, #tpu.memory_space<vmem>>
        %dma_wait3A_235 = tpu.memref_squeeze %dma_wait3A_234 : memref<1x128x64xf32, #tpu.memory_space<vmem>> -> memref<128x64xf32, #tpu.memory_space<vmem>>
        %dma_wait3A_236 = arith.constant 0 : i32
        %dma_wait3A_237 = tpu.memref_slice %arg10[%add3A_120, %dma_wait3A_236] : memref<81x128xi32, #tpu.memory_space<vmem>> -> memref<1x128xi32, #tpu.memory_space<vmem>>
        %dma_wait3A_238 = tpu.memref_squeeze %dma_wait3A_237 : memref<1x128xi32, #tpu.memory_space<vmem>> -> memref<128xi32, #tpu.memory_space<vmem>>
        %dma_wait3A_239 = arith.constant 0 : i32
        %dma_wait3A_240 = arith.constant 0 : i32
        %dma_wait3A_241 = tpu.memref_slice %arg12[%dma_wait3A_239, %dma_wait3A_240] : memref<10240x64xf32, #tpu.memory_space<vmem_shared>> -> memref<10240x64xf32, #tpu.memory_space<vmem_shared>>
        tpu.wait_indirect_dma semaphore(%run_scoped3A_221 : memref<!tpu.dma_semaphore, #tpu.memory_space<semaphore_mem>>) src(%dma_wait3A_235 : memref<128x64xf32, #tpu.memory_space<vmem>>) dst(%dma_wait3A_241 : memref<10240x64xf32, #tpu.memory_space<vmem_shared>>)
        tpu.yield
      }) : () -> ()
      %mul3A_142 = arith.constant 4 : i32
      %mul3A_143 = arith.muli %scan3A_115, %mul3A_142 : i32
      %add3A_144 = arith.constant 1 : i32
      %add3A_145 = arith.addi %mul3A_143, %add3A_144 : i32
      %dma_wait3A_146 = arith.constant 1 : i32
      %dma_wait3A_147 = arith.constant 1 : i32
      %dma_wait3A_148 = arith.constant 0 : i32
      %dma_wait3A_149 = arith.constant 0 : i32
      %dma_wait3A_150 = tpu.memref_slice %arg8[%dma_wait3A_147, %dma_wait3A_148, %dma_wait3A_149] : memref<4x128x64xf32, #tpu.memory_space<vmem>> -> memref<1x128x64xf32, #tpu.memory_space<vmem>>
      %dma_wait3A_151 = tpu.memref_squeeze %dma_wait3A_150 : memref<1x128x64xf32, #tpu.memory_space<vmem>> -> memref<128x64xf32, #tpu.memory_space<vmem>>
      %dma_wait3A_152 = arith.constant 0 : i32
      %dma_wait3A_153 = tpu.memref_slice %arg9[%dma_wait3A_146, %dma_wait3A_152] : memref<81x128xi32, #tpu.memory_space<vmem>> -> memref<1x128xi32, #tpu.memory_space<vmem>>
      %dma_wait3A_154 = tpu.memref_squeeze %dma_wait3A_153 : memref<1x128xi32, #tpu.memory_space<vmem>> -> memref<128xi32, #tpu.memory_space<vmem>>
      %dma_wait3A_155 = arith.constant 0 : i32
      %dma_wait3A_156 = arith.constant 0 : i32
      %dma_wait3A_157 = tpu.memref_slice %arg2[%dma_wait3A_155, %dma_wait3A_156] : memref<10240x64xf32, #tpu.memory_space<hbm>> -> memref<10240x64xf32, #tpu.memory_space<hbm>>
      tpu.wait_indirect_dma semaphore(%arg11 : memref<!tpu.dma_semaphore, #tpu.memory_space<semaphore_mem>>) src(%dma_wait3A_157 : memref<10240x64xf32, #tpu.memory_space<hbm>>) dst(%dma_wait3A_151 : memref<128x64xf32, #tpu.memory_space<vmem>>)
      %add3A_158 = arith.constant 4 : i32
      %add3A_159 = arith.addi %add3A_145, %add3A_158 : i32
      %sub3A_160 = arith.constant 1 : i32
      %sub3A_161 = arith.subi %add3A_159, %sub3A_160 : i32
      %lt3A_162 = arith.constant 81 : i32
      %lt3A_163 = arith.cmpi slt, %sub3A_161, %lt3A_162 : i32
      %convert_element_type3A_164 = arith.extui %lt3A_163 : i1 to i32
      %cond3A_165 = arith.constant 0 : i32
      %cond3A_166 = arith.cmpi ne, %convert_element_type3A_164, %cond3A_165 : i32
      scf.if %cond3A_166 {
        %dma_start3A_221 = arith.constant 0 : i32
        %dma_start3A_222 = arith.constant 0 : i32
        %dma_start3A_223 = arith.constant 0 : i32
        %dma_start3A_224 = tpu.memref_slice %arg8[%dma_start3A_221, %dma_start3A_222, %dma_start3A_223] : memref<4x128x64xf32, #tpu.memory_space<vmem>> -> memref<1x128x64xf32, #tpu.memory_space<vmem>>
        %dma_start3A_225 = tpu.memref_squeeze %dma_start3A_224 : memref<1x128x64xf32, #tpu.memory_space<vmem>> -> memref<128x64xf32, #tpu.memory_space<vmem>>
        %dma_start3A_226 = arith.constant 0 : i32
        %dma_start3A_227 = tpu.memref_slice %arg9[%sub3A_161, %dma_start3A_226] : memref<81x128xi32, #tpu.memory_space<vmem>> -> memref<1x128xi32, #tpu.memory_space<vmem>>
        %dma_start3A_228 = tpu.memref_squeeze %dma_start3A_227 : memref<1x128xi32, #tpu.memory_space<vmem>> -> memref<128xi32, #tpu.memory_space<vmem>>
        %dma_start3A_229 = arith.constant 0 : i32
        %dma_start3A_230 = arith.constant 0 : i32
        %dma_start3A_231 = tpu.memref_slice %arg2[%dma_start3A_229, %dma_start3A_230] : memref<10240x64xf32, #tpu.memory_space<hbm>> -> memref<10240x64xf32, #tpu.memory_space<hbm>>
        tpu.enqueue_indirect_dma source(%dma_start3A_231 : memref<10240x64xf32, #tpu.memory_space<hbm>>) target(%dma_start3A_225 : memref<128x64xf32, #tpu.memory_space<vmem>>) offsets(%dma_start3A_228 : memref<128xi32, #tpu.memory_space<vmem>>) semaphore(%arg11 : memref<!tpu.dma_semaphore, #tpu.memory_space<semaphore_mem>>)
      } else {
      }
      %run_scoped3A_167 = arith.constant 1 : i32
      "tpu.region"() ({
        %run_scoped3A_221 = tpu.sem_alloc : memref<!tpu.dma_semaphore, #tpu.memory_space<semaphore_mem>>
        %dma_start3A_222 = arith.constant 0 : i32
        %dma_start3A_223 = arith.constant 0 : i32
        %dma_start3A_224 = tpu.memref_slice %arg8[%run_scoped3A_167, %dma_start3A_222, %dma_start3A_223] : memref<4x128x64xf32, #tpu.memory_space<vmem>> -> memref<1x128x64xf32, #tpu.memory_space<vmem>>
        %dma_start3A_225 = tpu.memref_squeeze %dma_start3A_224 : memref<1x128x64xf32, #tpu.memory_space<vmem>> -> memref<128x64xf32, #tpu.memory_space<vmem>>
        %dma_start3A_226 = arith.constant 0 : i32
        %dma_start3A_227 = tpu.memref_slice %arg10[%add3A_145, %dma_start3A_226] : memref<81x128xi32, #tpu.memory_space<vmem>> -> memref<1x128xi32, #tpu.memory_space<vmem>>
        %dma_start3A_228 = tpu.memref_squeeze %dma_start3A_227 : memref<1x128xi32, #tpu.memory_space<vmem>> -> memref<128xi32, #tpu.memory_space<vmem>>
        %dma_start3A_229 = arith.constant 0 : i32
        %dma_start3A_230 = arith.constant 0 : i32
        %dma_start3A_231 = tpu.memref_slice %arg12[%dma_start3A_229, %dma_start3A_230] : memref<10240x64xf32, #tpu.memory_space<vmem_shared>> -> memref<10240x64xf32, #tpu.memory_space<vmem_shared>>
        tpu.enqueue_indirect_dma source(%dma_start3A_225 : memref<128x64xf32, #tpu.memory_space<vmem>>) target(%dma_start3A_231 : memref<10240x64xf32, #tpu.memory_space<vmem_shared>>) offsets(%dma_start3A_228 : memref<128xi32, #tpu.memory_space<vmem>>) semaphore(%run_scoped3A_221 : memref<!tpu.dma_semaphore, #tpu.memory_space<semaphore_mem>>) {add = true}
        %dma_wait3A_232 = arith.constant 0 : i32
        %dma_wait3A_233 = arith.constant 0 : i32
        %dma_wait3A_234 = tpu.memref_slice %arg8[%run_scoped3A_167, %dma_wait3A_232, %dma_wait3A_233] : memref<4x128x64xf32, #tpu.memory_space<vmem>> -> memref<1x128x64xf32, #tpu.memory_space<vmem>>
        %dma_wait3A_235 = tpu.memref_squeeze %dma_wait3A_234 : memref<1x128x64xf32, #tpu.memory_space<vmem>> -> memref<128x64xf32, #tpu.memory_space<vmem>>
        %dma_wait3A_236 = arith.constant 0 : i32
        %dma_wait3A_237 = tpu.memref_slice %arg10[%add3A_145, %dma_wait3A_236] : memref<81x128xi32, #tpu.memory_space<vmem>> -> memref<1x128xi32, #tpu.memory_space<vmem>>
        %dma_wait3A_238 = tpu.memref_squeeze %dma_wait3A_237 : memref<1x128xi32, #tpu.memory_space<vmem>> -> memref<128xi32, #tpu.memory_space<vmem>>
        %dma_wait3A_239 = arith.constant 0 : i32
        %dma_wait3A_240 = arith.constant 0 : i32
        %dma_wait3A_241 = tpu.memref_slice %arg12[%dma_wait3A_239, %dma_wait3A_240] : memref<10240x64xf32, #tpu.memory_space<vmem_shared>> -> memref<10240x64xf32, #tpu.memory_space<vmem_shared>>
        tpu.wait_indirect_dma semaphore(%run_scoped3A_221 : memref<!tpu.dma_semaphore, #tpu.memory_space<semaphore_mem>>) src(%dma_wait3A_235 : memref<128x64xf32, #tpu.memory_space<vmem>>) dst(%dma_wait3A_241 : memref<10240x64xf32, #tpu.memory_space<vmem_shared>>)
        tpu.yield
      }) : () -> ()
      %mul3A_168 = arith.constant 4 : i32
      %mul3A_169 = arith.muli %scan3A_115, %mul3A_168 : i32
      %add3A_170 = arith.constant 2 : i32
      %add3A_171 = arith.addi %mul3A_169, %add3A_170 : i32
      %dma_wait3A_172 = arith.constant 2 : i32
      %dma_wait3A_173 = arith.constant 2 : i32
      %dma_wait3A_174 = arith.constant 0 : i32
      %dma_wait3A_175 = arith.constant 0 : i32
      %dma_wait3A_176 = tpu.memref_slice %arg8[%dma_wait3A_173, %dma_wait3A_174, %dma_wait3A_175] : memref<4x128x64xf32, #tpu.memory_space<vmem>> -> memref<1x128x64xf32, #tpu.memory_space<vmem>>
      %dma_wait3A_177 = tpu.memref_squeeze %dma_wait3A_176 : memref<1x128x64xf32, #tpu.memory_space<vmem>> -> memref<128x64xf32, #tpu.memory_space<vmem>>
      %dma_wait3A_178 = arith.constant 0 : i32
      %dma_wait3A_179 = tpu.memref_slice %arg9[%dma_wait3A_172, %dma_wait3A_178] : memref<81x128xi32, #tpu.memory_space<vmem>> -> memref<1x128xi32, #tpu.memory_space<vmem>>
      %dma_wait3A_180 = tpu.memref_squeeze %dma_wait3A_179 : memref<1x128xi32, #tpu.memory_space<vmem>> -> memref<128xi32, #tpu.memory_space<vmem>>
      %dma_wait3A_181 = arith.constant 0 : i32
      %dma_wait3A_182 = arith.constant 0 : i32
      %dma_wait3A_183 = tpu.memref_slice %arg2[%dma_wait3A_181, %dma_wait3A_182] : memref<10240x64xf32, #tpu.memory_space<hbm>> -> memref<10240x64xf32, #tpu.memory_space<hbm>>
      tpu.wait_indirect_dma semaphore(%arg11 : memref<!tpu.dma_semaphore, #tpu.memory_space<semaphore_mem>>) src(%dma_wait3A_183 : memref<10240x64xf32, #tpu.memory_space<hbm>>) dst(%dma_wait3A_177 : memref<128x64xf32, #tpu.memory_space<vmem>>)
      %add3A_184 = arith.constant 4 : i32
      %add3A_185 = arith.addi %add3A_171, %add3A_184 : i32
      %sub3A_186 = arith.constant 1 : i32
      %sub3A_187 = arith.subi %add3A_185, %sub3A_186 : i32
      %lt3A_188 = arith.constant 81 : i32
      %lt3A_189 = arith.cmpi slt, %sub3A_187, %lt3A_188 : i32
      %convert_element_type3A_190 = arith.extui %lt3A_189 : i1 to i32
      %cond3A_191 = arith.constant 0 : i32
      %cond3A_192 = arith.cmpi ne, %convert_element_type3A_190, %cond3A_191 : i32
      scf.if %cond3A_192 {
        %dma_start3A_221 = arith.constant 1 : i32
        %dma_start3A_222 = arith.constant 0 : i32
        %dma_start3A_223 = arith.constant 0 : i32
        %dma_start3A_224 = tpu.memref_slice %arg8[%dma_start3A_221, %dma_start3A_222, %dma_start3A_223] : memref<4x128x64xf32, #tpu.memory_space<vmem>> -> memref<1x128x64xf32, #tpu.memory_space<vmem>>
        %dma_start3A_225 = tpu.memref_squeeze %dma_start3A_224 : memref<1x128x64xf32, #tpu.memory_space<vmem>> -> memref<128x64xf32, #tpu.memory_space<vmem>>
        %dma_start3A_226 = arith.constant 0 : i32
        %dma_start3A_227 = tpu.memref_slice %arg9[%sub3A_187, %dma_start3A_226] : memref<81x128xi32, #tpu.memory_space<vmem>> -> memref<1x128xi32, #tpu.memory_space<vmem>>
        %dma_start3A_228 = tpu.memref_squeeze %dma_start3A_227 : memref<1x128xi32, #tpu.memory_space<vmem>> -> memref<128xi32, #tpu.memory_space<vmem>>
        %dma_start3A_229 = arith.constant 0 : i32
        %dma_start3A_230 = arith.constant 0 : i32
        %dma_start3A_231 = tpu.memref_slice %arg2[%dma_start3A_229, %dma_start3A_230] : memref<10240x64xf32, #tpu.memory_space<hbm>> -> memref<10240x64xf32, #tpu.memory_space<hbm>>
        tpu.enqueue_indirect_dma source(%dma_start3A_231 : memref<10240x64xf32, #tpu.memory_space<hbm>>) target(%dma_start3A_225 : memref<128x64xf32, #tpu.memory_space<vmem>>) offsets(%dma_start3A_228 : memref<128xi32, #tpu.memory_space<vmem>>) semaphore(%arg11 : memref<!tpu.dma_semaphore, #tpu.memory_space<semaphore_mem>>)
      } else {
      }
      %run_scoped3A_193 = arith.constant 2 : i32
      "tpu.region"() ({
        %run_scoped3A_221 = tpu.sem_alloc : memref<!tpu.dma_semaphore, #tpu.memory_space<semaphore_mem>>
        %dma_start3A_222 = arith.constant 0 : i32
        %dma_start3A_223 = arith.constant 0 : i32
        %dma_start3A_224 = tpu.memref_slice %arg8[%run_scoped3A_193, %dma_start3A_222, %dma_start3A_223] : memref<4x128x64xf32, #tpu.memory_space<vmem>> -> memref<1x128x64xf32, #tpu.memory_space<vmem>>
        %dma_start3A_225 = tpu.memref_squeeze %dma_start3A_224 : memref<1x128x64xf32, #tpu.memory_space<vmem>> -> memref<128x64xf32, #tpu.memory_space<vmem>>
        %dma_start3A_226 = arith.constant 0 : i32
        %dma_start3A_227 = tpu.memref_slice %arg10[%add3A_171, %dma_start3A_226] : memref<81x128xi32, #tpu.memory_space<vmem>> -> memref<1x128xi32, #tpu.memory_space<vmem>>
        %dma_start3A_228 = tpu.memref_squeeze %dma_start3A_227 : memref<1x128xi32, #tpu.memory_space<vmem>> -> memref<128xi32, #tpu.memory_space<vmem>>
        %dma_start3A_229 = arith.constant 0 : i32
        %dma_start3A_230 = arith.constant 0 : i32
        %dma_start3A_231 = tpu.memref_slice %arg12[%dma_start3A_229, %dma_start3A_230] : memref<10240x64xf32, #tpu.memory_space<vmem_shared>> -> memref<10240x64xf32, #tpu.memory_space<vmem_shared>>
        tpu.enqueue_indirect_dma source(%dma_start3A_225 : memref<128x64xf32, #tpu.memory_space<vmem>>) target(%dma_start3A_231 : memref<10240x64xf32, #tpu.memory_space<vmem_shared>>) offsets(%dma_start3A_228 : memref<128xi32, #tpu.memory_space<vmem>>) semaphore(%run_scoped3A_221 : memref<!tpu.dma_semaphore, #tpu.memory_space<semaphore_mem>>) {add = true}
        %dma_wait3A_232 = arith.constant 0 : i32
        %dma_wait3A_233 = arith.constant 0 : i32
        %dma_wait3A_234 = tpu.memref_slice %arg8[%run_scoped3A_193, %dma_wait3A_232, %dma_wait3A_233] : memref<4x128x64xf32, #tpu.memory_space<vmem>> -> memref<1x128x64xf32, #tpu.memory_space<vmem>>
        %dma_wait3A_235 = tpu.memref_squeeze %dma_wait3A_234 : memref<1x128x64xf32, #tpu.memory_space<vmem>> -> memref<128x64xf32, #tpu.memory_space<vmem>>
        %dma_wait3A_236 = arith.constant 0 : i32
        %dma_wait3A_237 = tpu.memref_slice %arg10[%add3A_171, %dma_wait3A_236] : memref<81x128xi32, #tpu.memory_space<vmem>> -> memref<1x128xi32, #tpu.memory_space<vmem>>
        %dma_wait3A_238 = tpu.memref_squeeze %dma_wait3A_237 : memref<1x128xi32, #tpu.memory_space<vmem>> -> memref<128xi32, #tpu.memory_space<vmem>>
        %dma_wait3A_239 = arith.constant 0 : i32
        %dma_wait3A_240 = arith.constant 0 : i32
        %dma_wait3A_241 = tpu.memref_slice %arg12[%dma_wait3A_239, %dma_wait3A_240] : memref<10240x64xf32, #tpu.memory_space<vmem_shared>> -> memref<10240x64xf32, #tpu.memory_space<vmem_shared>>
        tpu.wait_indirect_dma semaphore(%run_scoped3A_221 : memref<!tpu.dma_semaphore, #tpu.memory_space<semaphore_mem>>) src(%dma_wait3A_235 : memref<128x64xf32, #tpu.memory_space<vmem>>) dst(%dma_wait3A_241 : memref<10240x64xf32, #tpu.memory_space<vmem_shared>>)
        tpu.yield
      }) : () -> ()
      %mul3A_194 = arith.constant 4 : i32
      %mul3A_195 = arith.muli %scan3A_115, %mul3A_194 : i32
      %add3A_196 = arith.constant 3 : i32
      %add3A_197 = arith.addi %mul3A_195, %add3A_196 : i32
      %dma_wait3A_198 = arith.constant 3 : i32
      %dma_wait3A_199 = arith.constant 3 : i32
      %dma_wait3A_200 = arith.constant 0 : i32
      %dma_wait3A_201 = arith.constant 0 : i32
      %dma_wait3A_202 = tpu.memref_slice %arg8[%dma_wait3A_199, %dma_wait3A_200, %dma_wait3A_201] : memref<4x128x64xf32, #tpu.memory_space<vmem>> -> memref<1x128x64xf32, #tpu.memory_space<vmem>>
      %dma_wait3A_203 = tpu.memref_squeeze %dma_wait3A_202 : memref<1x128x64xf32, #tpu.memory_space<vmem>> -> memref<128x64xf32, #tpu.memory_space<vmem>>
      %dma_wait3A_204 = arith.constant 0 : i32
      %dma_wait3A_205 = tpu.memref_slice %arg9[%dma_wait3A_198, %dma_wait3A_204] : memref<81x128xi32, #tpu.memory_space<vmem>> -> memref<1x128xi32, #tpu.memory_space<vmem>>
      %dma_wait3A_206 = tpu.memref_squeeze %dma_wait3A_205 : memref<1x128xi32, #tpu.memory_space<vmem>> -> memref<128xi32, #tpu.memory_space<vmem>>
      %dma_wait3A_207 = arith.constant 0 : i32
      %dma_wait3A_208 = arith.constant 0 : i32
      %dma_wait3A_209 = tpu.memref_slice %arg2[%dma_wait3A_207, %dma_wait3A_208] : memref<10240x64xf32, #tpu.memory_space<hbm>> -> memref<10240x64xf32, #tpu.memory_space<hbm>>
      tpu.wait_indirect_dma semaphore(%arg11 : memref<!tpu.dma_semaphore, #tpu.memory_space<semaphore_mem>>) src(%dma_wait3A_209 : memref<10240x64xf32, #tpu.memory_space<hbm>>) dst(%dma_wait3A_203 : memref<128x64xf32, #tpu.memory_space<vmem>>)
      %add3A_210 = arith.constant 4 : i32
      %add3A_211 = arith.addi %add3A_197, %add3A_210 : i32
      %sub3A_212 = arith.constant 1 : i32
      %sub3A_213 = arith.subi %add3A_211, %sub3A_212 : i32
      %lt3A_214 = arith.constant 81 : i32
      %lt3A_215 = arith.cmpi slt, %sub3A_213, %lt3A_214 : i32
      %convert_element_type3A_216 = arith.extui %lt3A_215 : i1 to i32
      %cond3A_217 = arith.constant 0 : i32
      %cond3A_218 = arith.cmpi ne, %convert_element_type3A_216, %cond3A_217 : i32
      scf.if %cond3A_218 {
        %dma_start3A_221 = arith.constant 2 : i32
        %dma_start3A_222 = arith.constant 0 : i32
        %dma_start3A_223 = arith.constant 0 : i32
        %dma_start3A_224 = tpu.memref_slice %arg8[%dma_start3A_221, %dma_start3A_222, %dma_start3A_223] : memref<4x128x64xf32, #tpu.memory_space<vmem>> -> memref<1x128x64xf32, #tpu.memory_space<vmem>>
        %dma_start3A_225 = tpu.memref_squeeze %dma_start3A_224 : memref<1x128x64xf32, #tpu.memory_space<vmem>> -> memref<128x64xf32, #tpu.memory_space<vmem>>
        %dma_start3A_226 = arith.constant 0 : i32
        %dma_start3A_227 = tpu.memref_slice %arg9[%sub3A_213, %dma_start3A_226] : memref<81x128xi32, #tpu.memory_space<vmem>> -> memref<1x128xi32, #tpu.memory_space<vmem>>
        %dma_start3A_228 = tpu.memref_squeeze %dma_start3A_227 : memref<1x128xi32, #tpu.memory_space<vmem>> -> memref<128xi32, #tpu.memory_space<vmem>>
        %dma_start3A_229 = arith.constant 0 : i32
        %dma_start3A_230 = arith.constant 0 : i32
        %dma_start3A_231 = tpu.memref_slice %arg2[%dma_start3A_229, %dma_start3A_230] : memref<10240x64xf32, #tpu.memory_space<hbm>> -> memref<10240x64xf32, #tpu.memory_space<hbm>>
        tpu.enqueue_indirect_dma source(%dma_start3A_231 : memref<10240x64xf32, #tpu.memory_space<hbm>>) target(%dma_start3A_225 : memref<128x64xf32, #tpu.memory_space<vmem>>) offsets(%dma_start3A_228 : memref<128xi32, #tpu.memory_space<vmem>>) semaphore(%arg11 : memref<!tpu.dma_semaphore, #tpu.memory_space<semaphore_mem>>)
      } else {
      }
      %run_scoped3A_219 = arith.constant 3 : i32
      "tpu.region"() ({
        %run_scoped3A_221 = tpu.sem_alloc : memref<!tpu.dma_semaphore, #tpu.memory_space<semaphore_mem>>
        %dma_start3A_222 = arith.constant 0 : i32
        %dma_start3A_223 = arith.constant 0 : i32
        %dma_start3A_224 = tpu.memref_slice %arg8[%run_scoped3A_219, %dma_start3A_222, %dma_start3A_223] : memref<4x128x64xf32, #tpu.memory_space<vmem>> -> memref<1x128x64xf32, #tpu.memory_space<vmem>>
        %dma_start3A_225 = tpu.memref_squeeze %dma_start3A_224 : memref<1x128x64xf32, #tpu.memory_space<vmem>> -> memref<128x64xf32, #tpu.memory_space<vmem>>
        %dma_start3A_226 = arith.constant 0 : i32
        %dma_start3A_227 = tpu.memref_slice %arg10[%add3A_197, %dma_start3A_226] : memref<81x128xi32, #tpu.memory_space<vmem>> -> memref<1x128xi32, #tpu.memory_space<vmem>>
        %dma_start3A_228 = tpu.memref_squeeze %dma_start3A_227 : memref<1x128xi32, #tpu.memory_space<vmem>> -> memref<128xi32, #tpu.memory_space<vmem>>
        %dma_start3A_229 = arith.constant 0 : i32
        %dma_start3A_230 = arith.constant 0 : i32
        %dma_start3A_231 = tpu.memref_slice %arg12[%dma_start3A_229, %dma_start3A_230] : memref<10240x64xf32, #tpu.memory_space<vmem_shared>> -> memref<10240x64xf32, #tpu.memory_space<vmem_shared>>
        tpu.enqueue_indirect_dma source(%dma_start3A_225 : memref<128x64xf32, #tpu.memory_space<vmem>>) target(%dma_start3A_231 : memref<10240x64xf32, #tpu.memory_space<vmem_shared>>) offsets(%dma_start3A_228 : memref<128xi32, #tpu.memory_space<vmem>>) semaphore(%run_scoped3A_221 : memref<!tpu.dma_semaphore, #tpu.memory_space<semaphore_mem>>) {add = true}
        %dma_wait3A_232 = arith.constant 0 : i32
        %dma_wait3A_233 = arith.constant 0 : i32
        %dma_wait3A_234 = tpu.memref_slice %arg8[%run_scoped3A_219, %dma_wait3A_232, %dma_wait3A_233] : memref<4x128x64xf32, #tpu.memory_space<vmem>> -> memref<1x128x64xf32, #tpu.memory_space<vmem>>
        %dma_wait3A_235 = tpu.memref_squeeze %dma_wait3A_234 : memref<1x128x64xf32, #tpu.memory_space<vmem>> -> memref<128x64xf32, #tpu.memory_space<vmem>>
        %dma_wait3A_236 = arith.constant 0 : i32
        %dma_wait3A_237 = tpu.memref_slice %arg10[%add3A_197, %dma_wait3A_236] : memref<81x128xi32, #tpu.memory_space<vmem>> -> memref<1x128xi32, #tpu.memory_space<vmem>>
        %dma_wait3A_238 = tpu.memref_squeeze %dma_wait3A_237 : memref<1x128xi32, #tpu.memory_space<vmem>> -> memref<128xi32, #tpu.memory_space<vmem>>
        %dma_wait3A_239 = arith.constant 0 : i32
        %dma_wait3A_240 = arith.constant 0 : i32
        %dma_wait3A_241 = tpu.memref_slice %arg12[%dma_wait3A_239, %dma_wait3A_240] : memref<10240x64xf32, #tpu.memory_space<vmem_shared>> -> memref<10240x64xf32, #tpu.memory_space<vmem_shared>>
        tpu.wait_indirect_dma semaphore(%run_scoped3A_221 : memref<!tpu.dma_semaphore, #tpu.memory_space<semaphore_mem>>) src(%dma_wait3A_235 : memref<128x64xf32, #tpu.memory_space<vmem>>) dst(%dma_wait3A_241 : memref<10240x64xf32, #tpu.memory_space<vmem_shared>>)
        tpu.yield
      }) : () -> ()
      %scan3A_220 = arith.constant 0 : i32
      scf.yield %scan3A_220 : i32
    }
    %scan3A_94 = arith.constant 20 : i32
    %dma_wait3A = arith.constant 0 : i32
    %dma_wait3A_95 = arith.constant 0 : i32
    %dma_wait3A_96 = arith.constant 0 : i32
    %dma_wait3A_97 = arith.constant 0 : i32
    %dma_wait3A_98 = tpu.memref_slice %arg8[%dma_wait3A_95, %dma_wait3A_96, %dma_wait3A_97] : memref<4x128x64xf32, #tpu.memory_space<vmem>> -> memref<1x128x64xf32, #tpu.memory_space<vmem>>
    %dma_wait3A_99 = tpu.memref_squeeze %dma_wait3A_98 : memref<1x128x64xf32, #tpu.memory_space<vmem>> -> memref<128x64xf32, #tpu.memory_space<vmem>>
    %dma_wait3A_100 = arith.constant 0 : i32
    %dma_wait3A_101 = tpu.memref_slice %arg9[%dma_wait3A, %dma_wait3A_100] : memref<81x128xi32, #tpu.memory_space<vmem>> -> memref<1x128xi32, #tpu.memory_space<vmem>>
    %dma_wait3A_102 = tpu.memref_squeeze %dma_wait3A_101 : memref<1x128xi32, #tpu.memory_space<vmem>> -> memref<128xi32, #tpu.memory_space<vmem>>
    %dma_wait3A_103 = arith.constant 0 : i32
    %dma_wait3A_104 = arith.constant 0 : i32
    %dma_wait3A_105 = tpu.memref_slice %arg2[%dma_wait3A_103, %dma_wait3A_104] : memref<10240x64xf32, #tpu.memory_space<hbm>> -> memref<10240x64xf32, #tpu.memory_space<hbm>>
    tpu.wait_indirect_dma semaphore(%arg11 : memref<!tpu.dma_semaphore, #tpu.memory_space<semaphore_mem>>) src(%dma_wait3A_105 : memref<10240x64xf32, #tpu.memory_space<hbm>>) dst(%dma_wait3A_99 : memref<128x64xf32, #tpu.memory_space<vmem>>)
    %run_scoped3A = arith.constant 0 : i32
    %run_scoped3A_106 = arith.constant 80 : i32
    "tpu.region"() ({
      %run_scoped3A_115 = tpu.sem_alloc : memref<!tpu.dma_semaphore, #tpu.memory_space<semaphore_mem>>
      %dma_start3A_116 = arith.constant 0 : i32
      %dma_start3A_117 = arith.constant 0 : i32
      %dma_start3A_118 = tpu.memref_slice %arg8[%run_scoped3A, %dma_start3A_116, %dma_start3A_117] : memref<4x128x64xf32, #tpu.memory_space<vmem>> -> memref<1x128x64xf32, #tpu.memory_space<vmem>>
      %dma_start3A_119 = tpu.memref_squeeze %dma_start3A_118 : memref<1x128x64xf32, #tpu.memory_space<vmem>> -> memref<128x64xf32, #tpu.memory_space<vmem>>
      %dma_start3A_120 = arith.constant 0 : i32
      %dma_start3A_121 = tpu.memref_slice %arg10[%run_scoped3A_106, %dma_start3A_120] : memref<81x128xi32, #tpu.memory_space<vmem>> -> memref<1x128xi32, #tpu.memory_space<vmem>>
      %dma_start3A_122 = tpu.memref_squeeze %dma_start3A_121 : memref<1x128xi32, #tpu.memory_space<vmem>> -> memref<128xi32, #tpu.memory_space<vmem>>
      %dma_start3A_123 = arith.constant 0 : i32
      %dma_start3A_124 = arith.constant 0 : i32
      %dma_start3A_125 = tpu.memref_slice %arg12[%dma_start3A_123, %dma_start3A_124] : memref<10240x64xf32, #tpu.memory_space<vmem_shared>> -> memref<10240x64xf32, #tpu.memory_space<vmem_shared>>
      tpu.enqueue_indirect_dma source(%dma_start3A_119 : memref<128x64xf32, #tpu.memory_space<vmem>>) target(%dma_start3A_125 : memref<10240x64xf32, #tpu.memory_space<vmem_shared>>) offsets(%dma_start3A_122 : memref<128xi32, #tpu.memory_space<vmem>>) semaphore(%run_scoped3A_115 : memref<!tpu.dma_semaphore, #tpu.memory_space<semaphore_mem>>) {add = true}
      %dma_wait3A_126 = arith.constant 0 : i32
      %dma_wait3A_127 = arith.constant 0 : i32
      %dma_wait3A_128 = tpu.memref_slice %arg8[%run_scoped3A, %dma_wait3A_126, %dma_wait3A_127] : memref<4x128x64xf32, #tpu.memory_space<vmem>> -> memref<1x128x64xf32, #tpu.memory_space<vmem>>
      %dma_wait3A_129 = tpu.memref_squeeze %dma_wait3A_128 : memref<1x128x64xf32, #tpu.memory_space<vmem>> -> memref<128x64xf32, #tpu.memory_space<vmem>>
      %dma_wait3A_130 = arith.constant 0 : i32
      %dma_wait3A_131 = tpu.memref_slice %arg10[%run_scoped3A_106, %dma_wait3A_130] : memref<81x128xi32, #tpu.memory_space<vmem>> -> memref<1x128xi32, #tpu.memory_space<vmem>>
      %dma_wait3A_132 = tpu.memref_squeeze %dma_wait3A_131 : memref<1x128xi32, #tpu.memory_space<vmem>> -> memref<128xi32, #tpu.memory_space<vmem>>
      %dma_wait3A_133 = arith.constant 0 : i32
      %dma_wait3A_134 = arith.constant 0 : i32
      %dma_wait3A_135 = tpu.memref_slice %arg12[%dma_wait3A_133, %dma_wait3A_134] : memref<10240x64xf32, #tpu.memory_space<vmem_shared>> -> memref<10240x64xf32, #tpu.memory_space<vmem_shared>>
      tpu.wait_indirect_dma semaphore(%run_scoped3A_115 : memref<!tpu.dma_semaphore, #tpu.memory_space<semaphore_mem>>) src(%dma_wait3A_129 : memref<128x64xf32, #tpu.memory_space<vmem>>) dst(%dma_wait3A_135 : memref<10240x64xf32, #tpu.memory_space<vmem_shared>>)
      tpu.yield
    }) : () -> ()
    %barrier3A_107 = arith.constant 0 : index
    tpu.barrier barrier_id(%barrier3A_107)
    %mul3A_108 = arith.constant 640 : i32
    %mul3A_109 = arith.muli %arg1, %mul3A_108 : i32
    %mul3A_110 = arith.constant 10240 : i32
    %mul3A_111 = arith.muli %arg0, %mul3A_110 : i32
    %mul3A_112 = arith.constant 640 : i32
    %mul3A_113 = arith.muli %arg1, %mul3A_112 : i32
    %add3A_114 = arith.addi %mul3A_111, %mul3A_113 : i32
    "tpu.region"() ({
      %run_scoped3A_115 = tpu.sem_alloc : memref<!tpu.dma_semaphore, #tpu.memory_space<semaphore_mem>>
      %dma_start3A_116 = arith.constant 0 : i32
      %dma_start3A_117 = tpu.memref_slice %arg6[%add3A_114, %dma_start3A_116] : memref<20480x64xf32, #tpu.memory_space<hbm>> -> memref<640x64xf32, #tpu.memory_space<hbm>>
      %dma_start3A_118 = arith.constant 0 : i32
      %dma_start3A_119 = tpu.memref_slice %arg12[%mul3A_109, %dma_start3A_118] : memref<10240x64xf32, #tpu.memory_space<vmem_shared>> -> memref<640x64xf32, #tpu.memory_space<vmem_shared>>
      tpu.enqueue_dma source(%dma_start3A_119 : memref<640x64xf32, #tpu.memory_space<vmem_shared>>) target(%dma_start3A_117 : memref<640x64xf32, #tpu.memory_space<hbm>>) target_semaphore(%run_scoped3A_115 : memref<!tpu.dma_semaphore, #tpu.memory_space<semaphore_mem>>)
      %dma_wait3A_120 = arith.constant 0 : i32
      %dma_wait3A_121 = tpu.memref_slice %arg6[%add3A_114, %dma_wait3A_120] : memref<20480x64xf32, #tpu.memory_space<hbm>> -> memref<640x64xf32, #tpu.memory_space<hbm>>
      %dma_wait3A_122 = arith.constant 0 : i32
      %dma_wait3A_123 = tpu.memref_slice %arg12[%mul3A_109, %dma_wait3A_122] : memref<10240x64xf32, #tpu.memory_space<vmem_shared>> -> memref<640x64xf32, #tpu.memory_space<vmem_shared>>
      tpu.wait_dma2 semaphore(%run_scoped3A_115 : memref<!tpu.dma_semaphore, #tpu.memory_space<semaphore_mem>>) src(%dma_wait3A_123 : memref<640x64xf32, #tpu.memory_space<vmem_shared>>) dst(%dma_wait3A_121 : memref<640x64xf32, #tpu.memory_space<hbm>>)
      tpu.yield
    }) : () -> ()
    return
  }
}

#map = affine_map<(d0, d1) -> (0, 0)>
module attributes {stable_mosaic.version = 14 : i64} {
  func.func @_deg_kernel(%arg0: i32, %arg1: i32, %arg2: memref<2500x128xi32, #tpu.memory_space<hbm>>, %arg3: memref<92x128xi32, #tpu.memory_space<hbm>>, %arg4: memref<20480x16xf32, #tpu.memory_space<hbm>>, %arg5: memref<128x16xf32, #tpu.memory_space<vmem>>, %arg6: memref<128x16xf32, #tpu.memory_space<vmem>>, %arg7: memref<81x128xi32, #tpu.memory_space<vmem>>, %arg8: memref<!tpu.dma_semaphore, #tpu.memory_space<semaphore_mem>>, %arg9: memref<10240x16xf32, #tpu.memory_space<vmem_shared>>) attributes {dimension_semantics = [#tpu.dimension_semantics<core_parallel>, #tpu.dimension_semantics<subcore_parallel>], iteration_bounds = array<i64: 2, 16>, scalar_prefetch = 0 : i64, scratch_operands = 5 : i64, tpu.core_type = #tpu.core_type<sc_vector_subcore>, window_params = [{transform_indices = #map}, {transform_indices = #map}, {transform_indices = #map}]} {
    %mul3A = arith.constant 16 : i32
    %mul3A_0 = arith.muli %arg0, %mul3A : i32
    %add3A = arith.addi %mul3A_0, %arg1 : i32
    %scan3A = arith.constant 0 : i32
    %scan3A_1 = arith.constant 0 : i32
    %scan3A_2 = arith.constant 128 : i32
    %scan3A_3 = arith.addi %scan3A_1, %scan3A_2 : i32
    %scan3A_4 = arith.constant 1 : i32
    %scan3A_5 = scf.for %scan3A_93 = %scan3A_1 to %scan3A_3 step %scan3A_4 iter_args(%scan3A_94 = %scan3A) -> (i32)  : i32 {
      %broadcast_in_dim3A = arith.constant 0.000000e+00 : f32
      %broadcast_in_dim3A_95 = vector.broadcast %broadcast_in_dim3A : f32 to vector<16xf32>
      %swap3A = arith.index_cast %scan3A_93 : i32 to index
      %swap3A_96 = arith.constant 0 : index
      %swap3A_97 = tpu.vector_load %arg5[%swap3A, %swap3A_96] {strides = array<i32>} : memref<128x16xf32, #tpu.memory_space<vmem>>, vector<1x16xf32>,
      %swap3A_98 = vector.shape_cast %swap3A_97 : vector<1x16xf32> to vector<16xf32>
      %swap3A_99 = vector.shape_cast %broadcast_in_dim3A_95 : vector<16xf32> to vector<1x16xf32>
      tpu.vector_store %arg5[%swap3A, %swap3A_96], %swap3A_99 {strides = array<i32>} : memref<128x16xf32, #tpu.memory_space<vmem>>, vector<1x16xf32>,
      %broadcast_in_dim3A_100 = arith.constant 1.000000e+00 : f32
      %broadcast_in_dim3A_101 = vector.broadcast %broadcast_in_dim3A_100 : f32 to vector<16xf32>
      %swap3A_102 = arith.index_cast %scan3A_93 : i32 to index
      %swap3A_103 = arith.constant 0 : index
      %swap3A_104 = tpu.vector_load %arg6[%swap3A_102, %swap3A_103] {strides = array<i32>} : memref<128x16xf32, #tpu.memory_space<vmem>>, vector<1x16xf32>,
      %swap3A_105 = vector.shape_cast %swap3A_104 : vector<1x16xf32> to vector<16xf32>
      %swap3A_106 = vector.shape_cast %broadcast_in_dim3A_101 : vector<16xf32> to vector<1x16xf32>
      tpu.vector_store %arg6[%swap3A_102, %swap3A_103], %swap3A_106 {strides = array<i32>} : memref<128x16xf32, #tpu.memory_space<vmem>>, vector<1x16xf32>,
      %scan3A_107 = arith.constant 0 : i32
      scf.yield %scan3A_107 : i32
    }
    %scan3A_6 = arith.constant 128 : i32
    %lt3A = arith.constant 30 : i32
    %lt3A_7 = arith.cmpi slt, %add3A, %lt3A : i32
    %convert_element_type3A = arith.extui %lt3A_7 : i1 to i32
    %cond3A = arith.constant 0 : i32
    %cond3A_8 = arith.cmpi ne, %convert_element_type3A, %cond3A : i32
    scf.if %cond3A_8 {
      %mul3A_93 = arith.constant 81 : i32
      %mul3A_94 = arith.muli %add3A, %mul3A_93 : i32
      "tpu.region"() ({
        %run_scoped3A = tpu.sem_alloc : memref<!tpu.dma_semaphore, #tpu.memory_space<semaphore_mem>>
        %dma_start3A_95 = arith.constant 0 : i32
        %dma_start3A_96 = tpu.memref_slice %arg2[%mul3A_94, %dma_start3A_95] : memref<2500x128xi32, #tpu.memory_space<hbm>> -> memref<81x128xi32, #tpu.memory_space<hbm>>
        %dma_start3A_97 = arith.constant 0 : i32
        %dma_start3A_98 = tpu.memref_slice %arg2[%mul3A_94, %dma_start3A_97] : memref<2500x128xi32, #tpu.memory_space<hbm>> -> memref<81x128xi32, #tpu.memory_space<hbm>>
        tpu.enqueue_dma source(%dma_start3A_98 : memref<81x128xi32, #tpu.memory_space<hbm>>) target(%arg7 : memref<81x128xi32, #tpu.memory_space<vmem>>) target_semaphore(%run_scoped3A : memref<!tpu.dma_semaphore, #tpu.memory_space<semaphore_mem>>)
        %dma_wait3A_99 = arith.constant 0 : i32
        %dma_wait3A_100 = tpu.memref_slice %arg2[%mul3A_94, %dma_wait3A_99] : memref<2500x128xi32, #tpu.memory_space<hbm>> -> memref<81x128xi32, #tpu.memory_space<hbm>>
        %dma_wait3A_101 = arith.constant 0 : i32
        %dma_wait3A_102 = tpu.memref_slice %arg2[%mul3A_94, %dma_wait3A_101] : memref<2500x128xi32, #tpu.memory_space<hbm>> -> memref<81x128xi32, #tpu.memory_space<hbm>>
        tpu.wait_dma2 semaphore(%run_scoped3A : memref<!tpu.dma_semaphore, #tpu.memory_space<semaphore_mem>>) src(%dma_wait3A_102 : memref<81x128xi32, #tpu.memory_space<hbm>>) dst(%arg7 : memref<81x128xi32, #tpu.memory_space<vmem>>)
        tpu.yield
      }) : () -> ()
    } else {
    }
    %eq3A = arith.constant 30 : i32
    %eq3A_9 = arith.cmpi eq, %add3A, %eq3A : i32
    %convert_element_type3A_10 = arith.extui %eq3A_9 : i1 to i32
    %cond3A_11 = arith.constant 0 : i32
    %cond3A_12 = arith.cmpi ne, %convert_element_type3A_10, %cond3A_11 : i32
    scf.if %cond3A_12 {
      "tpu.region"() ({
        %run_scoped3A = tpu.sem_alloc : memref<!tpu.dma_semaphore, #tpu.memory_space<semaphore_mem>>
        %dma_start3A_93 = arith.constant 0 : i32
        %dma_start3A_94 = arith.constant 0 : i32
        %dma_start3A_95 = tpu.memref_slice %arg7[%dma_start3A_93, %dma_start3A_94] : memref<81x128xi32, #tpu.memory_space<vmem>> -> memref<70x128xi32, #tpu.memory_space<vmem>>
        %dma_start3A_96 = arith.constant 2430 : i32
        %dma_start3A_97 = arith.constant 0 : i32
        %dma_start3A_98 = tpu.memref_slice %arg2[%dma_start3A_96, %dma_start3A_97] : memref<2500x128xi32, #tpu.memory_space<hbm>> -> memref<70x128xi32, #tpu.memory_space<hbm>>
        %dma_start3A_99 = arith.constant 0 : i32
        %dma_start3A_100 = arith.constant 0 : i32
        %dma_start3A_101 = tpu.memref_slice %arg7[%dma_start3A_99, %dma_start3A_100] : memref<81x128xi32, #tpu.memory_space<vmem>> -> memref<70x128xi32, #tpu.memory_space<vmem>>
        %dma_start3A_102 = arith.constant 2430 : i32
        %dma_start3A_103 = arith.constant 0 : i32
        %dma_start3A_104 = tpu.memref_slice %arg2[%dma_start3A_102, %dma_start3A_103] : memref<2500x128xi32, #tpu.memory_space<hbm>> -> memref<70x128xi32, #tpu.memory_space<hbm>>
        tpu.enqueue_dma source(%dma_start3A_104 : memref<70x128xi32, #tpu.memory_space<hbm>>) target(%dma_start3A_101 : memref<70x128xi32, #tpu.memory_space<vmem>>) target_semaphore(%run_scoped3A : memref<!tpu.dma_semaphore, #tpu.memory_space<semaphore_mem>>)
        %dma_wait3A_105 = arith.constant 0 : i32
        %dma_wait3A_106 = arith.constant 0 : i32
        %dma_wait3A_107 = tpu.memref_slice %arg7[%dma_wait3A_105, %dma_wait3A_106] : memref<81x128xi32, #tpu.memory_space<vmem>> -> memref<70x128xi32, #tpu.memory_space<vmem>>
        %dma_wait3A_108 = arith.constant 2430 : i32
        %dma_wait3A_109 = arith.constant 0 : i32
        %dma_wait3A_110 = tpu.memref_slice %arg2[%dma_wait3A_108, %dma_wait3A_109] : memref<2500x128xi32, #tpu.memory_space<hbm>> -> memref<70x128xi32, #tpu.memory_space<hbm>>
        %dma_wait3A_111 = arith.constant 0 : i32
        %dma_wait3A_112 = arith.constant 0 : i32
        %dma_wait3A_113 = tpu.memref_slice %arg7[%dma_wait3A_111, %dma_wait3A_112] : memref<81x128xi32, #tpu.memory_space<vmem>> -> memref<70x128xi32, #tpu.memory_space<vmem>>
        %dma_wait3A_114 = arith.constant 2430 : i32
        %dma_wait3A_115 = arith.constant 0 : i32
        %dma_wait3A_116 = tpu.memref_slice %arg2[%dma_wait3A_114, %dma_wait3A_115] : memref<2500x128xi32, #tpu.memory_space<hbm>> -> memref<70x128xi32, #tpu.memory_space<hbm>>
        tpu.wait_dma2 semaphore(%run_scoped3A : memref<!tpu.dma_semaphore, #tpu.memory_space<semaphore_mem>>) src(%dma_wait3A_116 : memref<70x128xi32, #tpu.memory_space<hbm>>) dst(%dma_wait3A_113 : memref<70x128xi32, #tpu.memory_space<vmem>>)
        tpu.yield
      }) : () -> ()
      "tpu.region"() ({
        %run_scoped3A = tpu.sem_alloc : memref<!tpu.dma_semaphore, #tpu.memory_space<semaphore_mem>>
        %dma_start3A_93 = arith.constant 70 : i32
        %dma_start3A_94 = arith.constant 0 : i32
        %dma_start3A_95 = tpu.memref_slice %arg7[%dma_start3A_93, %dma_start3A_94] : memref<81x128xi32, #tpu.memory_space<vmem>> -> memref<11x128xi32, #tpu.memory_space<vmem>>
        %dma_start3A_96 = arith.constant 0 : i32
        %dma_start3A_97 = arith.constant 0 : i32
        %dma_start3A_98 = tpu.memref_slice %arg3[%dma_start3A_96, %dma_start3A_97] : memref<92x128xi32, #tpu.memory_space<hbm>> -> memref<11x128xi32, #tpu.memory_space<hbm>>
        %dma_start3A_99 = arith.constant 70 : i32
        %dma_start3A_100 = arith.constant 0 : i32
        %dma_start3A_101 = tpu.memref_slice %arg7[%dma_start3A_99, %dma_start3A_100] : memref<81x128xi32, #tpu.memory_space<vmem>> -> memref<11x128xi32, #tpu.memory_space<vmem>>
        %dma_start3A_102 = arith.constant 0 : i32
        %dma_start3A_103 = arith.constant 0 : i32
        %dma_start3A_104 = tpu.memref_slice %arg3[%dma_start3A_102, %dma_start3A_103] : memref<92x128xi32, #tpu.memory_space<hbm>> -> memref<11x128xi32, #tpu.memory_space<hbm>>
        tpu.enqueue_dma source(%dma_start3A_104 : memref<11x128xi32, #tpu.memory_space<hbm>>) target(%dma_start3A_101 : memref<11x128xi32, #tpu.memory_space<vmem>>) target_semaphore(%run_scoped3A : memref<!tpu.dma_semaphore, #tpu.memory_space<semaphore_mem>>)
        %dma_wait3A_105 = arith.constant 70 : i32
        %dma_wait3A_106 = arith.constant 0 : i32
        %dma_wait3A_107 = tpu.memref_slice %arg7[%dma_wait3A_105, %dma_wait3A_106] : memref<81x128xi32, #tpu.memory_space<vmem>> -> memref<11x128xi32, #tpu.memory_space<vmem>>
        %dma_wait3A_108 = arith.constant 0 : i32
        %dma_wait3A_109 = arith.constant 0 : i32
        %dma_wait3A_110 = tpu.memref_slice %arg3[%dma_wait3A_108, %dma_wait3A_109] : memref<92x128xi32, #tpu.memory_space<hbm>> -> memref<11x128xi32, #tpu.memory_space<hbm>>
        %dma_wait3A_111 = arith.constant 70 : i32
        %dma_wait3A_112 = arith.constant 0 : i32
        %dma_wait3A_113 = tpu.memref_slice %arg7[%dma_wait3A_111, %dma_wait3A_112] : memref<81x128xi32, #tpu.memory_space<vmem>> -> memref<11x128xi32, #tpu.memory_space<vmem>>
        %dma_wait3A_114 = arith.constant 0 : i32
        %dma_wait3A_115 = arith.constant 0 : i32
        %dma_wait3A_116 = tpu.memref_slice %arg3[%dma_wait3A_114, %dma_wait3A_115] : memref<92x128xi32, #tpu.memory_space<hbm>> -> memref<11x128xi32, #tpu.memory_space<hbm>>
        tpu.wait_dma2 semaphore(%run_scoped3A : memref<!tpu.dma_semaphore, #tpu.memory_space<semaphore_mem>>) src(%dma_wait3A_116 : memref<11x128xi32, #tpu.memory_space<hbm>>) dst(%dma_wait3A_113 : memref<11x128xi32, #tpu.memory_space<vmem>>)
        tpu.yield
      }) : () -> ()
    } else {
    }
    %eq3A_13 = arith.constant 31 : i32
    %eq3A_14 = arith.cmpi eq, %add3A, %eq3A_13 : i32
    %convert_element_type3A_15 = arith.extui %eq3A_14 : i1 to i32
    %cond3A_16 = arith.constant 0 : i32
    %cond3A_17 = arith.cmpi ne, %convert_element_type3A_15, %cond3A_16 : i32
    scf.if %cond3A_17 {
      "tpu.region"() ({
        %run_scoped3A = tpu.sem_alloc : memref<!tpu.dma_semaphore, #tpu.memory_space<semaphore_mem>>
        %dma_start3A_93 = arith.constant 11 : i32
        %dma_start3A_94 = arith.constant 0 : i32
        %dma_start3A_95 = tpu.memref_slice %arg3[%dma_start3A_93, %dma_start3A_94] : memref<92x128xi32, #tpu.memory_space<hbm>> -> memref<81x128xi32, #tpu.memory_space<hbm>>
        %dma_start3A_96 = arith.constant 11 : i32
        %dma_start3A_97 = arith.constant 0 : i32
        %dma_start3A_98 = tpu.memref_slice %arg3[%dma_start3A_96, %dma_start3A_97] : memref<92x128xi32, #tpu.memory_space<hbm>> -> memref<81x128xi32, #tpu.memory_space<hbm>>
        tpu.enqueue_dma source(%dma_start3A_98 : memref<81x128xi32, #tpu.memory_space<hbm>>) target(%arg7 : memref<81x128xi32, #tpu.memory_space<vmem>>) target_semaphore(%run_scoped3A : memref<!tpu.dma_semaphore, #tpu.memory_space<semaphore_mem>>)
        %dma_wait3A_99 = arith.constant 11 : i32
        %dma_wait3A_100 = arith.constant 0 : i32
        %dma_wait3A_101 = tpu.memref_slice %arg3[%dma_wait3A_99, %dma_wait3A_100] : memref<92x128xi32, #tpu.memory_space<hbm>> -> memref<81x128xi32, #tpu.memory_space<hbm>>
        %dma_wait3A_102 = arith.constant 11 : i32
        %dma_wait3A_103 = arith.constant 0 : i32
        %dma_wait3A_104 = tpu.memref_slice %arg3[%dma_wait3A_102, %dma_wait3A_103] : memref<92x128xi32, #tpu.memory_space<hbm>> -> memref<81x128xi32, #tpu.memory_space<hbm>>
        tpu.wait_dma2 semaphore(%run_scoped3A : memref<!tpu.dma_semaphore, #tpu.memory_space<semaphore_mem>>) src(%dma_wait3A_104 : memref<81x128xi32, #tpu.memory_space<hbm>>) dst(%arg7 : memref<81x128xi32, #tpu.memory_space<vmem>>)
        tpu.yield
      }) : () -> ()
    } else {
    }
    %mul3A_18 = arith.constant 640 : i32
    %mul3A_19 = arith.muli %arg1, %mul3A_18 : i32
    %add3A_20 = arith.constant 0 : i32
    %add3A_21 = arith.addi %mul3A_19, %add3A_20 : i32
    "tpu.region"() ({
      %run_scoped3A = tpu.sem_alloc : memref<!tpu.dma_semaphore, #tpu.memory_space<semaphore_mem>>
      %dma_start3A_93 = arith.constant 0 : i32
      %dma_start3A_94 = tpu.memref_slice %arg9[%add3A_21, %dma_start3A_93] : memref<10240x16xf32, #tpu.memory_space<vmem_shared>> -> memref<128x16xf32, #tpu.memory_space<vmem_shared>>
      %dma_start3A_95 = arith.constant 0 : i32
      %dma_start3A_96 = tpu.memref_slice %arg9[%add3A_21, %dma_start3A_95] : memref<10240x16xf32, #tpu.memory_space<vmem_shared>> -> memref<128x16xf32, #tpu.memory_space<vmem_shared>>
      tpu.enqueue_dma source(%arg5 : memref<128x16xf32, #tpu.memory_space<vmem>>) target(%dma_start3A_96 : memref<128x16xf32, #tpu.memory_space<vmem_shared>>) target_semaphore(%run_scoped3A : memref<!tpu.dma_semaphore, #tpu.memory_space<semaphore_mem>>)
      %dma_wait3A_97 = arith.constant 0 : i32
      %dma_wait3A_98 = tpu.memref_slice %arg9[%add3A_21, %dma_wait3A_97] : memref<10240x16xf32, #tpu.memory_space<vmem_shared>> -> memref<128x16xf32, #tpu.memory_space<vmem_shared>>
      %dma_wait3A_99 = arith.constant 0 : i32
      %dma_wait3A_100 = tpu.memref_slice %arg9[%add3A_21, %dma_wait3A_99] : memref<10240x16xf32, #tpu.memory_space<vmem_shared>> -> memref<128x16xf32, #tpu.memory_space<vmem_shared>>
      tpu.wait_dma2 semaphore(%run_scoped3A : memref<!tpu.dma_semaphore, #tpu.memory_space<semaphore_mem>>) src(%arg5 : memref<128x16xf32, #tpu.memory_space<vmem>>) dst(%dma_wait3A_100 : memref<128x16xf32, #tpu.memory_space<vmem_shared>>)
      tpu.yield
    }) : () -> ()
    %mul3A_22 = arith.constant 640 : i32
    %mul3A_23 = arith.muli %arg1, %mul3A_22 : i32
    %add3A_24 = arith.constant 128 : i32
    %add3A_25 = arith.addi %mul3A_23, %add3A_24 : i32
    "tpu.region"() ({
      %run_scoped3A = tpu.sem_alloc : memref<!tpu.dma_semaphore, #tpu.memory_space<semaphore_mem>>
      %dma_start3A_93 = arith.constant 0 : i32
      %dma_start3A_94 = tpu.memref_slice %arg9[%add3A_25, %dma_start3A_93] : memref<10240x16xf32, #tpu.memory_space<vmem_shared>> -> memref<128x16xf32, #tpu.memory_space<vmem_shared>>
      %dma_start3A_95 = arith.constant 0 : i32
      %dma_start3A_96 = tpu.memref_slice %arg9[%add3A_25, %dma_start3A_95] : memref<10240x16xf32, #tpu.memory_space<vmem_shared>> -> memref<128x16xf32, #tpu.memory_space<vmem_shared>>
      tpu.enqueue_dma source(%arg5 : memref<128x16xf32, #tpu.memory_space<vmem>>) target(%dma_start3A_96 : memref<128x16xf32, #tpu.memory_space<vmem_shared>>) target_semaphore(%run_scoped3A : memref<!tpu.dma_semaphore, #tpu.memory_space<semaphore_mem>>)
      %dma_wait3A_97 = arith.constant 0 : i32
      %dma_wait3A_98 = tpu.memref_slice %arg9[%add3A_25, %dma_wait3A_97] : memref<10240x16xf32, #tpu.memory_space<vmem_shared>> -> memref<128x16xf32, #tpu.memory_space<vmem_shared>>
      %dma_wait3A_99 = arith.constant 0 : i32
      %dma_wait3A_100 = tpu.memref_slice %arg9[%add3A_25, %dma_wait3A_99] : memref<10240x16xf32, #tpu.memory_space<vmem_shared>> -> memref<128x16xf32, #tpu.memory_space<vmem_shared>>
      tpu.wait_dma2 semaphore(%run_scoped3A : memref<!tpu.dma_semaphore, #tpu.memory_space<semaphore_mem>>) src(%arg5 : memref<128x16xf32, #tpu.memory_space<vmem>>) dst(%dma_wait3A_100 : memref<128x16xf32, #tpu.memory_space<vmem_shared>>)
      tpu.yield
    }) : () -> ()
    %mul3A_26 = arith.constant 640 : i32
    %mul3A_27 = arith.muli %arg1, %mul3A_26 : i32
    %add3A_28 = arith.constant 256 : i32
    %add3A_29 = arith.addi %mul3A_27, %add3A_28 : i32
    "tpu.region"() ({
      %run_scoped3A = tpu.sem_alloc : memref<!tpu.dma_semaphore, #tpu.memory_space<semaphore_mem>>
      %dma_start3A_93 = arith.constant 0 : i32
      %dma_start3A_94 = tpu.memref_slice %arg9[%add3A_29, %dma_start3A_93] : memref<10240x16xf32, #tpu.memory_space<vmem_shared>> -> memref<128x16xf32, #tpu.memory_space<vmem_shared>>
      %dma_start3A_95 = arith.constant 0 : i32
      %dma_start3A_96 = tpu.memref_slice %arg9[%add3A_29, %dma_start3A_95] : memref<10240x16xf32, #tpu.memory_space<vmem_shared>> -> memref<128x16xf32, #tpu.memory_space<vmem_shared>>
      tpu.enqueue_dma source(%arg5 : memref<128x16xf32, #tpu.memory_space<vmem>>) target(%dma_start3A_96 : memref<128x16xf32, #tpu.memory_space<vmem_shared>>) target_semaphore(%run_scoped3A : memref<!tpu.dma_semaphore, #tpu.memory_space<semaphore_mem>>)
      %dma_wait3A_97 = arith.constant 0 : i32
      %dma_wait3A_98 = tpu.memref_slice %arg9[%add3A_29, %dma_wait3A_97] : memref<10240x16xf32, #tpu.memory_space<vmem_shared>> -> memref<128x16xf32, #tpu.memory_space<vmem_shared>>
      %dma_wait3A_99 = arith.constant 0 : i32
      %dma_wait3A_100 = tpu.memref_slice %arg9[%add3A_29, %dma_wait3A_99] : memref<10240x16xf32, #tpu.memory_space<vmem_shared>> -> memref<128x16xf32, #tpu.memory_space<vmem_shared>>
      tpu.wait_dma2 semaphore(%run_scoped3A : memref<!tpu.dma_semaphore, #tpu.memory_space<semaphore_mem>>) src(%arg5 : memref<128x16xf32, #tpu.memory_space<vmem>>) dst(%dma_wait3A_100 : memref<128x16xf32, #tpu.memory_space<vmem_shared>>)
      tpu.yield
    }) : () -> ()
    %mul3A_30 = arith.constant 640 : i32
    %mul3A_31 = arith.muli %arg1, %mul3A_30 : i32
    %add3A_32 = arith.constant 384 : i32
    %add3A_33 = arith.addi %mul3A_31, %add3A_32 : i32
    "tpu.region"() ({
      %run_scoped3A = tpu.sem_alloc : memref<!tpu.dma_semaphore, #tpu.memory_space<semaphore_mem>>
      %dma_start3A_93 = arith.constant 0 : i32
      %dma_start3A_94 = tpu.memref_slice %arg9[%add3A_33, %dma_start3A_93] : memref<10240x16xf32, #tpu.memory_space<vmem_shared>> -> memref<128x16xf32, #tpu.memory_space<vmem_shared>>
      %dma_start3A_95 = arith.constant 0 : i32
      %dma_start3A_96 = tpu.memref_slice %arg9[%add3A_33, %dma_start3A_95] : memref<10240x16xf32, #tpu.memory_space<vmem_shared>> -> memref<128x16xf32, #tpu.memory_space<vmem_shared>>
      tpu.enqueue_dma source(%arg5 : memref<128x16xf32, #tpu.memory_space<vmem>>) target(%dma_start3A_96 : memref<128x16xf32, #tpu.memory_space<vmem_shared>>) target_semaphore(%run_scoped3A : memref<!tpu.dma_semaphore, #tpu.memory_space<semaphore_mem>>)
      %dma_wait3A_97 = arith.constant 0 : i32
      %dma_wait3A_98 = tpu.memref_slice %arg9[%add3A_33, %dma_wait3A_97] : memref<10240x16xf32, #tpu.memory_space<vmem_shared>> -> memref<128x16xf32, #tpu.memory_space<vmem_shared>>
      %dma_wait3A_99 = arith.constant 0 : i32
      %dma_wait3A_100 = tpu.memref_slice %arg9[%add3A_33, %dma_wait3A_99] : memref<10240x16xf32, #tpu.memory_space<vmem_shared>> -> memref<128x16xf32, #tpu.memory_space<vmem_shared>>
      tpu.wait_dma2 semaphore(%run_scoped3A : memref<!tpu.dma_semaphore, #tpu.memory_space<semaphore_mem>>) src(%arg5 : memref<128x16xf32, #tpu.memory_space<vmem>>) dst(%dma_wait3A_100 : memref<128x16xf32, #tpu.memory_space<vmem_shared>>)
      tpu.yield
    }) : () -> ()
    %mul3A_34 = arith.constant 640 : i32
    %mul3A_35 = arith.muli %arg1, %mul3A_34 : i32
    %add3A_36 = arith.constant 512 : i32
    %add3A_37 = arith.addi %mul3A_35, %add3A_36 : i32
    "tpu.region"() ({
      %run_scoped3A = tpu.sem_alloc : memref<!tpu.dma_semaphore, #tpu.memory_space<semaphore_mem>>
      %dma_start3A_93 = arith.constant 0 : i32
      %dma_start3A_94 = tpu.memref_slice %arg9[%add3A_37, %dma_start3A_93] : memref<10240x16xf32, #tpu.memory_space<vmem_shared>> -> memref<128x16xf32, #tpu.memory_space<vmem_shared>>
      %dma_start3A_95 = arith.constant 0 : i32
      %dma_start3A_96 = tpu.memref_slice %arg9[%add3A_37, %dma_start3A_95] : memref<10240x16xf32, #tpu.memory_space<vmem_shared>> -> memref<128x16xf32, #tpu.memory_space<vmem_shared>>
      tpu.enqueue_dma source(%arg5 : memref<128x16xf32, #tpu.memory_space<vmem>>) target(%dma_start3A_96 : memref<128x16xf32, #tpu.memory_space<vmem_shared>>) target_semaphore(%run_scoped3A : memref<!tpu.dma_semaphore, #tpu.memory_space<semaphore_mem>>)
      %dma_wait3A_97 = arith.constant 0 : i32
      %dma_wait3A_98 = tpu.memref_slice %arg9[%add3A_37, %dma_wait3A_97] : memref<10240x16xf32, #tpu.memory_space<vmem_shared>> -> memref<128x16xf32, #tpu.memory_space<vmem_shared>>
      %dma_wait3A_99 = arith.constant 0 : i32
      %dma_wait3A_100 = tpu.memref_slice %arg9[%add3A_37, %dma_wait3A_99] : memref<10240x16xf32, #tpu.memory_space<vmem_shared>> -> memref<128x16xf32, #tpu.memory_space<vmem_shared>>
      tpu.wait_dma2 semaphore(%run_scoped3A : memref<!tpu.dma_semaphore, #tpu.memory_space<semaphore_mem>>) src(%arg5 : memref<128x16xf32, #tpu.memory_space<vmem>>) dst(%dma_wait3A_100 : memref<128x16xf32, #tpu.memory_space<vmem_shared>>)
      tpu.yield
    }) : () -> ()
    %barrier3A = arith.constant 0 : index
    tpu.barrier barrier_id(%barrier3A)
    %scan3A_38 = arith.constant 0 : i32
    %scan3A_39 = arith.constant 0 : i32
    %scan3A_40 = arith.constant 40 : i32
    %scan3A_41 = arith.addi %scan3A_39, %scan3A_40 : i32
    %scan3A_42 = arith.constant 1 : i32
    %scan3A_43 = scf.for %scan3A_93 = %scan3A_39 to %scan3A_41 step %scan3A_42 iter_args(%scan3A_94 = %scan3A_38) -> (i32)  : i32 {
      %mul3A_95 = arith.constant 2 : i32
      %mul3A_96 = arith.muli %scan3A_93, %mul3A_95 : i32
      %add3A_97 = arith.constant 0 : i32
      %add3A_98 = arith.addi %mul3A_96, %add3A_97 : i32
      %dma_start3A_99 = arith.constant 0 : i32
      %dma_start3A_100 = tpu.memref_slice %arg7[%add3A_98, %dma_start3A_99] : memref<81x128xi32, #tpu.memory_space<vmem>> -> memref<1x128xi32, #tpu.memory_space<vmem>>
      %dma_start3A_101 = tpu.memref_squeeze %dma_start3A_100 : memref<1x128xi32, #tpu.memory_space<vmem>> -> memref<128xi32, #tpu.memory_space<vmem>>
      %dma_start3A_102 = arith.constant 0 : i32
      %dma_start3A_103 = arith.constant 0 : i32
      %dma_start3A_104 = tpu.memref_slice %arg9[%dma_start3A_102, %dma_start3A_103] : memref<10240x16xf32, #tpu.memory_space<vmem_shared>> -> memref<10240x16xf32, #tpu.memory_space<vmem_shared>>
      tpu.enqueue_indirect_dma source(%arg6 : memref<128x16xf32, #tpu.memory_space<vmem>>) target(%dma_start3A_104 : memref<10240x16xf32, #tpu.memory_space<vmem_shared>>) offsets(%dma_start3A_101 : memref<128xi32, #tpu.memory_space<vmem>>) semaphore(%arg8 : memref<!tpu.dma_semaphore, #tpu.memory_space<semaphore_mem>>) {add = true}
      %ge3A = arith.constant 4 : i32
      %ge3A_105 = arith.cmpi sge, %add3A_98, %ge3A : i32
      %convert_element_type3A_106 = arith.extui %ge3A_105 : i1 to i32
      %cond3A_107 = arith.constant 0 : i32
      %cond3A_108 = arith.cmpi ne, %convert_element_type3A_106, %cond3A_107 : i32
      scf.if %cond3A_108 {
        %dma_wait3A_125 = arith.constant 0 : i32
        %dma_wait3A_126 = tpu.memref_slice %arg7[%add3A_98, %dma_wait3A_125] : memref<81x128xi32, #tpu.memory_space<vmem>> -> memref<1x128xi32, #tpu.memory_space<vmem>>
        %dma_wait3A_127 = tpu.memref_squeeze %dma_wait3A_126 : memref<1x128xi32, #tpu.memory_space<vmem>> -> memref<128xi32, #tpu.memory_space<vmem>>
        %dma_wait3A_128 = arith.constant 0 : i32
        %dma_wait3A_129 = arith.constant 0 : i32
        %dma_wait3A_130 = tpu.memref_slice %arg9[%dma_wait3A_128, %dma_wait3A_129] : memref<10240x16xf32, #tpu.memory_space<vmem_shared>> -> memref<10240x16xf32, #tpu.memory_space<vmem_shared>>
        tpu.wait_indirect_dma semaphore(%arg8 : memref<!tpu.dma_semaphore, #tpu.memory_space<semaphore_mem>>) src(%arg6 : memref<128x16xf32, #tpu.memory_space<vmem>>) dst(%dma_wait3A_130 : memref<10240x16xf32, #tpu.memory_space<vmem_shared>>)
      } else {
      }
      %mul3A_109 = arith.constant 2 : i32
      %mul3A_110 = arith.muli %scan3A_93, %mul3A_109 : i32
      %add3A_111 = arith.constant 1 : i32
      %add3A_112 = arith.addi %mul3A_110, %add3A_111 : i32
      %dma_start3A_113 = arith.constant 0 : i32
      %dma_start3A_114 = tpu.memref_slice %arg7[%add3A_112, %dma_start3A_113] : memref<81x128xi32, #tpu.memory_space<vmem>> -> memref<1x128xi32, #tpu.memory_space<vmem>>
      %dma_start3A_115 = tpu.memref_squeeze %dma_start3A_114 : memref<1x128xi32, #tpu.memory_space<vmem>> -> memref<128xi32, #tpu.memory_space<vmem>>
      %dma_start3A_116 = arith.constant 0 : i32
      %dma_start3A_117 = arith.constant 0 : i32
      %dma_start3A_118 = tpu.memref_slice %arg9[%dma_start3A_116, %dma_start3A_117] : memref<10240x16xf32, #tpu.memory_space<vmem_shared>> -> memref<10240x16xf32, #tpu.memory_space<vmem_shared>>
      tpu.enqueue_indirect_dma source(%arg6 : memref<128x16xf32, #tpu.memory_space<vmem>>) target(%dma_start3A_118 : memref<10240x16xf32, #tpu.memory_space<vmem_shared>>) offsets(%dma_start3A_115 : memref<128xi32, #tpu.memory_space<vmem>>) semaphore(%arg8 : memref<!tpu.dma_semaphore, #tpu.memory_space<semaphore_mem>>) {add = true}
      %ge3A_119 = arith.constant 4 : i32
      %ge3A_120 = arith.cmpi sge, %add3A_112, %ge3A_119 : i32
      %convert_element_type3A_121 = arith.extui %ge3A_120 : i1 to i32
      %cond3A_122 = arith.constant 0 : i32
      %cond3A_123 = arith.cmpi ne, %convert_element_type3A_121, %cond3A_122 : i32
      scf.if %cond3A_123 {
        %dma_wait3A_125 = arith.constant 0 : i32
        %dma_wait3A_126 = tpu.memref_slice %arg7[%add3A_112, %dma_wait3A_125] : memref<81x128xi32, #tpu.memory_space<vmem>> -> memref<1x128xi32, #tpu.memory_space<vmem>>
        %dma_wait3A_127 = tpu.memref_squeeze %dma_wait3A_126 : memref<1x128xi32, #tpu.memory_space<vmem>> -> memref<128xi32, #tpu.memory_space<vmem>>
        %dma_wait3A_128 = arith.constant 0 : i32
        %dma_wait3A_129 = arith.constant 0 : i32
        %dma_wait3A_130 = tpu.memref_slice %arg9[%dma_wait3A_128, %dma_wait3A_129] : memref<10240x16xf32, #tpu.memory_space<vmem_shared>> -> memref<10240x16xf32, #tpu.memory_space<vmem_shared>>
        tpu.wait_indirect_dma semaphore(%arg8 : memref<!tpu.dma_semaphore, #tpu.memory_space<semaphore_mem>>) src(%arg6 : memref<128x16xf32, #tpu.memory_space<vmem>>) dst(%dma_wait3A_130 : memref<10240x16xf32, #tpu.memory_space<vmem_shared>>)
      } else {
      }
      %scan3A_124 = arith.constant 0 : i32
      scf.yield %scan3A_124 : i32
    }
    %scan3A_44 = arith.constant 40 : i32
    %dma_start3A = arith.constant 80 : i32
    %dma_start3A_45 = arith.constant 0 : i32
    %dma_start3A_46 = tpu.memref_slice %arg7[%dma_start3A, %dma_start3A_45] : memref<81x128xi32, #tpu.memory_space<vmem>> -> memref<1x128xi32, #tpu.memory_space<vmem>>
    %dma_start3A_47 = tpu.memref_squeeze %dma_start3A_46 : memref<1x128xi32, #tpu.memory_space<vmem>> -> memref<128xi32, #tpu.memory_space<vmem>>
    %dma_start3A_48 = arith.constant 0 : i32
    %dma_start3A_49 = arith.constant 0 : i32
    %dma_start3A_50 = tpu.memref_slice %arg9[%dma_start3A_48, %dma_start3A_49] : memref<10240x16xf32, #tpu.memory_space<vmem_shared>> -> memref<10240x16xf32, #tpu.memory_space<vmem_shared>>
    tpu.enqueue_indirect_dma source(%arg6 : memref<128x16xf32, #tpu.memory_space<vmem>>) target(%dma_start3A_50 : memref<10240x16xf32, #tpu.memory_space<vmem_shared>>) offsets(%dma_start3A_47 : memref<128xi32, #tpu.memory_space<vmem>>) semaphore(%arg8 : memref<!tpu.dma_semaphore, #tpu.memory_space<semaphore_mem>>) {add = true}
    %dma_wait3A = arith.constant 0 : i32
    %dma_wait3A_51 = arith.constant 0 : i32
    %dma_wait3A_52 = tpu.memref_slice %arg7[%dma_wait3A, %dma_wait3A_51] : memref<81x128xi32, #tpu.memory_space<vmem>> -> memref<1x128xi32, #tpu.memory_space<vmem>>
    %dma_wait3A_53 = tpu.memref_squeeze %dma_wait3A_52 : memref<1x128xi32, #tpu.memory_space<vmem>> -> memref<128xi32, #tpu.memory_space<vmem>>
    %dma_wait3A_54 = arith.constant 0 : i32
    %dma_wait3A_55 = arith.constant 0 : i32
    %dma_wait3A_56 = tpu.memref_slice %arg9[%dma_wait3A_54, %dma_wait3A_55] : memref<10240x16xf32, #tpu.memory_space<vmem_shared>> -> memref<10240x16xf32, #tpu.memory_space<vmem_shared>>
    tpu.wait_indirect_dma semaphore(%arg8 : memref<!tpu.dma_semaphore, #tpu.memory_space<semaphore_mem>>) src(%arg6 : memref<128x16xf32, #tpu.memory_space<vmem>>) dst(%dma_wait3A_56 : memref<10240x16xf32, #tpu.memory_space<vmem_shared>>)
    %dma_wait3A_57 = arith.constant 0 : i32
    %dma_wait3A_58 = arith.constant 0 : i32
    %dma_wait3A_59 = tpu.memref_slice %arg7[%dma_wait3A_57, %dma_wait3A_58] : memref<81x128xi32, #tpu.memory_space<vmem>> -> memref<1x128xi32, #tpu.memory_space<vmem>>
    %dma_wait3A_60 = tpu.memref_squeeze %dma_wait3A_59 : memref<1x128xi32, #tpu.memory_space<vmem>> -> memref<128xi32, #tpu.memory_space<vmem>>
    %dma_wait3A_61 = arith.constant 0 : i32
    %dma_wait3A_62 = arith.constant 0 : i32
    %dma_wait3A_63 = tpu.memref_slice %arg9[%dma_wait3A_61, %dma_wait3A_62] : memref<10240x16xf32, #tpu.memory_space<vmem_shared>> -> memref<10240x16xf32, #tpu.memory_space<vmem_shared>>
    tpu.wait_indirect_dma semaphore(%arg8 : memref<!tpu.dma_semaphore, #tpu.memory_space<semaphore_mem>>) src(%arg6 : memref<128x16xf32, #tpu.memory_space<vmem>>) dst(%dma_wait3A_63 : memref<10240x16xf32, #tpu.memory_space<vmem_shared>>)
    %dma_wait3A_64 = arith.constant 0 : i32
    %dma_wait3A_65 = arith.constant 0 : i32
    %dma_wait3A_66 = tpu.memref_slice %arg7[%dma_wait3A_64, %dma_wait3A_65] : memref<81x128xi32, #tpu.memory_space<vmem>> -> memref<1x128xi32, #tpu.memory_space<vmem>>
    %dma_wait3A_67 = tpu.memref_squeeze %dma_wait3A_66 : memref<1x128xi32, #tpu.memory_space<vmem>> -> memref<128xi32, #tpu.memory_space<vmem>>
    %dma_wait3A_68 = arith.constant 0 : i32
    %dma_wait3A_69 = arith.constant 0 : i32
    %dma_wait3A_70 = tpu.memref_slice %arg9[%dma_wait3A_68, %dma_wait3A_69] : memref<10240x16xf32, #tpu.memory_space<vmem_shared>> -> memref<10240x16xf32, #tpu.memory_space<vmem_shared>>
    tpu.wait_indirect_dma semaphore(%arg8 : memref<!tpu.dma_semaphore, #tpu.memory_space<semaphore_mem>>) src(%arg6 : memref<128x16xf32, #tpu.memory_space<vmem>>) dst(%dma_wait3A_70 : memref<10240x16xf32, #tpu.memory_space<vmem_shared>>)
    %dma_wait3A_71 = arith.constant 0 : i32
    %dma_wait3A_72 = arith.constant 0 : i32
    %dma_wait3A_73 = tpu.memref_slice %arg7[%dma_wait3A_71, %dma_wait3A_72] : memref<81x128xi32, #tpu.memory_space<vmem>> -> memref<1x128xi32, #tpu.memory_space<vmem>>
    %dma_wait3A_74 = tpu.memref_squeeze %dma_wait3A_73 : memref<1x128xi32, #tpu.memory_space<vmem>> -> memref<128xi32, #tpu.memory_space<vmem>>
    %dma_wait3A_75 = arith.constant 0 : i32
    %dma_wait3A_76 = arith.constant 0 : i32
    %dma_wait3A_77 = tpu.memref_slice %arg9[%dma_wait3A_75, %dma_wait3A_76] : memref<10240x16xf32, #tpu.memory_space<vmem_shared>> -> memref<10240x16xf32, #tpu.memory_space<vmem_shared>>
    tpu.wait_indirect_dma semaphore(%arg8 : memref<!tpu.dma_semaphore, #tpu.memory_space<semaphore_mem>>) src(%arg6 : memref<128x16xf32, #tpu.memory_space<vmem>>) dst(%dma_wait3A_77 : memref<10240x16xf32, #tpu.memory_space<vmem_shared>>)
    %dma_wait3A_78 = arith.constant 0 : i32
    %dma_wait3A_79 = arith.constant 0 : i32
    %dma_wait3A_80 = tpu.memref_slice %arg7[%dma_wait3A_78, %dma_wait3A_79] : memref<81x128xi32, #tpu.memory_space<vmem>> -> memref<1x128xi32, #tpu.memory_space<vmem>>
    %dma_wait3A_81 = tpu.memref_squeeze %dma_wait3A_80 : memref<1x128xi32, #tpu.memory_space<vmem>> -> memref<128xi32, #tpu.memory_space<vmem>>
    %dma_wait3A_82 = arith.constant 0 : i32
    %dma_wait3A_83 = arith.constant 0 : i32
    %dma_wait3A_84 = tpu.memref_slice %arg9[%dma_wait3A_82, %dma_wait3A_83] : memref<10240x16xf32, #tpu.memory_space<vmem_shared>> -> memref<10240x16xf32, #tpu.memory_space<vmem_shared>>
    tpu.wait_indirect_dma semaphore(%arg8 : memref<!tpu.dma_semaphore, #tpu.memory_space<semaphore_mem>>) src(%arg6 : memref<128x16xf32, #tpu.memory_space<vmem>>) dst(%dma_wait3A_84 : memref<10240x16xf32, #tpu.memory_space<vmem_shared>>)
    %barrier3A_85 = arith.constant 0 : index
    tpu.barrier barrier_id(%barrier3A_85)
    %mul3A_86 = arith.constant 640 : i32
    %mul3A_87 = arith.muli %arg1, %mul3A_86 : i32
    %mul3A_88 = arith.constant 10240 : i32
    %mul3A_89 = arith.muli %arg0, %mul3A_88 : i32
    %mul3A_90 = arith.constant 640 : i32
    %mul3A_91 = arith.muli %arg1, %mul3A_90 : i32
    %add3A_92 = arith.addi %mul3A_89, %mul3A_91 : i32
    "tpu.region"() ({
      %run_scoped3A = tpu.sem_alloc : memref<!tpu.dma_semaphore, #tpu.memory_space<semaphore_mem>>
      %dma_start3A_93 = arith.constant 0 : i32
      %dma_start3A_94 = tpu.memref_slice %arg4[%add3A_92, %dma_start3A_93] : memref<20480x16xf32, #tpu.memory_space<hbm>> -> memref<640x16xf32, #tpu.memory_space<hbm>>
      %dma_start3A_95 = arith.constant 0 : i32
      %dma_start3A_96 = tpu.memref_slice %arg9[%mul3A_87, %dma_start3A_95] : memref<10240x16xf32, #tpu.memory_space<vmem_shared>> -> memref<640x16xf32, #tpu.memory_space<vmem_shared>>
      tpu.enqueue_dma source(%dma_start3A_96 : memref<640x16xf32, #tpu.memory_space<vmem_shared>>) target(%dma_start3A_94 : memref<640x16xf32, #tpu.memory_space<hbm>>) target_semaphore(%run_scoped3A : memref<!tpu.dma_semaphore, #tpu.memory_space<semaphore_mem>>)
      %dma_wait3A_97 = arith.constant 0 : i32
      %dma_wait3A_98 = tpu.memref_slice %arg4[%add3A_92, %dma_wait3A_97] : memref<20480x16xf32, #tpu.memory_space<hbm>> -> memref<640x16xf32, #tpu.memory_space<hbm>>
      %dma_wait3A_99 = arith.constant 0 : i32
      %dma_wait3A_100 = tpu.memref_slice %arg9[%mul3A_87, %dma_wait3A_99] : memref<10240x16xf32, #tpu.memory_space<vmem_shared>> -> memref<640x16xf32, #tpu.memory_space<vmem_shared>>
      tpu.wait_dma2 semaphore(%run_scoped3A : memref<!tpu.dma_semaphore, #tpu.memory_space<semaphore_mem>>) src(%dma_wait3A_100 : memref<640x16xf32, #tpu.memory_space<vmem_shared>>) dst(%dma_wait3A_98 : memref<640x16xf32, #tpu.memory_space<hbm>>)
      tpu.yield
    }) : () -> ()
    return
  }
}

module attributes {stable_mosaic.version = 14 : i64} {
  func.func @_tc1_body(%arg0: i32, %arg1: memref<1280x128xf32, #tpu.memory_space<vmem>>, %arg2: memref<128x64xf32, #tpu.memory_space<vmem>>, %arg3: memref<640x1280xf32, #tpu.memory_space<vmem>>, %arg4: memref<640x1280xf32, #tpu.memory_space<vmem>>, %arg5: memref<640x128xf32, #tpu.memory_space<vmem>>) attributes {dimension_semantics = [#tpu.dimension_semantics<arbitrary>], iteration_bounds = array<i64: 8>, scalar_prefetch = 0 : i64, scratch_operands = 0 : i64, tpu.core_type = #tpu.core_type<tc>, window_params = [{transform_indices = @transform_0, window_bounds = array<i64: 1280, 128>}, {pipeline_mode = #tpu.pipeline_mode<synchronous>, transform_indices = @transform_1, window_bounds = array<i64: 128, 64>}, {pipeline_mode = #tpu.pipeline_mode<synchronous>, transform_indices = @transform_2, window_bounds = array<i64: 640, 1280>}, {pipeline_mode = #tpu.pipeline_mode<synchronous>, transform_indices = @transform_3, window_bounds = array<i64: 640, 1280>}, {transform_indices = @transform_4, window_bounds = array<i64: 640, 128>}]} {
    %get3A = arith.constant 0 : index
    %get3A_0 = arith.constant 0 : index
    %get3A_1 = vector.load %arg1[%get3A, %get3A_0] : memref<1280x128xf32, #tpu.memory_space<vmem>>, vector<1280x128xf32>
    %get3A_2 = arith.constant 0 : index
    %get3A_3 = arith.constant 0 : index
    %get3A_4 = vector.load %arg2[%get3A_2, %get3A_3] : memref<128x64xf32, #tpu.memory_space<vmem>>, vector<128x64xf32>
    %dot_general3A = arith.constant dense<0.000000e+00> : vector<1280x64xf32>
    %dot_general3A_5 = tpu.matmul %get3A_1, %get3A_4, %dot_general3A {dimension_numbers = #tpu.dot_dimension_numbers<[1], [0], [0], [1], [0, 0, 1, 1], [], []>, transpose_lhs_hint = false} : vector<1280x128xf32>, vector<128x64xf32>, vector<1280x64xf32> -> vector<1280x64xf32>
    %get3A_6 = arith.constant 0 : index
    %get3A_7 = arith.constant 0 : index
    %get3A_8 = vector.load %arg3[%get3A_6, %get3A_7] : memref<640x1280xf32, #tpu.memory_space<vmem>>, vector<640x1280xf32>
    %dot_general3A_9 = arith.constant dense<0.000000e+00> : vector<640x64xf32>
    %dot_general3A_10 = tpu.matmul %get3A_8, %dot_general3A_5, %dot_general3A_9 {dimension_numbers = #tpu.dot_dimension_numbers<[1], [0], [0], [1], [0, 0, 1, 1], [], []>, transpose_lhs_hint = false} : vector<640x1280xf32>, vector<1280x64xf32>, vector<640x64xf32> -> vector<640x64xf32>
    %get3A_11 = arith.constant 0 : index
    %get3A_12 = arith.constant 0 : index
    %get3A_13 = vector.load %arg4[%get3A_11, %get3A_12] : memref<640x1280xf32, #tpu.memory_space<vmem>>, vector<640x1280xf32>
    %dot_general3A_14 = arith.constant dense<0.000000e+00> : vector<640x64xf32>
    %dot_general3A_15 = tpu.matmul %get3A_13, %dot_general3A_5, %dot_general3A_14 {dimension_numbers = #tpu.dot_dimension_numbers<[1], [0], [0], [1], [0, 0, 1, 1], [], []>, transpose_lhs_hint = false} : vector<640x1280xf32>, vector<1280x64xf32>, vector<640x64xf32> -> vector<640x64xf32>
    %concatenate3A = tpu.concatenate %dot_general3A_10, %dot_general3A_15 in 1 : vector<640x64xf32>, vector<640x64xf32> -> vector<640x128xf32>
    %swap3A = arith.constant 0 : index
    %swap3A_16 = arith.constant 0 : index
    %swap3A_17 = vector.load %arg5[%swap3A, %swap3A_16] : memref<640x128xf32, #tpu.memory_space<vmem>>, vector<640x128xf32>
    tpu.vector_store %arg5[%swap3A, %swap3A_16], %concatenate3A {strides = array<i32>} : memref<640x128xf32, #tpu.memory_space<vmem>>, vector<640x128xf32>,
    return
  }
  func.func @transform_0(%arg0: i32) -> (i32, i32) {
    %c0_i32 = arith.constant 0 : i32
    %c0_i32_0 = arith.constant 0 : i32
    return %arg0, %c0_i32 : i32, i32
  }
  func.func @transform_1(%arg0: i32) -> (i32, i32) {
    %c0_i32 = arith.constant 0 : i32
    %c0_i32_0 = arith.constant 0 : i32
    %c0_i32_1 = arith.constant 0 : i32
    return %c0_i32, %c0_i32_0 : i32, i32
  }
  func.func @transform_2(%arg0: i32) -> (i32, i32) {
    %c0_i32 = arith.constant 0 : i32
    %c0_i32_0 = arith.constant 0 : i32
    %c0_i32_1 = arith.constant 0 : i32
    return %c0_i32, %c0_i32_0 : i32, i32
  }
  func.func @transform_3(%arg0: i32) -> (i32, i32) {
    %c0_i32 = arith.constant 0 : i32
    %c0_i32_0 = arith.constant 0 : i32
    %c0_i32_1 = arith.constant 0 : i32
    return %c0_i32, %c0_i32_0 : i32, i32
  }
  func.func @transform_4(%arg0: i32) -> (i32, i32) {
    %c0_i32 = arith.constant 0 : i32
    %c0_i32_0 = arith.constant 0 : i32
    return %arg0, %c0_i32 : i32, i32
  }
}

module attributes {stable_mosaic.version = 14 : i64} {
  func.func @_tcd_body(%arg0: i32, %arg1: memref<640x128xf32, #tpu.memory_space<vmem>>, %arg2: memref<2x160x128xf32, #tpu.memory_space<vmem>>, %arg3: memref<640x128xf32, #tpu.memory_space<vmem>>, %arg4: memref<640x128xf32, #tpu.memory_space<vmem>>) attributes {dimension_semantics = [#tpu.dimension_semantics<arbitrary>], iteration_bounds = array<i64: 8>, scalar_prefetch = 0 : i64, scratch_operands = 0 : i64, tpu.core_type = #tpu.core_type<tc>, window_params = [{transform_indices = @transform_0, window_bounds = array<i64: 640, 128>}, {transform_indices = @transform_1, window_bounds = array<i64: 2, 160, 128>}, {transform_indices = @transform_2, window_bounds = array<i64: 640, 128>}, {transform_indices = @transform_3, window_bounds = array<i64: 640, 128>}]} {
    %get3A = arith.constant 0 : index
    %get3A_0 = arith.constant 0 : index
    %get3A_1 = arith.constant 0 : index
    %get3A_2 = vector.load %arg2[%get3A, %get3A_0, %get3A_1] : memref<2x160x128xf32, #tpu.memory_space<vmem>>, vector<1x160x128xf32>
    %get3A_3 = vector.shape_cast %get3A_2 : vector<1x160x128xf32> to vector<160x128xf32>
    %get3A_4 = arith.constant 1 : index
    %get3A_5 = arith.constant 0 : index
    %get3A_6 = arith.constant 0 : index
    %get3A_7 = vector.load %arg2[%get3A_4, %get3A_5, %get3A_6] : memref<2x160x128xf32, #tpu.memory_space<vmem>>, vector<1x160x128xf32>
    %get3A_8 = vector.shape_cast %get3A_7 : vector<1x160x128xf32> to vector<160x128xf32>
    %add3A = arith.addf %get3A_3, %get3A_8 : vector<160x128xf32>
    %iota3A = tpu.iota {dimensions = array<i32: 0>} : vector<640x160xi32>
    %iota3A_9 = tpu.iota {dimensions = array<i32: 1>} : vector<640x160xi32>
    %jit3A = arith.constant 4 : i32
    %div3A = vector.broadcast %jit3A : i32 to vector<640x160xi32>
    %div3A_10 = arith.divsi %iota3A, %div3A : vector<640x160xi32>
    %sign3A = arith.constant 0 : i32
    %sign3A_11 = vector.broadcast %sign3A : i32 to vector<640x160xi32>
    %sign3A_12 = arith.cmpi sgt, %iota3A, %sign3A_11 : vector<640x160xi32>
    %sign3A_13 = arith.extui %sign3A_12 : vector<640x160xi1> to vector<640x160xi32>
    %sign3A_14 = arith.constant 0 : i32
    %sign3A_15 = vector.broadcast %sign3A_14 : i32 to vector<640x160xi32>
    %sign3A_16 = arith.cmpi slt, %iota3A, %sign3A_15 : vector<640x160xi32>
    %sign3A_17 = arith.extui %sign3A_16 : vector<640x160xi1> to vector<640x160xi32>
    %sign3A_18 = arith.subi %sign3A_13, %sign3A_17 : vector<640x160xi32>
    %sign3A_19 = arith.constant 0 : i32
    %sign3A_20 = arith.cmpi sgt, %jit3A, %sign3A_19 : i32
    %sign3A_21 = arith.extui %sign3A_20 : i1 to i32
    %sign3A_22 = arith.constant 0 : i32
    %sign3A_23 = arith.cmpi slt, %jit3A, %sign3A_22 : i32
    %sign3A_24 = arith.extui %sign3A_23 : i1 to i32
    %sign3A_25 = arith.subi %sign3A_21, %sign3A_24 : i32
    %ne3A = vector.broadcast %sign3A_25 : i32 to vector<640x160xi32>
    %ne3A_26 = arith.cmpi ne, %sign3A_18, %ne3A : vector<640x160xi32>
    %rem3A = vector.broadcast %jit3A : i32 to vector<640x160xi32>
    %rem3A_27 = arith.remsi %iota3A, %rem3A : vector<640x160xi32>
    %ne3A_28 = arith.constant 0 : i32
    %ne3A_29 = vector.broadcast %ne3A_28 : i32 to vector<640x160xi32>
    %ne3A_30 = arith.cmpi ne, %rem3A_27, %ne3A_29 : vector<640x160xi32>
    %and3A = arith.andi %ne3A_26, %ne3A_30 : vector<640x160xi1>
    %sub3A = arith.constant 1 : i32
    %sub3A_31 = vector.broadcast %sub3A : i32 to vector<640x160xi32>
    %sub3A_32 = arith.subi %div3A_10, %sub3A_31 : vector<640x160xi32>
    %select_n3A = arith.select %and3A, %sub3A_32, %div3A_10 : vector<640x160xi1>, vector<640x160xi32>
    %eq3A = arith.cmpi eq, %iota3A_9, %select_n3A : vector<640x160xi32>
    %convert_element_type3A = arith.extui %eq3A : vector<640x160xi1> to vector<640x160xi32>
    %convert_element_type3A_33 = arith.sitofp %convert_element_type3A : vector<640x160xi32> to vector<640x160xf32>
    %dot_general3A = arith.constant dense<0.000000e+00> : vector<640x128xf32>
    %dot_general3A_34 = tpu.matmul %convert_element_type3A_33, %add3A, %dot_general3A {dimension_numbers = #tpu.dot_dimension_numbers<[1], [0], [0], [1], [0, 0, 1, 1], [], []>, transpose_lhs_hint = false} : vector<640x160xf32>, vector<160x128xf32>, vector<640x128xf32> -> vector<640x128xf32>
    %iota3A_35 = tpu.iota {dimensions = array<i32: 0>} : vector<640x128xi32>
    %jit3A_36 = arith.constant 4 : i32
    %eq3A_37 = arith.constant 0 : i32
    %eq3A_38 = arith.cmpi eq, %jit3A_36, %eq3A_37 : i32
    %jit3A_39 = arith.constant 1 : i32
    %select_n3A_40 = arith.select %eq3A_38, %jit3A_39, %jit3A_36 : i32
    %rem3A_41 = vector.broadcast %select_n3A_40 : i32 to vector<640x128xi32>
    %rem3A_42 = arith.remsi %iota3A_35, %rem3A_41 : vector<640x128xi32>
    %ne3A_43 = arith.constant 0 : i32
    %ne3A_44 = vector.broadcast %ne3A_43 : i32 to vector<640x128xi32>
    %ne3A_45 = arith.cmpi ne, %rem3A_42, %ne3A_44 : vector<640x128xi32>
    %lt3A = arith.constant 0 : i32
    %lt3A_46 = vector.broadcast %lt3A : i32 to vector<640x128xi32>
    %lt3A_47 = arith.cmpi slt, %rem3A_42, %lt3A_46 : vector<640x128xi32>
    %lt3A_48 = arith.constant 0 : i32
    %lt3A_49 = arith.cmpi slt, %select_n3A_40, %lt3A_48 : i32
    %ne3A_50 = vector.broadcast %lt3A_49 : i1 to vector<640x128xi1>
    %ne3A_51 = vector.broadcast %ne3A_50 : vector<640x128xi1> to vector<640x128xi1>
    %ne3A_52 = arith.xori %lt3A_47, %ne3A_51 : vector<640x128xi1>
    %and3A_53 = arith.andi %ne3A_52, %ne3A_45 : vector<640x128xi1>
    %add3A_54 = vector.broadcast %select_n3A_40 : i32 to vector<640x128xi32>
    %add3A_55 = arith.addi %rem3A_42, %add3A_54 : vector<640x128xi32>
    %select_n3A_56 = arith.select %and3A_53, %add3A_55, %rem3A_42 : vector<640x128xi1>, vector<640x128xi32>
    %iota3A_57 = tpu.iota {dimensions = array<i32: 1>} : vector<640x128xi32>
    %broadcast_in_dim3A = arith.constant 0.000000e+00 : f32
    %broadcast_in_dim3A_58 = vector.broadcast %broadcast_in_dim3A : f32 to vector<640x128xf32>
    %lt3A_59 = arith.constant 64 : i32
    %lt3A_60 = vector.broadcast %lt3A_59 : i32 to vector<640x128xi32>
    %lt3A_61 = arith.cmpi slt, %iota3A_57, %lt3A_60 : vector<640x128xi32>
    %slice3A = vector.extract_strided_slice %dot_general3A_34 {offsets = [0, 0], sizes = [640, 1], strides = [1, 1]} : vector<640x128xf32> to vector<640x1xf32>
    %broadcast_in_dim3A_62 = vector.shape_cast %slice3A : vector<640x1xf32> to vector<640x1xf32>
    %broadcast_in_dim3A_63 = vector.broadcast %broadcast_in_dim3A_62 : vector<640x1xf32> to vector<640x128xf32>
    %slice3A_64 = vector.extract_strided_slice %dot_general3A_34 {offsets = [0, 16], sizes = [640, 1], strides = [1, 1]} : vector<640x128xf32> to vector<640x1xf32>
    %broadcast_in_dim3A_65 = vector.shape_cast %slice3A_64 : vector<640x1xf32> to vector<640x1xf32>
    %broadcast_in_dim3A_66 = vector.broadcast %broadcast_in_dim3A_65 : vector<640x1xf32> to vector<640x128xf32>
    %select_n3A_67 = arith.select %lt3A_61, %broadcast_in_dim3A_63, %broadcast_in_dim3A_66 : vector<640x128xi1>, vector<640x128xf32>
    %eq3A_68 = arith.constant 0 : i32
    %eq3A_69 = vector.broadcast %eq3A_68 : i32 to vector<640x128xi32>
    %eq3A_70 = arith.cmpi eq, %select_n3A_56, %eq3A_69 : vector<640x128xi32>
    %select_n3A_71 = arith.select %eq3A_70, %select_n3A_67, %broadcast_in_dim3A_58 : vector<640x128xi1>, vector<640x128xf32>
    %lt3A_72 = arith.constant 64 : i32
    %lt3A_73 = vector.broadcast %lt3A_72 : i32 to vector<640x128xi32>
    %lt3A_74 = arith.cmpi slt, %iota3A_57, %lt3A_73 : vector<640x128xi32>
    %slice3A_75 = vector.extract_strided_slice %dot_general3A_34 {offsets = [0, 32], sizes = [640, 1], strides = [1, 1]} : vector<640x128xf32> to vector<640x1xf32>
    %broadcast_in_dim3A_76 = vector.shape_cast %slice3A_75 : vector<640x1xf32> to vector<640x1xf32>
    %broadcast_in_dim3A_77 = vector.broadcast %broadcast_in_dim3A_76 : vector<640x1xf32> to vector<640x128xf32>
    %slice3A_78 = vector.extract_strided_slice %dot_general3A_34 {offsets = [0, 48], sizes = [640, 1], strides = [1, 1]} : vector<640x128xf32> to vector<640x1xf32>
    %broadcast_in_dim3A_79 = vector.shape_cast %slice3A_78 : vector<640x1xf32> to vector<640x1xf32>
    %broadcast_in_dim3A_80 = vector.broadcast %broadcast_in_dim3A_79 : vector<640x1xf32> to vector<640x128xf32>
    %select_n3A_81 = arith.select %lt3A_74, %broadcast_in_dim3A_77, %broadcast_in_dim3A_80 : vector<640x128xi1>, vector<640x128xf32>
    %eq3A_82 = arith.constant 1 : i32
    %eq3A_83 = vector.broadcast %eq3A_82 : i32 to vector<640x128xi32>
    %eq3A_84 = arith.cmpi eq, %select_n3A_56, %eq3A_83 : vector<640x128xi32>
    %select_n3A_85 = arith.select %eq3A_84, %select_n3A_81, %select_n3A_71 : vector<640x128xi1>, vector<640x128xf32>
    %lt3A_86 = arith.constant 64 : i32
    %lt3A_87 = vector.broadcast %lt3A_86 : i32 to vector<640x128xi32>
    %lt3A_88 = arith.cmpi slt, %iota3A_57, %lt3A_87 : vector<640x128xi32>
    %slice3A_89 = vector.extract_strided_slice %dot_general3A_34 {offsets = [0, 64], sizes = [640, 1], strides = [1, 1]} : vector<640x128xf32> to vector<640x1xf32>
    %broadcast_in_dim3A_90 = vector.shape_cast %slice3A_89 : vector<640x1xf32> to vector<640x1xf32>
    %broadcast_in_dim3A_91 = vector.broadcast %broadcast_in_dim3A_90 : vector<640x1xf32> to vector<640x128xf32>
    %slice3A_92 = vector.extract_strided_slice %dot_general3A_34 {offsets = [0, 80], sizes = [640, 1], strides = [1, 1]} : vector<640x128xf32> to vector<640x1xf32>
    %broadcast_in_dim3A_93 = vector.shape_cast %slice3A_92 : vector<640x1xf32> to vector<640x1xf32>
    %broadcast_in_dim3A_94 = vector.broadcast %broadcast_in_dim3A_93 : vector<640x1xf32> to vector<640x128xf32>
    %select_n3A_95 = arith.select %lt3A_88, %broadcast_in_dim3A_91, %broadcast_in_dim3A_94 : vector<640x128xi1>, vector<640x128xf32>
    %eq3A_96 = arith.constant 2 : i32
    %eq3A_97 = vector.broadcast %eq3A_96 : i32 to vector<640x128xi32>
    %eq3A_98 = arith.cmpi eq, %select_n3A_56, %eq3A_97 : vector<640x128xi32>
    %select_n3A_99 = arith.select %eq3A_98, %select_n3A_95, %select_n3A_85 : vector<640x128xi1>, vector<640x128xf32>
    %lt3A_100 = arith.constant 64 : i32
    %lt3A_101 = vector.broadcast %lt3A_100 : i32 to vector<640x128xi32>
    %lt3A_102 = arith.cmpi slt, %iota3A_57, %lt3A_101 : vector<640x128xi32>
    %slice3A_103 = vector.extract_strided_slice %dot_general3A_34 {offsets = [0, 96], sizes = [640, 1], strides = [1, 1]} : vector<640x128xf32> to vector<640x1xf32>
    %broadcast_in_dim3A_104 = vector.shape_cast %slice3A_103 : vector<640x1xf32> to vector<640x1xf32>
    %broadcast_in_dim3A_105 = vector.broadcast %broadcast_in_dim3A_104 : vector<640x1xf32> to vector<640x128xf32>
    %slice3A_106 = vector.extract_strided_slice %dot_general3A_34 {offsets = [0, 112], sizes = [640, 1], strides = [1, 1]} : vector<640x128xf32> to vector<640x1xf32>
    %broadcast_in_dim3A_107 = vector.shape_cast %slice3A_106 : vector<640x1xf32> to vector<640x1xf32>
    %broadcast_in_dim3A_108 = vector.broadcast %broadcast_in_dim3A_107 : vector<640x1xf32> to vector<640x128xf32>
    %select_n3A_109 = arith.select %lt3A_102, %broadcast_in_dim3A_105, %broadcast_in_dim3A_108 : vector<640x128xi1>, vector<640x128xf32>
    %eq3A_110 = arith.constant 3 : i32
    %eq3A_111 = vector.broadcast %eq3A_110 : i32 to vector<640x128xi32>
    %eq3A_112 = arith.cmpi eq, %select_n3A_56, %eq3A_111 : vector<640x128xi32>
    %select_n3A_113 = arith.select %eq3A_112, %select_n3A_109, %select_n3A_99 : vector<640x128xi1>, vector<640x128xf32>
    %mul3A = arith.constant 640 : i32
    %mul3A_114 = arith.muli %arg0, %mul3A : i32
    %iota3A_115 = tpu.iota {dimensions = array<i32: 0>} : vector<640x128xi32>
    %add3A_116 = vector.broadcast %mul3A_114 : i32 to vector<640x128xi32>
    %add3A_117 = arith.addi %add3A_116, %iota3A_115 : vector<640x128xi32>
    %mul3A_118 = arith.constant 2 : i32
    %mul3A_119 = vector.broadcast %mul3A_118 : i32 to vector<640x128xi32>
    %mul3A_120 = arith.muli %mul3A_119, %add3A_117 : vector<640x128xi32>
    %ge3A = arith.constant 64 : i32
    %ge3A_121 = vector.broadcast %ge3A : i32 to vector<640x128xi32>
    %ge3A_122 = arith.cmpi sge, %iota3A_57, %ge3A_121 : vector<640x128xi32>
    %convert_element_type3A_123 = arith.extui %ge3A_122 : vector<640x128xi1> to vector<640x128xi32>
    %add3A_124 = arith.addi %mul3A_120, %convert_element_type3A_123 : vector<640x128xi32>
    %lt3A_125 = arith.constant 10000 : i32
    %lt3A_126 = vector.broadcast %lt3A_125 : i32 to vector<640x128xi32>
    %lt3A_127 = arith.cmpi slt, %add3A_124, %lt3A_126 : vector<640x128xi32>
    %gt3A = arith.constant 0.000000e+00 : f32
    %gt3A_128 = vector.broadcast %gt3A : f32 to vector<640x128xf32>
    %gt3A_129 = arith.cmpf ogt, %select_n3A_113, %gt3A_128 : vector<640x128xf32>
    %and3A_130 = arith.andi %lt3A_127, %gt3A_129 : vector<640x128xi1>
    %max3A = arith.constant 1.000000e-30 : f32
    %max3A_131 = vector.broadcast %max3A : f32 to vector<640x128xf32>
    %max3A_132 = arith.maximumf %select_n3A_113, %max3A_131 : vector<640x128xf32>
    %rsqrt3A = math.rsqrt %max3A_132 : vector<640x128xf32>
    %jit3A_133 = arith.constant 0.000000e+00 : f32
    %broadcast_in_dim3A_134 = vector.broadcast %jit3A_133 : f32 to vector<640x128xf32>
    %select_n3A_135 = arith.select %and3A_130, %rsqrt3A, %broadcast_in_dim3A_134 : vector<640x128xi1>, vector<640x128xf32>
    %swap3A = arith.constant 0 : index
    %swap3A_136 = arith.constant 0 : index
    %swap3A_137 = vector.load %arg3[%swap3A, %swap3A_136] : memref<640x128xf32, #tpu.memory_space<vmem>>, vector<640x128xf32>
    tpu.vector_store %arg3[%swap3A, %swap3A_136], %select_n3A_135 {strides = array<i32>} : memref<640x128xf32, #tpu.memory_space<vmem>>, vector<640x128xf32>,
    %get3A_138 = arith.constant 0 : index
    %get3A_139 = arith.constant 0 : index
    %get3A_140 = vector.load %arg1[%get3A_138, %get3A_139] : memref<640x128xf32, #tpu.memory_space<vmem>>, vector<640x128xf32>
    %mul3A_141 = arith.mulf %get3A_140, %select_n3A_135 : vector<640x128xf32>
    %swap3A_142 = arith.constant 0 : index
    %swap3A_143 = arith.constant 0 : index
    %swap3A_144 = vector.load %arg4[%swap3A_142, %swap3A_143] : memref<640x128xf32, #tpu.memory_space<vmem>>, vector<640x128xf32>
    tpu.vector_store %arg4[%swap3A_142, %swap3A_143], %mul3A_141 {strides = array<i32>} : memref<640x128xf32, #tpu.memory_space<vmem>>, vector<640x128xf32>,
    return
  }
  func.func @transform_0(%arg0: i32) -> (i32, i32) {
    %c0_i32 = arith.constant 0 : i32
    %c0_i32_0 = arith.constant 0 : i32
    return %arg0, %c0_i32 : i32, i32
  }
  func.func @transform_1(%arg0: i32) -> (i32, i32, i32) {
    %c0_i32 = arith.constant 0 : i32
    %c0_i32_0 = arith.constant 0 : i32
    %c0_i32_1 = arith.constant 0 : i32
    return %c0_i32, %arg0, %c0_i32_0 : i32, i32, i32
  }
  func.func @transform_2(%arg0: i32) -> (i32, i32) {
    %c0_i32 = arith.constant 0 : i32
    %c0_i32_0 = arith.constant 0 : i32
    return %arg0, %c0_i32 : i32, i32
  }
  func.func @transform_3(%arg0: i32) -> (i32, i32) {
    %c0_i32 = arith.constant 0 : i32
    %c0_i32_0 = arith.constant 0 : i32
    return %arg0, %c0_i32 : i32, i32
  }
}

module attributes {stable_mosaic.version = 14 : i64} {
  func.func @_tc2_body(%arg0: i32, %arg1: memref<2x640x128xf32, #tpu.memory_space<vmem>>, %arg2: memref<640x128xf32, #tpu.memory_space<vmem>>, %arg3: memref<1x128xf32, #tpu.memory_space<vmem>>, %arg4: memref<128x128xf32, #tpu.memory_space<vmem>>, %arg5: memref<640x128xf32, #tpu.memory_space<vmem>>) attributes {dimension_semantics = [#tpu.dimension_semantics<arbitrary>], iteration_bounds = array<i64: 8>, scalar_prefetch = 0 : i64, scratch_operands = 0 : i64, tpu.core_type = #tpu.core_type<tc>, window_params = [{transform_indices = @transform_0, window_bounds = array<i64: 2, 640, 128>}, {transform_indices = @transform_1, window_bounds = array<i64: 640, 128>}, {pipeline_mode = #tpu.pipeline_mode<synchronous>, transform_indices = @transform_2, window_bounds = array<i64: 1, 128>}, {pipeline_mode = #tpu.pipeline_mode<synchronous>, transform_indices = @transform_3, window_bounds = array<i64: 128, 128>}, {transform_indices = @transform_4, window_bounds = array<i64: 640, 128>}]} {
    %get3A = arith.constant 0 : index
    %get3A_0 = arith.constant 0 : index
    %get3A_1 = vector.load %arg2[%get3A, %get3A_0] : memref<640x128xf32, #tpu.memory_space<vmem>>, vector<640x128xf32>
    %get3A_2 = arith.constant 0 : index
    %get3A_3 = arith.constant 0 : index
    %get3A_4 = arith.constant 0 : index
    %get3A_5 = vector.load %arg1[%get3A_2, %get3A_3, %get3A_4] : memref<2x640x128xf32, #tpu.memory_space<vmem>>, vector<1x640x128xf32>
    %get3A_6 = vector.shape_cast %get3A_5 : vector<1x640x128xf32> to vector<640x128xf32>
    %get3A_7 = arith.constant 1 : index
    %get3A_8 = arith.constant 0 : index
    %get3A_9 = arith.constant 0 : index
    %get3A_10 = vector.load %arg1[%get3A_7, %get3A_8, %get3A_9] : memref<2x640x128xf32, #tpu.memory_space<vmem>>, vector<1x640x128xf32>
    %get3A_11 = vector.shape_cast %get3A_10 : vector<1x640x128xf32> to vector<640x128xf32>
    %add3A = arith.addf %get3A_6, %get3A_11 : vector<640x128xf32>
    %mul3A = arith.mulf %add3A, %get3A_1 : vector<640x128xf32>
    %get3A_12 = arith.constant 0 : index
    %get3A_13 = arith.constant 0 : index
    %get3A_14 = vector.load %arg3[%get3A_12, %get3A_13] : memref<1x128xf32, #tpu.memory_space<vmem>>, vector<1x128xf32>
    %add3A_15 = vector.broadcast %get3A_14 : vector<1x128xf32> to vector<640x128xf32>
    %add3A_16 = arith.addf %mul3A, %add3A_15 : vector<640x128xf32>
    %max3A = arith.constant 0.000000e+00 : f32
    %max3A_17 = vector.broadcast %max3A : f32 to vector<640x128xf32>
    %max3A_18 = arith.maximumf %add3A_16, %max3A_17 : vector<640x128xf32>
    %get3A_19 = arith.constant 0 : index
    %get3A_20 = arith.constant 0 : index
    %get3A_21 = vector.load %arg4[%get3A_19, %get3A_20] : memref<128x128xf32, #tpu.memory_space<vmem>>, vector<128x128xf32>
    %dot_general3A = arith.constant dense<0.000000e+00> : vector<640x128xf32>
    %dot_general3A_22 = tpu.matmul %max3A_18, %get3A_21, %dot_general3A {dimension_numbers = #tpu.dot_dimension_numbers<[1], [0], [0], [1], [0, 0, 1, 1], [], []>, transpose_lhs_hint = false} : vector<640x128xf32>, vector<128x128xf32>, vector<640x128xf32> -> vector<640x128xf32>
    %mul3A_23 = arith.mulf %dot_general3A_22, %get3A_1 : vector<640x128xf32>
    %swap3A = arith.constant 0 : index
    %swap3A_24 = arith.constant 0 : index
    %swap3A_25 = vector.load %arg5[%swap3A, %swap3A_24] : memref<640x128xf32, #tpu.memory_space<vmem>>, vector<640x128xf32>
    tpu.vector_store %arg5[%swap3A, %swap3A_24], %mul3A_23 {strides = array<i32>} : memref<640x128xf32, #tpu.memory_space<vmem>>, vector<640x128xf32>,
    return
  }
  func.func @transform_0(%arg0: i32) -> (i32, i32, i32) {
    %c0_i32 = arith.constant 0 : i32
    %c0_i32_0 = arith.constant 0 : i32
    %c0_i32_1 = arith.constant 0 : i32
    return %c0_i32, %arg0, %c0_i32_0 : i32, i32, i32
  }
  func.func @transform_1(%arg0: i32) -> (i32, i32) {
    %c0_i32 = arith.constant 0 : i32
    %c0_i32_0 = arith.constant 0 : i32
    return %arg0, %c0_i32 : i32, i32
  }
  func.func @transform_2(%arg0: i32) -> (i32, i32) {
    %c0_i32 = arith.constant 0 : i32
    %c0_i32_0 = arith.constant 0 : i32
    %c0_i32_1 = arith.constant 0 : i32
    return %c0_i32, %c0_i32_0 : i32, i32
  }
  func.func @transform_3(%arg0: i32) -> (i32, i32) {
    %c0_i32 = arith.constant 0 : i32
    %c0_i32_0 = arith.constant 0 : i32
    %c0_i32_1 = arith.constant 0 : i32
    return %c0_i32, %c0_i32_0 : i32, i32
  }
  func.func @transform_4(%arg0: i32) -> (i32, i32) {
    %c0_i32 = arith.constant 0 : i32
    %c0_i32_0 = arith.constant 0 : i32
    return %arg0, %c0_i32 : i32, i32
  }
}

module attributes {stable_mosaic.version = 14 : i64} {
  func.func @_tc3_body(%arg0: i32, %arg1: memref<2x640x128xf32, #tpu.memory_space<vmem>>, %arg2: memref<640x128xf32, #tpu.memory_space<vmem>>, %arg3: memref<1x128xf32, #tpu.memory_space<vmem>>, %arg4: memref<1x1x1280xi32, #tpu.memory_space<vmem>>, %arg5: memref<64x128xf32, #tpu.memory_space<vmem>>, %arg6: memref<1x128xf32, #tpu.memory_space<vmem>>, %arg7: memref<64x128xf32, #tpu.memory_space<vmem>>, %arg8: memref<64x128xf32, #tpu.memory_space<vmem>>) attributes {dimension_semantics = [#tpu.dimension_semantics<arbitrary>], iteration_bounds = array<i64: 8>, scalar_prefetch = 0 : i64, scratch_operands = 1 : i64, tpu.core_type = #tpu.core_type<tc>, window_params = [{transform_indices = @transform_0, window_bounds = array<i64: 2, 640, 128>}, {transform_indices = @transform_1, window_bounds = array<i64: 640, 128>}, {pipeline_mode = #tpu.pipeline_mode<synchronous>, transform_indices = @transform_2, window_bounds = array<i64: 1, 128>}, {transform_indices = @transform_3, window_bounds = array<i64: 1, 1, 1280>}, {pipeline_mode = #tpu.pipeline_mode<synchronous>, transform_indices = @transform_4, window_bounds = array<i64: 64, 128>}, {pipeline_mode = #tpu.pipeline_mode<synchronous>, transform_indices = @transform_5, window_bounds = array<i64: 1, 128>}, {pipeline_mode = #tpu.pipeline_mode<synchronous>, transform_indices = @transform_6, window_bounds = array<i64: 64, 128>}]} {
    %get3A = arith.constant 0 : index
    %get3A_0 = arith.constant 0 : index
    %get3A_1 = vector.load %arg2[%get3A, %get3A_0] : memref<640x128xf32, #tpu.memory_space<vmem>>, vector<640x128xf32>
    %get3A_2 = arith.constant 0 : index
    %get3A_3 = arith.constant 0 : index
    %get3A_4 = arith.constant 0 : index
    %get3A_5 = vector.load %arg1[%get3A_2, %get3A_3, %get3A_4] : memref<2x640x128xf32, #tpu.memory_space<vmem>>, vector<1x640x128xf32>
    %get3A_6 = vector.shape_cast %get3A_5 : vector<1x640x128xf32> to vector<640x128xf32>
    %get3A_7 = arith.constant 1 : index
    %get3A_8 = arith.constant 0 : index
    %get3A_9 = arith.constant 0 : index
    %get3A_10 = vector.load %arg1[%get3A_7, %get3A_8, %get3A_9] : memref<2x640x128xf32, #tpu.memory_space<vmem>>, vector<1x640x128xf32>
    %get3A_11 = vector.shape_cast %get3A_10 : vector<1x640x128xf32> to vector<640x128xf32>
    %add3A = arith.addf %get3A_6, %get3A_11 : vector<640x128xf32>
    %mul3A = arith.mulf %add3A, %get3A_1 : vector<640x128xf32>
    %get3A_12 = arith.constant 0 : index
    %get3A_13 = arith.constant 0 : index
    %get3A_14 = vector.load %arg3[%get3A_12, %get3A_13] : memref<1x128xf32, #tpu.memory_space<vmem>>, vector<1x128xf32>
    %add3A_15 = vector.broadcast %get3A_14 : vector<1x128xf32> to vector<640x128xf32>
    %add3A_16 = arith.addf %mul3A, %add3A_15 : vector<640x128xf32>
    %max3A = arith.constant 0.000000e+00 : f32
    %max3A_17 = vector.broadcast %max3A : f32 to vector<640x128xf32>
    %max3A_18 = arith.maximumf %add3A_16, %max3A_17 : vector<640x128xf32>
    %slice3A = vector.extract_strided_slice %max3A_18 {offsets = [0, 0], sizes = [640, 64], strides = [1, 1]} : vector<640x128xf32> to vector<640x64xf32>
    %slice3A_19 = vector.extract_strided_slice %max3A_18 {offsets = [0, 64], sizes = [640, 64], strides = [1, 1]} : vector<640x128xf32> to vector<640x64xf32>
    %concatenate3A = tpu.concatenate %slice3A, %slice3A_19 in 0 : vector<640x64xf32>, vector<640x64xf32> -> vector<1280x64xf32>
    %get3A_20 = arith.constant 0 : index
    %get3A_21 = arith.constant 0 : index
    %get3A_22 = arith.constant 0 : index
    %get3A_23 = vector.load %arg4[%get3A_20, %get3A_21, %get3A_22] : memref<1x1x1280xi32, #tpu.memory_space<vmem>>, vector<1x1x1280xi32>
    %get3A_24 = vector.shape_cast %get3A_23 : vector<1x1x1280xi32> to vector<1x1280xi32>
    %iota3A = tpu.iota {dimensions = array<i32: 0>} : vector<64x1280xi32>
    %eq3A = vector.broadcast %get3A_24 : vector<1x1280xi32> to vector<64x1280xi32>
    %eq3A_25 = arith.cmpi eq, %eq3A, %iota3A : vector<64x1280xi32>
    %convert_element_type3A = arith.extui %eq3A_25 : vector<64x1280xi1> to vector<64x1280xi32>
    %convert_element_type3A_26 = arith.sitofp %convert_element_type3A : vector<64x1280xi32> to vector<64x1280xf32>
    %broadcast_in_dim3A = arith.constant 1.000000e+00 : f32
    %broadcast_in_dim3A_27 = vector.broadcast %broadcast_in_dim3A : f32 to vector<1280x64xf32>
    %concatenate3A_28 = tpu.concatenate %concatenate3A, %broadcast_in_dim3A_27 in 1 : vector<1280x64xf32>, vector<1280x64xf32> -> vector<1280x128xf32>
    %dot_general3A = arith.constant dense<0.000000e+00> : vector<64x128xf32>
    %dot_general3A_29 = tpu.matmul %convert_element_type3A_26, %concatenate3A_28, %dot_general3A {dimension_numbers = #tpu.dot_dimension_numbers<[1], [0], [0], [1], [0, 0, 1, 1], [], []>, transpose_lhs_hint = false} : vector<64x1280xf32>, vector<1280x128xf32>, vector<64x128xf32> -> vector<64x128xf32>
    %eq3A_30 = arith.constant 0 : i32
    %eq3A_31 = arith.cmpi eq, %arg0, %eq3A_30 : i32
    %convert_element_type3A_32 = arith.extui %eq3A_31 : i1 to i32
    %cond3A = arith.constant 0 : i32
    %cond3A_33 = arith.cmpi ne, %convert_element_type3A_32, %cond3A : i32
    scf.if %cond3A_33 {
      %swap3A = arith.constant 0 : index
      %swap3A_43 = arith.constant 0 : index
      %swap3A_44 = vector.load %arg8[%swap3A, %swap3A_43] : memref<64x128xf32, #tpu.memory_space<vmem>>, vector<64x128xf32>
      tpu.vector_store %arg8[%swap3A, %swap3A_43], %dot_general3A_29 {strides = array<i32>} : memref<64x128xf32, #tpu.memory_space<vmem>>, vector<64x128xf32>,
    } else {
    }
    %gt3A = arith.constant 0 : i32
    %gt3A_34 = arith.cmpi sgt, %arg0, %gt3A : i32
    %convert_element_type3A_35 = arith.extui %gt3A_34 : i1 to i32
    %cond3A_36 = arith.constant 0 : i32
    %cond3A_37 = arith.cmpi ne, %convert_element_type3A_35, %cond3A_36 : i32
    scf.if %cond3A_37 {
      %get3A_43 = arith.constant 0 : index
      %get3A_44 = arith.constant 0 : index
      %get3A_45 = vector.load %arg8[%get3A_43, %get3A_44] : memref<64x128xf32, #tpu.memory_space<vmem>>, vector<64x128xf32>
      %add3A_46 = arith.addf %get3A_45, %dot_general3A_29 : vector<64x128xf32>
      %swap3A = arith.constant 0 : index
      %swap3A_47 = arith.constant 0 : index
      %swap3A_48 = vector.load %arg8[%swap3A, %swap3A_47] : memref<64x128xf32, #tpu.memory_space<vmem>>, vector<64x128xf32>
      tpu.vector_store %arg8[%swap3A, %swap3A_47], %add3A_46 {strides = array<i32>} : memref<64x128xf32, #tpu.memory_space<vmem>>, vector<64x128xf32>,
    } else {
    }
    %eq3A_38 = arith.constant 7 : i32
    %eq3A_39 = arith.cmpi eq, %arg0, %eq3A_38 : i32
    %convert_element_type3A_40 = arith.extui %eq3A_39 : i1 to i32
    %cond3A_41 = arith.constant 0 : i32
    %cond3A_42 = arith.cmpi ne, %convert_element_type3A_40, %cond3A_41 : i32
    scf.if %cond3A_42 {
      %get3A_43 = arith.constant 0 : index
      %get3A_44 = arith.constant 0 : index
      %get3A_45 = vector.load %arg8[%get3A_43, %get3A_44] : memref<64x128xf32, #tpu.memory_space<vmem>>, vector<64x64xf32>
      %get3A_46 = arith.constant 0 : index
      %get3A_47 = arith.constant 64 : index
      %get3A_48 = vector.load %arg8[%get3A_46, %get3A_47] : memref<64x128xf32, #tpu.memory_space<vmem>>, vector<64x1xf32>
      %max3A_49 = arith.constant 1.000000e+00 : f32
      %max3A_50 = vector.broadcast %max3A_49 : f32 to vector<64x1xf32>
      %max3A_51 = arith.maximumf %get3A_48, %max3A_50 : vector<64x1xf32>
      %div3A = vector.broadcast %max3A_51 : vector<64x1xf32> to vector<64x64xf32>
      %div3A_52 = arith.divf %get3A_45, %div3A : vector<64x64xf32>
      %get3A_53 = arith.constant 0 : index
      %get3A_54 = arith.constant 0 : index
      %get3A_55 = vector.load %arg5[%get3A_53, %get3A_54] : memref<64x128xf32, #tpu.memory_space<vmem>>, vector<64x128xf32>
      %dot_general3A_56 = arith.constant dense<0.000000e+00> : vector<64x128xf32>
      %dot_general3A_57 = tpu.matmul %div3A_52, %get3A_55, %dot_general3A_56 {dimension_numbers = #tpu.dot_dimension_numbers<[1], [0], [0], [1], [0, 0, 1, 1], [], []>, transpose_lhs_hint = false} : vector<64x64xf32>, vector<64x128xf32>, vector<64x128xf32> -> vector<64x128xf32>
      %get3A_58 = arith.constant 0 : index
      %get3A_59 = arith.constant 0 : index
      %get3A_60 = vector.load %arg6[%get3A_58, %get3A_59] : memref<1x128xf32, #tpu.memory_space<vmem>>, vector<1x128xf32>
      %add3A_61 = vector.broadcast %get3A_60 : vector<1x128xf32> to vector<64x128xf32>
      %add3A_62 = arith.addf %dot_general3A_57, %add3A_61 : vector<64x128xf32>
      %swap3A = arith.constant 0 : index
      %swap3A_63 = arith.constant 0 : index
      %swap3A_64 = vector.load %arg7[%swap3A, %swap3A_63] : memref<64x128xf32, #tpu.memory_space<vmem>>, vector<64x128xf32>
      tpu.vector_store %arg7[%swap3A, %swap3A_63], %add3A_62 {strides = array<i32>} : memref<64x128xf32, #tpu.memory_space<vmem>>, vector<64x128xf32>,
    } else {
    }
    return
  }
  func.func @transform_0(%arg0: i32) -> (i32, i32, i32) {
    %c0_i32 = arith.constant 0 : i32
    %c0_i32_0 = arith.constant 0 : i32
    %c0_i32_1 = arith.constant 0 : i32
    return %c0_i32, %arg0, %c0_i32_0 : i32, i32, i32
  }
  func.func @transform_1(%arg0: i32) -> (i32, i32) {
    %c0_i32 = arith.constant 0 : i32
    %c0_i32_0 = arith.constant 0 : i32
    return %arg0, %c0_i32 : i32, i32
  }
  func.func @transform_2(%arg0: i32) -> (i32, i32) {
    %c0_i32 = arith.constant 0 : i32
    %c0_i32_0 = arith.constant 0 : i32
    %c0_i32_1 = arith.constant 0 : i32
    return %c0_i32, %c0_i32_0 : i32, i32
  }
  func.func @transform_3(%arg0: i32) -> (i32, i32, i32) {
    %c0_i32 = arith.constant 0 : i32
    %c0_i32_0 = arith.constant 0 : i32
    %c0_i32_1 = arith.constant 0 : i32
    return %arg0, %c0_i32, %c0_i32_0 : i32, i32, i32
  }
  func.func @transform_4(%arg0: i32) -> (i32, i32) {
    %c0_i32 = arith.constant 0 : i32
    %c0_i32_0 = arith.constant 0 : i32
    %c0_i32_1 = arith.constant 0 : i32
    return %c0_i32, %c0_i32_0 : i32, i32
  }
  func.func @transform_5(%arg0: i32) -> (i32, i32) {
    %c0_i32 = arith.constant 0 : i32
    %c0_i32_0 = arith.constant 0 : i32
    %c0_i32_1 = arith.constant 0 : i32
    return %c0_i32, %c0_i32_0 : i32, i32
  }
  func.func @transform_6(%arg0: i32) -> (i32, i32) {
    %c0_i32 = arith.constant 0 : i32
    %c0_i32_0 = arith.constant 0 : i32
    %c0_i32_1 = arith.constant 0 : i32
    return %c0_i32, %c0_i32_0 : i32, i32
  }
}

</mosaic_0001>

<sc_bundles>
// kernel: kernel.12.cloned.1.call-start
scs
__scs_entry_jumppad:
0x0: {  	(pc) =	sbr.rel $0x88, $3  }
0x1: {  	(tag) =	ssettag $0x0;
	lr =	simm.s32 $0x1  }
0x2: {  	[smem:$0x3F98] =	sst lr;
	_ =	strace $0xD0000000  }
0x3: {  	_ = 	snop  }
0x4: {  	_ = 	snop  }
0x5: {  	_ = 	snop  }
0x6: {  	_ = 	snop  }
0x7: {  	_ = 	snop  }
__scs_overlays_trampoline_lowered:
0x8: {  	[smem:$0x3FA7] =	sst s0  }
0x9: {  	[smem:$0x3FA8] =	sst s1  }
0xa: {  	[smem:$0x3FA9] =	sst s2  }
0xb: {  	[smem:$0x3FAA] =	sst s3  }
0xc: {  	[smem:$0x3FAB] =	sst s4  }
0xd: {  	[smem:$0x3FAC] =	sst s5  }
0xe: {  	[smem:$0x3FAD] =	sst s6  }
0xf: {  	[smem:$0x3FAE] =	sst s7  }
0x10: {  	[smem:$0x3FAF] =	sst s8  }
0x11: {  	[smem:$0x3FB0] =	sst s9;
	s0 =	simm.s32 @!p0 $0x0  }
0x12: {  	s1 =	sld [smem:$0x3F96];
	s0 =	simm.s32 @p0 $0x1  }
0x13: {  	[smem:$0x3FB1] =	sst s0;
	s0 =	simm.s32 @!p1 $0x0  }
0x14: {  	s2 =	sld [smem:$0x3F95];
	s0 =	simm.s32 @p1 $0x1  }
0x15: {  	[smem:$0x3FB2] =	sst s0;
	s0 =	simm.s32 @!p2 $0x0  }
0x16: {  	s3 =	sld [smem:$0x3FDB];
	s0 =	simm.s32 @p2 $0x1  }
0x17: {  	s4 =	simm.s32 $0x1BF5;
	[smem:$0x3FB4] =	sst s0  }
0x18: {  	s0 =	sld [smem:$0x3F97];
	_ =	swait.ge [sflag:s4], $0x0  }
0x19: {  	s7 =	sld [smem:$0x3F98]  }
0x1a: {  	s8 =	sadd.s32 $0xFFFFE003, lr  }
0x1b: {  	s9 =	sadd.s32 $0xFFFFFEF7, lr;
	s5 =	simm.s32 $0xFFFFFFFF;
	p2 =	slt.u32 s8, $0xFFFFF086  }
0x1c: {  	p1 =	slt.u32 s9, $0xF7A;
	s5 =	simm.s32 @!p2 $0x0  }
0x1d: {  	s5 =	simm.s32 @p1 $0x1;
	p0 =	seq.s32 s7, s2  }
0x1e: {  	s7 =	smul.u32 @!p0 $0xF7A, s2;
	p2 =	seq.s32 @!p0 s5, $0x0  }
0x1f: {  	s9 =	smul.u32 $0xF7A, s1;
	s8 =	simm.s32 @!p0 $0x1BF5;
	p2 =	por !p2, p0  }
0x20: {  	[sflag:s8] =	ssyncset.s32 @!p0 $0xFFFFF086;
	s6 =	sadd.s32 @!p0 s3, s7;
	s7 =	simm.s32 @!p0 $0x108  }
0x21: {  	s3 =	sadd.s32 s3, s9;
	s6 =	sadd.s32 @!p0 $0x88, s6;
	s7 =	simm.s32 @p2 $0x1082  }
0x22: {  	[simem:s7], [sflag:s8] =	dma.local @!p0 [hbm:s6], $0xF7A  }
0x23: {  	s9 =	sor.u32 $0xD0000000, s2;
	s6 =	simm.s32 $0x108;
	_ =	swait.ge @!p0 [sflag:s8], $0x0  }
0x24: {  	s3 =	sadd.s32 $0x88, s3;
	s6 =	simm.s32 @!p1 $0x1082;
	[sflag:s4] =	ssyncset.s32 $0xFFFFF086  }
0x25: {  	[simem:s6], [sflag:s4] =	dma.local [hbm:s3], $0xF7A  }
0x26: {  	[smem:$0x3F98] =	sst s1;
	(tag) =	ssettag s2;
	_ =	strace s9  }
0x27: {  	s1 =	sld [smem:$0x3FA8]  }
0x28: {  	s2 =	sld [smem:$0x3FA9]  }
0x29: {  	s4 =	sld [smem:$0x3FAB]  }
0x2a: {  	p0 =	seq.s32 s5, $0x0;
	s5 =	sld [smem:$0x3FAC]  }
0x2b: {  	s6 =	sld [smem:$0x3FAD]  }
0x2c: {  	s7 =	sld [smem:$0x3FAE]  }
0x2d: {  	s3 =	simm.s32 $0x108;
	s8 =	sld [smem:$0x3FAF]  }
0x2e: {  	s3 =	simm.s32 @!p0 $0x1082;
	s9 =	sld [smem:$0x3FB0]  }
0x2f: {  	lr =	sadd.s32 s0, s3;
	s0 =	sld [smem:$0x3FA7]  }
0x30: {  	s3 =	sld [smem:$0x3FAA]  }
0x31: {  	[smem:$0x3FB3] =	sst s10  }
0x32: {  	s10 =	sld [smem:$0x3FB1];
	_ =	sdelay $0x3  }
0x33: {  	p0 =	seq.s32 s10, $0x1;
	s10 =	sld [smem:$0x3FB3];
	_ =	sdelay $0x3  }
0x34: {  	[smem:$0x3FB3] =	sst s10  }
0x35: {  	s10 =	sld [smem:$0x3FB2];
	_ =	sdelay $0x3  }
0x36: {  	p1 =	seq.s32 s10, $0x1;
	s10 =	sld [smem:$0x3FB3];
	_ =	sdelay $0x3  }
0x37: {  	[smem:$0x3FB3] =	sst s10  }
0x38: {  	s10 =	sld [smem:$0x3FB4]  }
0x39: {  	_ = 	snop;
	(pc) =	sbr.ind lr, $3  }
0x3a: {  	_ = 	snop  }
0x3b: {  	_ = 	snop  }
0x3c: {  	p2 =	seq.s32 s10, $0x1;
	s10 =	sld [smem:$0x3FB3]  }
0x3d: {  	_ =	shalt  }
0x3e: {  	_ =	shalt  }
0x3f: {  	_ =	shalt  }
0x40: {  	_ =	shalt  }
0x41: {  	_ =	shalt  }
0x42: {  	_ =	shalt  }
0x43: {  	_ =	shalt  }
0x44: {  	_ =	shalt  }
0x45: {  	_ =	shalt  }
0x46: {  	_ =	shalt  }
0x47: {  	_ =	shalt  }
0x48: {  	_ =	shalt  }
0x49: {  	_ =	shalt  }
0x4a: {  	_ =	shalt  }
0x4b: {  	_ =	shalt  }
0x4c: {  	_ =	shalt  }
0x4d: {  	_ =	shalt  }
0x4e: {  	_ =	shalt  }
0x4f: {  	_ =	shalt  }
0x50: {  	_ =	shalt  }
0x51: {  	_ =	shalt  }
0x52: {  	_ =	shalt  }
0x53: {  	_ =	shalt  }
0x54: {  	_ =	shalt  }
0x55: {  	_ =	shalt  }
0x56: {  	_ =	shalt  }
0x57: {  	_ =	shalt  }
0x58: {  	_ =	shalt  }
0x59: {  	_ =	shalt  }
0x5a: {  	_ =	shalt  }
0x5b: {  	_ =	shalt  }
0x5c: {  	_ =	shalt  }
0x5d: {  	_ =	shalt  }
0x5e: {  	_ =	shalt  }
0x5f: {  	_ =	shalt  }
0x60: {  	_ =	shalt  }
0x61: {  	_ =	shalt  }
0x62: {  	_ =	shalt  }
0x63: {  	_ =	shalt  }
0x64: {  	_ =	shalt  }
0x65: {  	_ =	shalt  }
0x66: {  	_ =	shalt  }
0x67: {  	_ =	shalt  }
0x68: {  	_ =	shalt  }
0x69: {  	_ =	shalt  }
0x6a: {  	_ =	shalt  }
0x6b: {  	_ =	shalt  }
0x6c: {  	_ =	shalt  }
0x6d: {  	_ =	shalt  }
0x6e: {  	_ =	shalt  }
0x6f: {  	_ =	shalt  }
0x70: {  	_ =	shalt  }
0x71: {  	_ =	shalt  }
0x72: {  	_ =	shalt  }
0x73: {  	_ =	shalt  }
0x74: {  	_ =	shalt  }
0x75: {  	_ =	shalt  }
0x76: {  	_ =	shalt  }
0x77: {  	_ =	shalt  }
0x78: {  	_ =	shalt  }
0x79: {  	_ =	shalt  }
0x7a: {  	_ =	shalt  }
0x7b: {  	_ =	shalt  }
0x7c: {  	_ =	shalt  }
0x7d: {  	_ =	shalt  }
0x7e: {  	_ =	shalt  }
0x7f: {  	_ =	shalt  }
0x80: {  	_ =	shalt  }
0x81: {  	_ =	shalt  }
0x82: {  	_ =	shalt  }
0x83: {  	_ =	shalt  }
0x84: {  	_ =	shalt  }
0x85: {  	_ =	shalt  }
0x86: {  	_ =	shalt  }
0x87: {  	_ =	shalt  }
.Lfunc_end0:
.L_simem_size_0:
called_computation.1_lowered:
.L_overlay_start_0:
0x88: {  	s2 =	sld [smem:$0x3FD9]  }
0x89: {  	s3 =	sld [smem:$0x3FFE];
	_ =	sdelay $0x1  }
0x8a: {  	s1 =	srdreg.scid  }
0x8b: {  	s0 =	sand.u32 $0x1, s1  }
0x8c: {  	s16 =	sshll.u32 s0, $0xA;
	s2 =	sadd.s32 s3, s2  }
0x8d: {  	s2 =	sadd.s32 s2, s16  }
0x8e: {  	[smem:$0x3FBF] =	sst s2  }
0x8f: {  	_ = 	snop  }
0x90: {  	(tm) =	ssettm $0x1  }
0x91: {  	s17 =	sld [smem:$0x3FFB];
	_ =	sdelay $0x3  }
0x92: {  	_ =	strace s17  }
0x93: {  	s2 =	sld [smem:$0x3FFC];
	_ =	sdelay $0x3  }
0x94: {  	_ =	strace s2  }
0x95: {  	s2 =	sld [smem:$0x3FFD];
	_ =	sdelay $0x3  }
0x96: {  	_ =	strace s2  }
0x97: {  	_ =	strace $0x8FFFFFFF  }
0x98: {  	s18 =	sld [smem:$0x3FDB];
	_ =	sdelay $0x1  }
0x99: {  	s19 =	simm.s32 $_scs_section_size  }
0x9a: {  	s4 =	simm.s32 $_size__tile_overlayer_lowered;
	s5 =	simm.s32 $_tile_overlayer_lowered  }
0x9b: {  	s22 =	simm.s32 $0x1BFF;
	s21 =	sshll.u32 s5, $0x1;
	s2 =	sadd.s32 s19, s18  }
0x9c: {  	s6 =	simm.s32 $0x0;
	s20 =	sshll.u32 s4, $0x1;
	s4 =	sadd.s32 s21, s2  }
0x9d: {  	[timem:s6], [sflag:s22] =	dma.local [hbm:s4], s20  }
0x9e: {  	_ =	swait.ge [sflag:s22], s20  }
0x9f: {  	s3 =	ssub.s32 $0x0, s20;
	[sflag:s22] =	ssyncset.done $0x0  }
0xa0: {  	[sflag:s22] =	ssyncadd.s32 s3;
	_ =	sdelay $0x1  }
0xa1: {  	s23 =	simm.s32 $0x1B8B  }
0xa2: {  	_ =	swait.ge [sflag:s23], $0x1  }
0xa3: {  	[sflag:s23] =	ssyncset.done $0x0  }
0xa4: {  	s25 =	simm.s32 $0x1B8E;
	s24 =	sld [smem:$0x3FFE];
	[sflag:s23] =	ssyncadd.s32 $0xFFFFFFFF  }
0xa5: {  	s26 =	simm.s32 $execute0_lowered;
	[smem:$0x3FD2] =	sst s25  }
0xa6: {  	s4 =	sshll.u32 s26, $0x1;
	_ =	strace $0x80000049;
	[dreg:$0x1] =	wrdreg $0xFFFFFFFF  }
0xa7: {  	s28 =	simm.s32 $_size_execute0_lowered;
	s2 =	sadd.s32 s2, s4;
	[dreg:$0x0] =	wrdreg $0x0  }
0xa8: {  	s4 =	sshll.u32 s28, $0x1;
	[dreg:$0x2] =	wrdreg s2  }
0xa9: {  	[dreg:$0x3] =	wrdreg s4  }
0xaa: {  	[dreg:$0x4] =	wrdreg $0xC0  }
0xab: {  	_ =	task [dreg:s6], $0x5FFFF  }
0xac: {  	[dreg:$0x1] =	wrdreg $0xFFFFFFFF  }
0xad: {  	[dreg:$0x0] =	wrdreg $0x60  }
0xae: {  	[dreg:$0x2] =	wrdreg s24  }
0xaf: {  	[dreg:$0x3] =	wrdreg $0xF1000  }
0xb0: {  	[dreg:$0x4] =	wrdreg $0x9  }
0xb1: {  	_ =	task.clear_ibuf [dreg:s6], $0x5FFFF;
	_ =	strace $0x90000049  }
0xb2: {  	s29 =	simm.s32 $0x9;
	_ =	strace $0x8000004B  }
0xb3: {  	_ =	swait.ge [sflag:s29], $0x1  }
0xb4: {  	[sflag:s29] =	ssyncadd.s32 $0xFFFFFFFF  }
0xb5: {  	_ =	strace $0x9000004B  }
0xb6: {  	_ =	sfence  }
0xb7: {  	s30 =	sld [smem:$0x0];
	_ =	sdelay $0x2  }
0xb8: {  	s31 =	sshll.u32 s1, $0xD;
	s1 =	sshrl.u32 s1, $0x2  }
0xb9: {  	s3 =	sand.u32 $0x4000, s31;
	s1 =	sadd.s32 s1, s30  }
0xba: {  	s0 =	sor.u32 s3, s0;
	s1 =	sshll.u32 s1, $0x11  }
0xbb: {  	s0 =	sor.u32 s1, s0  }
0xbc: {  	s0 =	sadd.s32 $0x8F2B, s0  }
0xbd: {  	[sflag:s0] =	ssyncadd.remote.s32 $0x1  }
0xbe: {  	_ =	sfence.sel $0xFFFF  }
0xbf: {  	[dreg:$0x0] =	wrdreg $0xFFFFFFFF;
	(pc) =	sbr.abs _section_cstart, $3  }
0xc0: {  	[dreg:$0x1] =	wrdreg $0xFFFFFFFF  }
0xc1: {  	_ =	task.clear_ibuf [dreg:s6], $0x2FFFF;
	_ =	strace $0x9FFFFFFF  }
0xc2: {  	(tm) =	ssettm $0x7FFFFFFF  }
0xc3: {  	_ =	shalt  }
tec
execute0_lowered:
.L_overlay_start_1:
0x0: {  	(tag) =	ssettag $0x1  }
0x1: {  	s0 =	srdreg.scid  }
0x2: {  	s1 =	rddreg [dreg:$0x0];
	s8 =	stileid.u32  }
0x3: {  	s2 =	rddreg [dreg:$0x1];
	s18 =	simm.s32 $0x2;
	s19 =	simm.s32 $0x80  }
0x4: {  	s21 =	simm.s32 $0x2000;
	s23 =	simm.s32 $0x4000;
	s25 =	simm.s32 $0x6000  }
0x5: {  	s26 =	simm.s32 $0x1;
	s28 =	simm.s32 $0x8000;
	s31 =	simm.s32 $0xC800  }
0x6: {  	s20 =	simm.s32 $0xF000;
	s22 =	simm.s32 $0xF080;
	s6 =	smul.u32 $0x1400, s8  }
0x7: {  	s0 =	sand.u32 $0x1, s0;
	s4 =	sadd.s32 $0x16C00, s1;
	s9 =	smul.u32 $0x28000, s8  }
0x8: {  	s3 =	sshll.u32 s0, $0x4;
	s7 =	smul.u32 $0x14000, s0;
	s0 =	ssub.s32 $0x2, s0  }
0x9: {  	s16 =	sor.u32 s8, s3;
	s3 =	simm.s32 $0x0;
	s29 =	sshrl.u32 s0, $0x1  }
0xa: {  	s8 =	sadd.s32 $0x15FE0, s1;
	s30 =	sshrl.u32 s9, $0x2;
	s5 =	smul.u32 $0x510, s16  }
0xb: {  	[smem:$0x7FF] =	sst s3;
	s6 =	sadd.s32 s6, s7;
	s0 =	ssub.s32 s0, s29  }
0xc: {  	s7 =	sadd.s32 $0xC1E0, s1;
	s11 =	sadd.s32 s30, s2;
	p0 =	slt.u32 s16, $0x1E  }
0xd: {  	_ =	strace $0x8000004A;
	s17 =	sadd.s32 s6, s1;
	s6 =	sadd.s32 $0x166B0, s1  }
0xe: {  	s12 =	sadd.s32 $0x2000, s11;
	s13 =	sadd.s32 $0x4000, s11;
	s14 =	sadd.s32 $0x6000, s11  }
0xf: {  	s15 =	sadd.s32 $0x8000, s11;
	p2 =	sne.s32 @!p0 s16, $0x1E;
	s10 =	sadd.s32 s5, s1  }
0x10: {  	s5 =	sadd.s32 $0x16600, s1;
	s16 =	sadd.s32 $0x2AC00, s17;
	s17 =	smax.u32 s0, $0x1  }
0x11: {  	p1 =	por !p2, p0;
	p2 =	por p2, p0;
	s1 =	simm.s32 $0xEF00  }
0x12: {  	v0 =	vimm.f32 $0.0e+00;
	s0 =	simm.s32 $0xEF80;
	s9 =	sadd.s32 $0x2A00, s10;
	s10 =	sadd.s32 $0xC800, s10  }
.LBB2_1:
0x13: {  	s29 =	simm.s32 $0x100;
	s24 =	simm.s32 $0x0  }
.LBB2_2:
0x14: {  	p3 =	sne.s32 s29, $0x7F00;
	[tilespmem:s24+$0x30] =	vst v0;
	s30 =	smov.u32 s29;
	s29 =	sadd.s32 $0x100, s29  }
.Ltmp0:
0x15: {  	[tilespmem:s24+$0x20] =	vst v0;
	(pc) =	sbr.rel @p3 .LBB2_2-.Ltmp0, $3  }
0x16: {  	[tilespmem:s24+$0x0] =	vst v0  }
0x17: {  	[tilespmem:s24+$0x10] =	vst v0;
	_ =	sdelay $0x1  }
0x18: {  	s24 =	sshra.s32 s30, $0x2  }
0x19: {  	[tilespmem:s24+$0x30] =	vst v0  }
0x1a: {  	[tilespmem:s24+$0x20] =	vst v0  }
0x1b: {  	[tilespmem:s24+$0x0] =	vst v0  }
0x1c: {  	[tilespmem:s24+$0x10] =	vst v0;
	s24 =	simm.s32 @p0 $0x0;
	s29 =	simm.s32 @p0 $0xA000  }
0x1d: {  	[tilespmem:s29], [sflag:$0x2] =	stream.linear.gather @p0 [hbm4b:s9+s24], $0x2880, $0x38;
	[tilespmem:$0x19100] =	vst v63  }
0x1e: {  	s29 =	simm.s32 @p0 $0x2  }
0x1f: {  	_ =	swait.ge @p0 [sflag:s29], $0x2880  }
0x20: {  	[sflag:s29] =	ssyncset.done @p0 $0x0  }
0x21: {  	s30 =	simm.s32 @p0 $0xC880;
	[sflag:s29] =	ssyncadd.s32 @p0 $0xFFFFD780  }
0x22: {  	[tilespmem:s30], [sflag:$0x2] =	stream.linear.gather @p0 [hbm4b:s10+s24], $0x2880, $0x38;
	[tilespmem:$0x19100] =	vst v63  }
0x23: {  	_ =	swait.ge @p0 [sflag:s29], $0x2880  }
0x24: {  	[sflag:s29] =	ssyncset.done @p0 $0x0  }
0x25: {  	s24 =	simm.s32 @!p1 $0x0;
	[sflag:s29] =	ssyncadd.s32 @p0 $0xFFFFD780;
	s29 =	simm.s32 @!p1 $0xA000  }
0x26: {  	[tilespmem:s29], [sflag:$0x2] =	stream.linear.gather @!p1 [hbm4b:s6+s24], $0x2880, $0x38;
	[tilespmem:$0x19100] =	vst v63  }
0x27: {  	s29 =	simm.s32 @!p1 $0x2  }
0x28: {  	_ =	swait.ge @!p1 [sflag:s29], $0x2880  }
0x29: {  	[sflag:s29] =	ssyncset.done @!p1 $0x0  }
0x2a: {  	s30 =	simm.s32 @!p1 $0xC880;
	[sflag:s29] =	ssyncadd.s32 @!p1 $0xFFFFD780  }
0x2b: {  	[tilespmem:s30], [sflag:$0x2] =	stream.linear.gather @!p1 [hbm4b:s6+s24], $0x2880, $0x38;
	[tilespmem:$0x19100] =	vst v63  }
0x2c: {  	_ =	swait.ge @!p1 [sflag:s29], $0x2880  }
0x2d: {  	[sflag:s29] =	ssyncset.done @!p1 $0x0  }
0x2e: {  	s24 =	simm.s32 @!p2 $0x0;
	[sflag:s29] =	ssyncadd.s32 @!p1 $0xFFFFD780;
	s29 =	simm.s32 @!p2 $0xA000  }
0x2f: {  	[tilespmem:s29], [sflag:$0x2] =	stream.linear.gather @!p2 [hbm4b:s7+s24], $0x2300, $0x38;
	[tilespmem:$0x19100] =	vst v63  }
0x30: {  	s29 =	simm.s32 @!p2 $0x2  }
0x31: {  	_ =	swait.ge @!p2 [sflag:s29], $0x2300  }
0x32: {  	[sflag:s29] =	ssyncset.done @!p2 $0x0  }
0x33: {  	s30 =	simm.s32 @!p2 $0xC300;
	[sflag:s29] =	ssyncadd.s32 @!p2 $0xFFFFDD00  }
0x34: {  	[tilespmem:s30], [sflag:$0x2] =	stream.linear.gather @!p2 [hbm4b:s5+s24], $0x580, $0x38;
	[tilespmem:$0x19100] =	vst v63  }
0x35: {  	_ =	swait.ge @!p2 [sflag:s29], $0x580  }
0x36: {  	[sflag:s29] =	ssyncset.done @!p2 $0x0  }
0x37: {  	s30 =	simm.s32 @!p2 $0xC880;
	[sflag:s29] =	ssyncadd.s32 @!p2 $0xFFFFFA80  }
0x38: {  	[tilespmem:s30], [sflag:$0x2] =	stream.linear.gather @!p2 [hbm4b:s8+s24], $0x2300, $0x38;
	[tilespmem:$0x19100] =	vst v63  }
0x39: {  	_ =	swait.ge @!p2 [sflag:s29], $0x2300  }
0x3a: {  	[sflag:s29] =	ssyncset.done @!p2 $0x0  }
0x3b: {  	s30 =	simm.s32 @!p2 $0xEB80;
	[sflag:s29] =	ssyncadd.s32 @!p2 $0xFFFFDD00  }
0x3c: {  	[tilespmem:s30], [sflag:$0x2] =	stream.linear.gather @!p2 [hbm4b:s5+s24], $0x580, $0x38;
	[tilespmem:$0x19100] =	vst v63  }
0x3d: {  	_ =	swait.ge @!p2 [sflag:s29], $0x580  }
0x3e: {  	[sflag:s29] =	ssyncset.done @!p2 $0x0  }
0x3f: {  	[sflag:s29] =	ssyncadd.s32 @!p2 $0xFFFFFA80;
	s29 =	simm.s32 $0x0  }
0x40: {  	[spmem:s11] =	stream.linear.scatter [tilespmem:s29], [sflag:$0x2], $0x2000, $0x38;
	[tilespmem:$0x19100] =	vst v63  }
0x41: {  	_ =	swait.ge [sflag:s18], $0x2000  }
0x42: {  	[sflag:s18] =	ssyncset.done $0x0  }
0x43: {  	[sflag:s18] =	ssyncadd.s32 $0xFFFFE000  }
0x44: {  	[spmem:s12] =	stream.linear.scatter [tilespmem:s29], [sflag:$0x2], $0x2000, $0x38;
	[tilespmem:$0x19100] =	vst v63  }
0x45: {  	_ =	swait.ge [sflag:s18], $0x2000  }
0x46: {  	[sflag:s18] =	ssyncset.done $0x0  }
0x47: {  	[sflag:s18] =	ssyncadd.s32 $0xFFFFE000  }
0x48: {  	[spmem:s13] =	stream.linear.scatter [tilespmem:s29], [sflag:$0x2], $0x2000, $0x38;
	[tilespmem:$0x19100] =	vst v63  }
0x49: {  	_ =	swait.ge [sflag:s18], $0x2000  }
0x4a: {  	[sflag:s18] =	ssyncset.done $0x0  }
0x4b: {  	[sflag:s18] =	ssyncadd.s32 $0xFFFFE000  }
0x4c: {  	[spmem:s14] =	stream.linear.scatter [tilespmem:s29], [sflag:$0x2], $0x2000, $0x38;
	[tilespmem:$0x19100] =	vst v63  }
0x4d: {  	_ =	swait.ge [sflag:s18], $0x2000  }
0x4e: {  	[sflag:s18] =	ssyncset.done $0x0  }
0x4f: {  	[sflag:s18] =	ssyncadd.s32 $0xFFFFE000  }
0x50: {  	[spmem:s15] =	stream.linear.scatter [tilespmem:s29], [sflag:$0x2], $0x2000, $0x38;
	[tilespmem:$0x19100] =	vst v63  }
0x51: {  	_ =	swait.ge [sflag:s18], $0x2000  }
0x52: {  	[sflag:s18] =	ssyncset.done $0x0  }
0x53: {  	[sflag:s18] =	ssyncadd.s32 $0xFFFFE000  }
0x54: {  	s30 =	simm.s32 $0xA000;
	[bflag:$0x0] =	sbarrier.arrive $0xFFFF  }
0x55: {  	[tilespmem:s21], [sflag:$0x1] =	stream.indirect.gather [hbm4b:s4+s19], $0x40, s30, s19, $0xb8;
	[tilespmem:$0x19100] =	vst v63  }
0x56: {  	s29 =	simm.s32 $0xA080  }
0x57: {  	[tilespmem:s23], [sflag:$0x1] =	stream.indirect.gather [hbm4b:s4+s19], $0x40, s29, s19, $0xb8;
	[tilespmem:$0x19100] =	vst v63  }
0x58: {  	s30 =	simm.s32 $0xA100  }
0x59: {  	[tilespmem:s25], [sflag:$0x1] =	stream.indirect.gather [hbm4b:s4+s19], $0x40, s30, s19, $0xb8;
	[tilespmem:$0x19100] =	vst v63  }
0x5a: {  	_ =	swait.ge [sflag:s26], $0x2000  }
0x5b: {  	[sflag:s26] =	ssyncset.done $0x0  }
0x5c: {  	s29 =	simm.s32 $0xA180;
	[sflag:s26] =	ssyncadd.s32 $0xFFFFE000  }
0x5d: {  	[tilespmem:s28], [sflag:$0x1] =	stream.indirect.gather [hbm4b:s4+s19], $0x40, s29, s19, $0xb8;
	[tilespmem:$0x19100] =	vst v63  }
0x5e: {  	s30 =	simm.s32 $0xC880  }
0x5f: {  	[spmem:s2] =	stream.indirect.scatter.add.f32 [tilespmem:s21], [sflag:$0x2], $0x40, s30, s19, $0xb8;
	[tilespmem:$0x19100] =	vst v63  }
0x60: {  	_ =	swait.ge [sflag:s18], $0x2000  }
0x61: {  	[sflag:s18] =	ssyncset.done $0x0  }
0x62: {  	[sflag:s18] =	ssyncadd.s32 $0xFFFFE000  }
0x63: {  	_ =	swait.ge [sflag:s26], $0x2000  }
0x64: {  	[sflag:s26] =	ssyncset.done $0x0  }
0x65: {  	s29 =	simm.s32 $0xA200;
	[sflag:s26] =	ssyncadd.s32 $0xFFFFE000  }
0x66: {  	[tilespmem:s21], [sflag:$0x1] =	stream.indirect.gather [hbm4b:s4+s19], $0x40, s29, s19, $0xb8;
	[tilespmem:$0x19100] =	vst v63  }
0x67: {  	s30 =	simm.s32 $0xC900  }
0x68: {  	[spmem:s2] =	stream.indirect.scatter.add.f32 [tilespmem:s23], [sflag:$0x2], $0x40, s30, s19, $0xb8;
	[tilespmem:$0x19100] =	vst v63  }
0x69: {  	_ =	swait.ge [sflag:s18], $0x2000  }
0x6a: {  	[sflag:s18] =	ssyncset.done $0x0  }
0x6b: {  	[sflag:s18] =	ssyncadd.s32 $0xFFFFE000  }
0x6c: {  	_ =	swait.ge [sflag:s26], $0x2000  }
0x6d: {  	[sflag:s26] =	ssyncset.done $0x0  }
0x6e: {  	s29 =	simm.s32 $0xA280;
	[sflag:s26] =	ssyncadd.s32 $0xFFFFE000  }
0x6f: {  	[tilespmem:s23], [sflag:$0x1] =	stream.indirect.gather [hbm4b:s4+s19], $0x40, s29, s19, $0xb8;
	[tilespmem:$0x19100] =	vst v63  }
0x70: {  	s30 =	simm.s32 $0xC980  }
0x71: {  	[spmem:s2] =	stream.indirect.scatter.add.f32 [tilespmem:s25], [sflag:$0x2], $0x40, s30, s19, $0xb8;
	[tilespmem:$0x19100] =	vst v63  }
0x72: {  	_ =	swait.ge [sflag:s18], $0x2000  }
0x73: {  	[sflag:s18] =	ssyncset.done $0x0  }
0x74: {  	[sflag:s18] =	ssyncadd.s32 $0xFFFFE000  }
0x75: {  	_ =	swait.ge [sflag:s26], $0x2000  }
0x76: {  	[sflag:s26] =	ssyncset.done $0x0  }
0x77: {  	s29 =	simm.s32 $0xA300;
	[sflag:s26] =	ssyncadd.s32 $0xFFFFE000  }
0x78: {  	[tilespmem:s25], [sflag:$0x1] =	stream.indirect.gather [hbm4b:s4+s19], $0x40, s29, s19, $0xb8;
	[tilespmem:$0x19100] =	vst v63  }
0x79: {  	s30 =	simm.s32 $0xCA00  }
0x7a: {  	[spmem:s2] =	stream.indirect.scatter.add.f32 [tilespmem:s28], [sflag:$0x2], $0x40, s30, s19, $0xb8;
	[tilespmem:$0x19100] =	vst v63  }
0x7b: {  	_ =	swait.ge [sflag:s18], $0x2000  }
0x7c: {  	s24 =	simm.s32 $0x800;
	[sflag:s18] =	ssyncset.done $0x0  }
.LBB2_4:
0x7d: {  	p3 =	sne.s32 s24, $0x9000  }
0x7e: {  	[sflag:s18] =	ssyncadd.s32 $0xFFFFE000;
	s29 =	smov.u32 s24;
	s24 =	sadd.s32 $0x800, s24  }
0x7f: {  	_ = 	snop  }
0x80: {  	_ =	swait.ge [sflag:s26], $0x2000  }
0x81: {  	s29 =	sshra.s32 s29, $0x2;
	[sflag:s26] =	ssyncset.done $0x0  }
0x82: {  	s30 =	sadd.s32 $0xA180, s29;
	[sflag:s26] =	ssyncadd.s32 $0xFFFFE000  }
0x83: {  	[tilespmem:s28], [sflag:$0x1] =	stream.indirect.gather [hbm4b:s4+s19], $0x40, s30, s19, $0xb8;
	[tilespmem:$0x19100] =	vst v63  }
0x84: {  	s30 =	sadd.s32 $0xC880, s29  }
0x85: {  	[spmem:s2] =	stream.indirect.scatter.add.f32 [tilespmem:s21], [sflag:$0x2], $0x40, s30, s19, $0xb8;
	[tilespmem:$0x19100] =	vst v63  }
0x86: {  	_ =	swait.ge [sflag:s18], $0x2000  }
0x87: {  	[sflag:s18] =	ssyncset.done $0x0  }
0x88: {  	[sflag:s18] =	ssyncadd.s32 $0xFFFFE000  }
0x89: {  	_ =	swait.ge [sflag:s26], $0x2000  }
0x8a: {  	[sflag:s26] =	ssyncset.done $0x0  }
0x8b: {  	s30 =	sadd.s32 $0xA200, s29;
	[sflag:s26] =	ssyncadd.s32 $0xFFFFE000  }
0x8c: {  	[tilespmem:s21], [sflag:$0x1] =	stream.indirect.gather [hbm4b:s4+s19], $0x40, s30, s19, $0xb8;
	[tilespmem:$0x19100] =	vst v63  }
0x8d: {  	s30 =	sadd.s32 $0xC900, s29  }
0x8e: {  	[spmem:s2] =	stream.indirect.scatter.add.f32 [tilespmem:s23], [sflag:$0x2], $0x40, s30, s19, $0xb8;
	[tilespmem:$0x19100] =	vst v63  }
0x8f: {  	_ =	swait.ge [sflag:s18], $0x2000  }
0x90: {  	[sflag:s18] =	ssyncset.done $0x0  }
0x91: {  	[sflag:s18] =	ssyncadd.s32 $0xFFFFE000  }
0x92: {  	_ =	swait.ge [sflag:s26], $0x2000  }
0x93: {  	[sflag:s26] =	ssyncset.done $0x0  }
0x94: {  	s30 =	sadd.s32 $0xA280, s29;
	[sflag:s26] =	ssyncadd.s32 $0xFFFFE000  }
0x95: {  	[tilespmem:s23], [sflag:$0x1] =	stream.indirect.gather [hbm4b:s4+s19], $0x40, s30, s19, $0xb8;
	[tilespmem:$0x19100] =	vst v63  }
0x96: {  	s30 =	sadd.s32 $0xC980, s29  }
0x97: {  	[spmem:s2] =	stream.indirect.scatter.add.f32 [tilespmem:s25], [sflag:$0x2], $0x40, s30, s19, $0xb8;
	[tilespmem:$0x19100] =	vst v63  }
0x98: {  	_ =	swait.ge [sflag:s18], $0x2000  }
0x99: {  	[sflag:s18] =	ssyncset.done $0x0  }
0x9a: {  	[sflag:s18] =	ssyncadd.s32 $0xFFFFE000  }
0x9b: {  	_ =	swait.ge [sflag:s26], $0x2000  }
0x9c: {  	[sflag:s26] =	ssyncset.done $0x0  }
0x9d: {  	s30 =	sadd.s32 $0xA300, s29;
	[sflag:s26] =	ssyncadd.s32 $0xFFFFE000  }
0x9e: {  	[tilespmem:s25], [sflag:$0x1] =	stream.indirect.gather [hbm4b:s4+s19], $0x40, s30, s19, $0xb8;
	[tilespmem:$0x19100] =	vst v63  }
.Ltmp1:
0x9f: {  	_ = 	snop;
	(pc) =	sbr.rel @p3 .LBB2_4-.Ltmp1, $4  }
0xa0: {  	s29 =	sadd.s32 $0xCA00, s29  }
0xa1: {  	[spmem:s2] =	stream.indirect.scatter.add.f32 [tilespmem:s28], [sflag:$0x2], $0x40, s29, s19, $0xb8;
	[tilespmem:$0x19100] =	vst v63  }
0xa2: {  	_ =	swait.ge [sflag:s18], $0x2000  }
0xa3: {  	[sflag:s18] =	ssyncset.done $0x0  }
0xa4: {  	[sflag:s18] =	ssyncadd.s32 $0xFFFFE000  }
0xa5: {  	_ =	swait.ge [sflag:s26], $0x2000  }
0xa6: {  	[sflag:s26] =	ssyncset.done $0x0  }
0xa7: {  	s24 =	simm.s32 $0xC780;
	[sflag:s26] =	ssyncadd.s32 $0xFFFFE000  }
0xa8: {  	[tilespmem:s28], [sflag:$0x1] =	stream.indirect.gather [hbm4b:s4+s19], $0x40, s24, s19, $0xb8;
	[tilespmem:$0x19100] =	vst v63  }
0xa9: {  	s29 =	simm.s32 $0xEE80  }
0xaa: {  	[spmem:s2] =	stream.indirect.scatter.add.f32 [tilespmem:s21], [sflag:$0x2], $0x40, s29, s19, $0xb8;
	[tilespmem:$0x19100] =	vst v63  }
0xab: {  	_ =	swait.ge [sflag:s18], $0x2000  }
0xac: {  	[sflag:s18] =	ssyncset.done $0x0  }
0xad: {  	[sflag:s18] =	ssyncadd.s32 $0xFFFFE000  }
0xae: {  	_ =	swait.ge [sflag:s26], $0x2000  }
0xaf: {  	[sflag:s26] =	ssyncset.done $0x0  }
0xb0: {  	[sflag:s26] =	ssyncadd.s32 $0xFFFFE000  }
0xb1: {  	[tilespmem:s21], [sflag:$0x1] =	stream.indirect.gather [hbm4b:s4+s19], $0x40, s31, s19, $0xb8;
	[tilespmem:$0x19100] =	vst v63  }
0xb2: {  	_ = 	snop  }
0xb3: {  	[spmem:s2] =	stream.indirect.scatter.add.f32 [tilespmem:s23], [sflag:$0x2], $0x40, s1, s19, $0xb8;
	[tilespmem:$0x19100] =	vst v63  }
0xb4: {  	_ =	swait.ge [sflag:s18], $0x2000  }
0xb5: {  	[sflag:s18] =	ssyncset.done $0x0  }
0xb6: {  	[sflag:s18] =	ssyncadd.s32 $0xFFFFE000  }
0xb7: {  	_ =	swait.ge [sflag:s26], $0x2000  }
0xb8: {  	[sflag:s26] =	ssyncset.done $0x0  }
0xb9: {  	[sflag:s26] =	ssyncadd.s32 $0xFFFFE000  }
0xba: {  	[spmem:s2] =	stream.indirect.scatter.add.f32 [tilespmem:s25], [sflag:$0x2], $0x40, s0, s19, $0xb8;
	[tilespmem:$0x19100] =	vst v63  }
0xbb: {  	_ =	swait.ge [sflag:s18], $0x2000  }
0xbc: {  	[sflag:s18] =	ssyncset.done $0x0  }
0xbd: {  	[sflag:s18] =	ssyncadd.s32 $0xFFFFE000  }
0xbe: {  	_ =	swait.ge [sflag:s26], $0x2000  }
0xbf: {  	[sflag:s26] =	ssyncset.done $0x0  }
0xc0: {  	[sflag:s26] =	ssyncadd.s32 $0xFFFFE000  }
0xc1: {  	[spmem:s2] =	stream.indirect.scatter.add.f32 [tilespmem:s28], [sflag:$0x2], $0x40, s20, s19, $0xb8;
	[tilespmem:$0x19100] =	vst v63  }
0xc2: {  	_ =	swait.ge [sflag:s18], $0x2000  }
0xc3: {  	[sflag:s18] =	ssyncset.done $0x0  }
0xc4: {  	[sflag:s18] =	ssyncadd.s32 $0xFFFFE000  }
0xc5: {  	_ =	swait.ge [sflag:s26], $0x2000  }
0xc6: {  	[sflag:s26] =	ssyncset.done $0x0  }
0xc7: {  	[sflag:s26] =	ssyncadd.s32 $0xFFFFE000  }
0xc8: {  	[spmem:s2] =	stream.indirect.scatter.add.f32 [tilespmem:s21], [sflag:$0x2], $0x40, s22, s19, $0xb8;
	[tilespmem:$0x19100] =	vst v63  }
0xc9: {  	s30 =	stileid.u32;
	_ =	swait.ge [sflag:s18], $0x2000  }
0xca: {  	s3 =	sadd.s32 $0x1, s3;
	s24 =	sshll.u32 s30, $0x6;
	[sflag:s18] =	ssyncset.done $0x0  }
0xcb: {  	p3 =	sne.s32 s3, s17;
	s24 =	sor.u32 $0x1C02, s24;
	[sflag:s18] =	ssyncadd.s32 $0xFFFFE000  }
.Ltmp2:
0xcc: {  	s29 =	sshrl.u32 s11, $0x3;
	[bflag:$0x0] =	sbarrier.arrive $0xFFFF;
	(pc) =	sbr.rel @p3 .LBB2_1-.Ltmp2, $4  }
0xcd: {  	[hbm:s16], [sflag:s24] =	dma.local [spmem:s29], $0x1400  }
0xce: {  	_ =	swait.ge [sflag:s18], $0x1400  }
0xcf: {  	[sflag:s18] =	ssyncset.done $0x0  }
0xd0: {  	[sflag:s18] =	ssyncadd.s32 $0xFFFFEC00  }
0xd1: {  	_ =	sfence.sel $0x180000  }
0xd2: {  	[bflag:$0x0] =	sbarrier.arrive $0xFFFF  }
0xd3: {  	_ =	strace $0x9000004A  }
0xd4: {  	s0 =	stileid.u32;
	[bflag:$0x2] =	sbarrier.arrive $0xFFFF  }
0xd5: {  	p0 =	sne.s32 s0, $0x0;
	s0 =	rddreg [dreg:$0x2]  }
0xd6: {  	s0 =	sadd.s32 @!p0 $0x100000, s0  }
0xd7: {  	[sflag:s0] =	ssyncadd.tile.s32 @!p0 $0x1;
	_ =	shalt  }
.Lfunc_end2:
_tile_overlayer_lowered:
.L_overlay_start_2:
0xd8: {  	(tag) =	ssettag $0x2  }
0xd9: {  	s0 =	rddreg [dreg:$0x0];
	s2 =	stileid.u32  }
0xda: {  	s1 =	rddreg [dreg:$0x1];
	p0 =	sne.s32 s2, $0x0  }
0xdb: {  	s3 =	rddreg [dreg:$0x2];
	[bflag:$0x3] =	sbarrier.arrive $0xFFFF;
	s2 =	simm.s32 @!p0 $0x1C02  }
0xdc: {  	[timem:s3], [sflag:s2] =	dma.local @!p0 [hbm:s0], s1  }
0xdd: {  	s0 =	simm.s32 @!p0 $0x2  }
0xde: {  	_ =	swait.ge @!p0 [sflag:s0], s1  }
0xdf: {  	s1 =	ssub.s32 @!p0 $0x0, s1;
	[sflag:s0] =	ssyncset.done @!p0 $0x0  }
0xe0: {  	[sflag:s0] =	ssyncadd.s32 @!p0 s1  }
0xe1: {  	[bflag:$0x3] =	sbarrier.arrive $0xFFFF  }
0xe2: {  	_ =	shalt  }

// kernel: kernel.15.cloned.1.call-start
scs
__scs_entry_jumppad:
0x0: {  	(pc) =	sbr.rel $0x88, $3  }
0x1: {  	(tag) =	ssettag $0x0;
	lr =	simm.s32 $0x1  }
0x2: {  	[smem:$0x3F98] =	sst lr;
	_ =	strace $0xD0000000  }
0x3: {  	_ = 	snop  }
0x4: {  	_ = 	snop  }
0x5: {  	_ = 	snop  }
0x6: {  	_ = 	snop  }
0x7: {  	_ = 	snop  }
__scs_overlays_trampoline_lowered:
0x8: {  	[smem:$0x3FA7] =	sst s0  }
0x9: {  	[smem:$0x3FA8] =	sst s1  }
0xa: {  	[smem:$0x3FA9] =	sst s2  }
0xb: {  	[smem:$0x3FAA] =	sst s3  }
0xc: {  	[smem:$0x3FAB] =	sst s4  }
0xd: {  	[smem:$0x3FAC] =	sst s5  }
0xe: {  	[smem:$0x3FAD] =	sst s6  }
0xf: {  	[smem:$0x3FAE] =	sst s7  }
0x10: {  	[smem:$0x3FAF] =	sst s8  }
0x11: {  	[smem:$0x3FB0] =	sst s9;
	s0 =	simm.s32 @!p0 $0x0  }
0x12: {  	s1 =	sld [smem:$0x3F96];
	s0 =	simm.s32 @p0 $0x1  }
0x13: {  	[smem:$0x3FB1] =	sst s0;
	s0 =	simm.s32 @!p1 $0x0  }
0x14: {  	s2 =	sld [smem:$0x3F95];
	s0 =	simm.s32 @p1 $0x1  }
0x15: {  	[smem:$0x3FB2] =	sst s0;
	s0 =	simm.s32 @!p2 $0x0  }
0x16: {  	s3 =	sld [smem:$0x3FDB];
	s0 =	simm.s32 @p2 $0x1  }
0x17: {  	s4 =	simm.s32 $0x1BF5;
	[smem:$0x3FB4] =	sst s0  }
0x18: {  	s0 =	sld [smem:$0x3F97];
	_ =	swait.ge [sflag:s4], $0x0  }
0x19: {  	s7 =	sld [smem:$0x3F98]  }
0x1a: {  	s8 =	sadd.s32 $0xFFFFE003, lr  }
0x1b: {  	s9 =	sadd.s32 $0xFFFFFEF7, lr;
	s5 =	simm.s32 $0xFFFFFFFF;
	p2 =	slt.u32 s8, $0xFFFFF086  }
0x1c: {  	p1 =	slt.u32 s9, $0xF7A;
	s5 =	simm.s32 @!p2 $0x0  }
0x1d: {  	s5 =	simm.s32 @p1 $0x1;
	p0 =	seq.s32 s7, s2  }
0x1e: {  	s7 =	smul.u32 @!p0 $0xF7A, s2;
	p2 =	seq.s32 @!p0 s5, $0x0  }
0x1f: {  	s9 =	smul.u32 $0xF7A, s1;
	s8 =	simm.s32 @!p0 $0x1BF5;
	p2 =	por !p2, p0  }
0x20: {  	[sflag:s8] =	ssyncset.s32 @!p0 $0xFFFFF086;
	s6 =	sadd.s32 @!p0 s3, s7;
	s7 =	simm.s32 @!p0 $0x108  }
0x21: {  	s3 =	sadd.s32 s3, s9;
	s6 =	sadd.s32 @!p0 $0x88, s6;
	s7 =	simm.s32 @p2 $0x1082  }
0x22: {  	[simem:s7], [sflag:s8] =	dma.local @!p0 [hbm:s6], $0xF7A  }
0x23: {  	s9 =	sor.u32 $0xD0000000, s2;
	s6 =	simm.s32 $0x108;
	_ =	swait.ge @!p0 [sflag:s8], $0x0  }
0x24: {  	s3 =	sadd.s32 $0x88, s3;
	s6 =	simm.s32 @!p1 $0x1082;
	[sflag:s4] =	ssyncset.s32 $0xFFFFF086  }
0x25: {  	[simem:s6], [sflag:s4] =	dma.local [hbm:s3], $0xF7A  }
0x26: {  	[smem:$0x3F98] =	sst s1;
	(tag) =	ssettag s2;
	_ =	strace s9  }
0x27: {  	s1 =	sld [smem:$0x3FA8]  }
0x28: {  	s2 =	sld [smem:$0x3FA9]  }
0x29: {  	s4 =	sld [smem:$0x3FAB]  }
0x2a: {  	p0 =	seq.s32 s5, $0x0;
	s5 =	sld [smem:$0x3FAC]  }
0x2b: {  	s6 =	sld [smem:$0x3FAD]  }
0x2c: {  	s7 =	sld [smem:$0x3FAE]  }
0x2d: {  	s3 =	simm.s32 $0x108;
	s8 =	sld [smem:$0x3FAF]  }
0x2e: {  	s3 =	simm.s32 @!p0 $0x1082;
	s9 =	sld [smem:$0x3FB0]  }
0x2f: {  	lr =	sadd.s32 s0, s3;
	s0 =	sld [smem:$0x3FA7]  }
0x30: {  	s3 =	sld [smem:$0x3FAA]  }
0x31: {  	[smem:$0x3FB3] =	sst s10  }
0x32: {  	s10 =	sld [smem:$0x3FB1];
	_ =	sdelay $0x3  }
0x33: {  	p0 =	seq.s32 s10, $0x1;
	s10 =	sld [smem:$0x3FB3];
	_ =	sdelay $0x3  }
0x34: {  	[smem:$0x3FB3] =	sst s10  }
0x35: {  	s10 =	sld [smem:$0x3FB2];
	_ =	sdelay $0x3  }
0x36: {  	p1 =	seq.s32 s10, $0x1;
	s10 =	sld [smem:$0x3FB3];
	_ =	sdelay $0x3  }
0x37: {  	[smem:$0x3FB3] =	sst s10  }
0x38: {  	s10 =	sld [smem:$0x3FB4]  }
0x39: {  	_ = 	snop;
	(pc) =	sbr.ind lr, $3  }
0x3a: {  	_ = 	snop  }
0x3b: {  	_ = 	snop  }
0x3c: {  	p2 =	seq.s32 s10, $0x1;
	s10 =	sld [smem:$0x3FB3]  }
0x3d: {  	_ =	shalt  }
0x3e: {  	_ =	shalt  }
0x3f: {  	_ =	shalt  }
0x40: {  	_ =	shalt  }
0x41: {  	_ =	shalt  }
0x42: {  	_ =	shalt  }
0x43: {  	_ =	shalt  }
0x44: {  	_ =	shalt  }
0x45: {  	_ =	shalt  }
0x46: {  	_ =	shalt  }
0x47: {  	_ =	shalt  }
0x48: {  	_ =	shalt  }
0x49: {  	_ =	shalt  }
0x4a: {  	_ =	shalt  }
0x4b: {  	_ =	shalt  }
0x4c: {  	_ =	shalt  }
0x4d: {  	_ =	shalt  }
0x4e: {  	_ =	shalt  }
0x4f: {  	_ =	shalt  }
0x50: {  	_ =	shalt  }
0x51: {  	_ =	shalt  }
0x52: {  	_ =	shalt  }
0x53: {  	_ =	shalt  }
0x54: {  	_ =	shalt  }
0x55: {  	_ =	shalt  }
0x56: {  	_ =	shalt  }
0x57: {  	_ =	shalt  }
0x58: {  	_ =	shalt  }
0x59: {  	_ =	shalt  }
0x5a: {  	_ =	shalt  }
0x5b: {  	_ =	shalt  }
0x5c: {  	_ =	shalt  }
0x5d: {  	_ =	shalt  }
0x5e: {  	_ =	shalt  }
0x5f: {  	_ =	shalt  }
0x60: {  	_ =	shalt  }
0x61: {  	_ =	shalt  }
0x62: {  	_ =	shalt  }
0x63: {  	_ =	shalt  }
0x64: {  	_ =	shalt  }
0x65: {  	_ =	shalt  }
0x66: {  	_ =	shalt  }
0x67: {  	_ =	shalt  }
0x68: {  	_ =	shalt  }
0x69: {  	_ =	shalt  }
0x6a: {  	_ =	shalt  }
0x6b: {  	_ =	shalt  }
0x6c: {  	_ =	shalt  }
0x6d: {  	_ =	shalt  }
0x6e: {  	_ =	shalt  }
0x6f: {  	_ =	shalt  }
0x70: {  	_ =	shalt  }
0x71: {  	_ =	shalt  }
0x72: {  	_ =	shalt  }
0x73: {  	_ =	shalt  }
0x74: {  	_ =	shalt  }
0x75: {  	_ =	shalt  }
0x76: {  	_ =	shalt  }
0x77: {  	_ =	shalt  }
0x78: {  	_ =	shalt  }
0x79: {  	_ =	shalt  }
0x7a: {  	_ =	shalt  }
0x7b: {  	_ =	shalt  }
0x7c: {  	_ =	shalt  }
0x7d: {  	_ =	shalt  }
0x7e: {  	_ =	shalt  }
0x7f: {  	_ =	shalt  }
0x80: {  	_ =	shalt  }
0x81: {  	_ =	shalt  }
0x82: {  	_ =	shalt  }
0x83: {  	_ =	shalt  }
0x84: {  	_ =	shalt  }
0x85: {  	_ =	shalt  }
0x86: {  	_ =	shalt  }
0x87: {  	_ =	shalt  }
.Lfunc_end0:
.L_simem_size_0:
called_computation.2_lowered:
.L_overlay_start_0:
0x88: {  	s2 =	sld [smem:$0x3FD9]  }
0x89: {  	s3 =	sld [smem:$0x3FFE];
	_ =	sdelay $0x1  }
0x8a: {  	s1 =	srdreg.scid  }
0x8b: {  	s0 =	sand.u32 $0x1, s1  }
0x8c: {  	s16 =	sshll.u32 s0, $0xA;
	s2 =	sadd.s32 s3, s2  }
0x8d: {  	s2 =	sadd.s32 s2, s16  }
0x8e: {  	[smem:$0x3FBF] =	sst s2  }
0x8f: {  	_ = 	snop  }
0x90: {  	(tm) =	ssettm $0x1  }
0x91: {  	s17 =	sld [smem:$0x3FFB];
	_ =	sdelay $0x3  }
0x92: {  	_ =	strace s17  }
0x93: {  	s2 =	sld [smem:$0x3FFC];
	_ =	sdelay $0x3  }
0x94: {  	_ =	strace s2  }
0x95: {  	s2 =	sld [smem:$0x3FFD];
	_ =	sdelay $0x3  }
0x96: {  	_ =	strace s2  }
0x97: {  	_ =	strace $0x8FFFFFFF  }
0x98: {  	s18 =	sld [smem:$0x3FDB];
	_ =	sdelay $0x1  }
0x99: {  	s19 =	simm.s32 $_scs_section_size  }
0x9a: {  	s4 =	simm.s32 $_size__tile_overlayer_lowered;
	s5 =	simm.s32 $_tile_overlayer_lowered  }
0x9b: {  	s22 =	simm.s32 $0x1BFF;
	s21 =	sshll.u32 s5, $0x1;
	s2 =	sadd.s32 s19, s18  }
0x9c: {  	s6 =	simm.s32 $0x0;
	s20 =	sshll.u32 s4, $0x1;
	s4 =	sadd.s32 s21, s2  }
0x9d: {  	[timem:s6], [sflag:s22] =	dma.local [hbm:s4], s20  }
0x9e: {  	_ =	swait.ge [sflag:s22], s20  }
0x9f: {  	s3 =	ssub.s32 $0x0, s20;
	[sflag:s22] =	ssyncset.done $0x0  }
0xa0: {  	[sflag:s22] =	ssyncadd.s32 s3;
	_ =	sdelay $0x1  }
0xa1: {  	s23 =	simm.s32 $0x1B8B  }
0xa2: {  	_ =	swait.ge [sflag:s23], $0x1  }
0xa3: {  	[sflag:s23] =	ssyncset.done $0x0  }
0xa4: {  	s25 =	simm.s32 $0x1B8E;
	s24 =	sld [smem:$0x3FFE];
	[sflag:s23] =	ssyncadd.s32 $0xFFFFFFFF  }
0xa5: {  	s26 =	simm.s32 $execute0_lowered;
	[smem:$0x3FD2] =	sst s25  }
0xa6: {  	s4 =	sshll.u32 s26, $0x1;
	_ =	strace $0x8000004C;
	[dreg:$0x1] =	wrdreg $0xFFFFFFFF  }
0xa7: {  	s28 =	simm.s32 $_size_execute0_lowered;
	s2 =	sadd.s32 s2, s4;
	[dreg:$0x0] =	wrdreg $0x0  }
0xa8: {  	s4 =	sshll.u32 s28, $0x1;
	[dreg:$0x2] =	wrdreg s2  }
0xa9: {  	[dreg:$0x3] =	wrdreg s4  }
0xaa: {  	[dreg:$0x4] =	wrdreg $0xC0  }
0xab: {  	_ =	task [dreg:s6], $0x5FFFF  }
0xac: {  	[dreg:$0x1] =	wrdreg $0xFFFFFFFF  }
0xad: {  	[dreg:$0x0] =	wrdreg $0x60  }
0xae: {  	[dreg:$0x2] =	wrdreg s24  }
0xaf: {  	[dreg:$0x3] =	wrdreg $0xF1000  }
0xb0: {  	[dreg:$0x4] =	wrdreg $0x9  }
0xb1: {  	_ =	task.clear_ibuf [dreg:s6], $0x5FFFF;
	_ =	strace $0x9000004C  }
0xb2: {  	s29 =	simm.s32 $0x9;
	_ =	strace $0x8000004E  }
0xb3: {  	_ =	swait.ge [sflag:s29], $0x1  }
0xb4: {  	[sflag:s29] =	ssyncadd.s32 $0xFFFFFFFF  }
0xb5: {  	_ =	strace $0x9000004E  }
0xb6: {  	_ =	sfence  }
0xb7: {  	s30 =	sld [smem:$0x0];
	_ =	sdelay $0x2  }
0xb8: {  	s31 =	sshll.u32 s1, $0xD;
	s1 =	sshrl.u32 s1, $0x2  }
0xb9: {  	s3 =	sand.u32 $0x4000, s31;
	s1 =	sadd.s32 s1, s30  }
0xba: {  	s0 =	sor.u32 s3, s0;
	s1 =	sshll.u32 s1, $0x11  }
0xbb: {  	s0 =	sor.u32 s1, s0  }
0xbc: {  	s0 =	sadd.s32 $0x8F2B, s0  }
0xbd: {  	[sflag:s0] =	ssyncadd.remote.s32 $0x1  }
0xbe: {  	_ =	sfence.sel $0xFFFF  }
0xbf: {  	[dreg:$0x0] =	wrdreg $0xFFFFFFFF;
	(pc) =	sbr.abs _section_cstart, $3  }
0xc0: {  	[dreg:$0x1] =	wrdreg $0xFFFFFFFF  }
0xc1: {  	_ =	task.clear_ibuf [dreg:s6], $0x2FFFF;
	_ =	strace $0x9FFFFFFF  }
0xc2: {  	(tm) =	ssettm $0x7FFFFFFF  }
0xc3: {  	_ =	shalt  }
tec
execute0_lowered:
.L_overlay_start_1:
0x0: {  	(tag) =	ssettag $0x1  }
0x1: {  	s0 =	srdreg.scid  }
0x2: {  	s1 =	rddreg [dreg:$0x0];
	s8 =	stileid.u32  }
0x3: {  	s2 =	rddreg [dreg:$0x1];
	s18 =	simm.s32 $0x2;
	s19 =	simm.s32 $0x80  }
0x4: {  	s21 =	simm.s32 $0x2000;
	s23 =	simm.s32 $0x4000;
	s25 =	simm.s32 $0x6000  }
0x5: {  	s26 =	simm.s32 $0x1;
	s28 =	simm.s32 $0x8000;
	s31 =	simm.s32 $0xC800  }
0x6: {  	s20 =	simm.s32 $0xF000;
	s22 =	simm.s32 $0xF080;
	s6 =	smul.u32 $0x1400, s8  }
0x7: {  	s0 =	sand.u32 $0x1, s0;
	s4 =	sadd.s32 $0x16C00, s1;
	s9 =	smul.u32 $0x28000, s8  }
0x8: {  	s3 =	sshll.u32 s0, $0x4;
	s7 =	smul.u32 $0x14000, s0;
	s0 =	ssub.s32 $0x2, s0  }
0x9: {  	s16 =	sor.u32 s8, s3;
	s3 =	simm.s32 $0x0;
	s29 =	sshrl.u32 s0, $0x1  }
0xa: {  	s8 =	sadd.s32 $0x15FE0, s1;
	s30 =	sshrl.u32 s9, $0x2;
	s5 =	smul.u32 $0x510, s16  }
0xb: {  	[smem:$0x7FF] =	sst s3;
	s6 =	sadd.s32 s6, s7;
	s0 =	ssub.s32 s0, s29  }
0xc: {  	s7 =	sadd.s32 $0xC1E0, s1;
	s11 =	sadd.s32 s30, s2;
	p0 =	slt.u32 s16, $0x1E  }
0xd: {  	_ =	strace $0x8000004D;
	s17 =	sadd.s32 s6, s1;
	s6 =	sadd.s32 $0x166B0, s1  }
0xe: {  	s12 =	sadd.s32 $0x2000, s11;
	s13 =	sadd.s32 $0x4000, s11;
	s14 =	sadd.s32 $0x6000, s11  }
0xf: {  	s15 =	sadd.s32 $0x8000, s11;
	p2 =	sne.s32 @!p0 s16, $0x1E;
	s10 =	sadd.s32 s5, s1  }
0x10: {  	s5 =	sadd.s32 $0x16600, s1;
	s16 =	sadd.s32 $0x2AC00, s17;
	s17 =	smax.u32 s0, $0x1  }
0x11: {  	p1 =	por !p2, p0;
	p2 =	por p2, p0;
	s1 =	simm.s32 $0xEF00  }
0x12: {  	v0 =	vimm.f32 $0.0e+00;
	s0 =	simm.s32 $0xEF80;
	s9 =	sadd.s32 $0x2A00, s10;
	s10 =	sadd.s32 $0xC800, s10  }
.LBB2_1:
0x13: {  	s29 =	simm.s32 $0x100;
	s24 =	simm.s32 $0x0  }
.LBB2_2:
0x14: {  	p3 =	sne.s32 s29, $0x7F00;
	[tilespmem:s24+$0x30] =	vst v0;
	s30 =	smov.u32 s29;
	s29 =	sadd.s32 $0x100, s29  }
.Ltmp0:
0x15: {  	[tilespmem:s24+$0x20] =	vst v0;
	(pc) =	sbr.rel @p3 .LBB2_2-.Ltmp0, $3  }
0x16: {  	[tilespmem:s24+$0x0] =	vst v0  }
0x17: {  	[tilespmem:s24+$0x10] =	vst v0;
	_ =	sdelay $0x1  }
0x18: {  	s24 =	sshra.s32 s30, $0x2  }
0x19: {  	[tilespmem:s24+$0x30] =	vst v0  }
0x1a: {  	[tilespmem:s24+$0x20] =	vst v0  }
0x1b: {  	[tilespmem:s24+$0x0] =	vst v0  }
0x1c: {  	[tilespmem:s24+$0x10] =	vst v0;
	s24 =	simm.s32 @p0 $0x0;
	s29 =	simm.s32 @p0 $0xA000  }
0x1d: {  	[tilespmem:s29], [sflag:$0x2] =	stream.linear.gather @p0 [hbm4b:s9+s24], $0x2880, $0x38;
	[tilespmem:$0x19100] =	vst v63  }
0x1e: {  	s29 =	simm.s32 @p0 $0x2  }
0x1f: {  	_ =	swait.ge @p0 [sflag:s29], $0x2880  }
0x20: {  	[sflag:s29] =	ssyncset.done @p0 $0x0  }
0x21: {  	s30 =	simm.s32 @p0 $0xC880;
	[sflag:s29] =	ssyncadd.s32 @p0 $0xFFFFD780  }
0x22: {  	[tilespmem:s30], [sflag:$0x2] =	stream.linear.gather @p0 [hbm4b:s10+s24], $0x2880, $0x38;
	[tilespmem:$0x19100] =	vst v63  }
0x23: {  	_ =	swait.ge @p0 [sflag:s29], $0x2880  }
0x24: {  	[sflag:s29] =	ssyncset.done @p0 $0x0  }
0x25: {  	s24 =	simm.s32 @!p1 $0x0;
	[sflag:s29] =	ssyncadd.s32 @p0 $0xFFFFD780;
	s29 =	simm.s32 @!p1 $0xA000  }
0x26: {  	[tilespmem:s29], [sflag:$0x2] =	stream.linear.gather @!p1 [hbm4b:s6+s24], $0x2880, $0x38;
	[tilespmem:$0x19100] =	vst v63  }
0x27: {  	s29 =	simm.s32 @!p1 $0x2  }
0x28: {  	_ =	swait.ge @!p1 [sflag:s29], $0x2880  }
0x29: {  	[sflag:s29] =	ssyncset.done @!p1 $0x0  }
0x2a: {  	s30 =	simm.s32 @!p1 $0xC880;
	[sflag:s29] =	ssyncadd.s32 @!p1 $0xFFFFD780  }
0x2b: {  	[tilespmem:s30], [sflag:$0x2] =	stream.linear.gather @!p1 [hbm4b:s6+s24], $0x2880, $0x38;
	[tilespmem:$0x19100] =	vst v63  }
0x2c: {  	_ =	swait.ge @!p1 [sflag:s29], $0x2880  }
0x2d: {  	[sflag:s29] =	ssyncset.done @!p1 $0x0  }
0x2e: {  	s24 =	simm.s32 @!p2 $0x0;
	[sflag:s29] =	ssyncadd.s32 @!p1 $0xFFFFD780;
	s29 =	simm.s32 @!p2 $0xA000  }
0x2f: {  	[tilespmem:s29], [sflag:$0x2] =	stream.linear.gather @!p2 [hbm4b:s7+s24], $0x2300, $0x38;
	[tilespmem:$0x19100] =	vst v63  }
0x30: {  	s29 =	simm.s32 @!p2 $0x2  }
0x31: {  	_ =	swait.ge @!p2 [sflag:s29], $0x2300  }
0x32: {  	[sflag:s29] =	ssyncset.done @!p2 $0x0  }
0x33: {  	s30 =	simm.s32 @!p2 $0xC300;
	[sflag:s29] =	ssyncadd.s32 @!p2 $0xFFFFDD00  }
0x34: {  	[tilespmem:s30], [sflag:$0x2] =	stream.linear.gather @!p2 [hbm4b:s5+s24], $0x580, $0x38;
	[tilespmem:$0x19100] =	vst v63  }
0x35: {  	_ =	swait.ge @!p2 [sflag:s29], $0x580  }
0x36: {  	[sflag:s29] =	ssyncset.done @!p2 $0x0  }
0x37: {  	s30 =	simm.s32 @!p2 $0xC880;
	[sflag:s29] =	ssyncadd.s32 @!p2 $0xFFFFFA80  }
0x38: {  	[tilespmem:s30], [sflag:$0x2] =	stream.linear.gather @!p2 [hbm4b:s8+s24], $0x2300, $0x38;
	[tilespmem:$0x19100] =	vst v63  }
0x39: {  	_ =	swait.ge @!p2 [sflag:s29], $0x2300  }
0x3a: {  	[sflag:s29] =	ssyncset.done @!p2 $0x0  }
0x3b: {  	s30 =	simm.s32 @!p2 $0xEB80;
	[sflag:s29] =	ssyncadd.s32 @!p2 $0xFFFFDD00  }
0x3c: {  	[tilespmem:s30], [sflag:$0x2] =	stream.linear.gather @!p2 [hbm4b:s5+s24], $0x580, $0x38;
	[tilespmem:$0x19100] =	vst v63  }
0x3d: {  	_ =	swait.ge @!p2 [sflag:s29], $0x580  }
0x3e: {  	[sflag:s29] =	ssyncset.done @!p2 $0x0  }
0x3f: {  	[sflag:s29] =	ssyncadd.s32 @!p2 $0xFFFFFA80;
	s29 =	simm.s32 $0x0  }
0x40: {  	[spmem:s11] =	stream.linear.scatter [tilespmem:s29], [sflag:$0x2], $0x2000, $0x38;
	[tilespmem:$0x19100] =	vst v63  }
0x41: {  	_ =	swait.ge [sflag:s18], $0x2000  }
0x42: {  	[sflag:s18] =	ssyncset.done $0x0  }
0x43: {  	[sflag:s18] =	ssyncadd.s32 $0xFFFFE000  }
0x44: {  	[spmem:s12] =	stream.linear.scatter [tilespmem:s29], [sflag:$0x2], $0x2000, $0x38;
	[tilespmem:$0x19100] =	vst v63  }
0x45: {  	_ =	swait.ge [sflag:s18], $0x2000  }
0x46: {  	[sflag:s18] =	ssyncset.done $0x0  }
0x47: {  	[sflag:s18] =	ssyncadd.s32 $0xFFFFE000  }
0x48: {  	[spmem:s13] =	stream.linear.scatter [tilespmem:s29], [sflag:$0x2], $0x2000, $0x38;
	[tilespmem:$0x19100] =	vst v63  }
0x49: {  	_ =	swait.ge [sflag:s18], $0x2000  }
0x4a: {  	[sflag:s18] =	ssyncset.done $0x0  }
0x4b: {  	[sflag:s18] =	ssyncadd.s32 $0xFFFFE000  }
0x4c: {  	[spmem:s14] =	stream.linear.scatter [tilespmem:s29], [sflag:$0x2], $0x2000, $0x38;
	[tilespmem:$0x19100] =	vst v63  }
0x4d: {  	_ =	swait.ge [sflag:s18], $0x2000  }
0x4e: {  	[sflag:s18] =	ssyncset.done $0x0  }
0x4f: {  	[sflag:s18] =	ssyncadd.s32 $0xFFFFE000  }
0x50: {  	[spmem:s15] =	stream.linear.scatter [tilespmem:s29], [sflag:$0x2], $0x2000, $0x38;
	[tilespmem:$0x19100] =	vst v63  }
0x51: {  	_ =	swait.ge [sflag:s18], $0x2000  }
0x52: {  	[sflag:s18] =	ssyncset.done $0x0  }
0x53: {  	[sflag:s18] =	ssyncadd.s32 $0xFFFFE000  }
0x54: {  	s30 =	simm.s32 $0xA000;
	[bflag:$0x0] =	sbarrier.arrive $0xFFFF  }
0x55: {  	[tilespmem:s21], [sflag:$0x1] =	stream.indirect.gather [hbm4b:s4+s19], $0x40, s30, s19, $0xb8;
	[tilespmem:$0x19100] =	vst v63  }
0x56: {  	s29 =	simm.s32 $0xA080  }
0x57: {  	[tilespmem:s23], [sflag:$0x1] =	stream.indirect.gather [hbm4b:s4+s19], $0x40, s29, s19, $0xb8;
	[tilespmem:$0x19100] =	vst v63  }
0x58: {  	s30 =	simm.s32 $0xA100  }
0x59: {  	[tilespmem:s25], [sflag:$0x1] =	stream.indirect.gather [hbm4b:s4+s19], $0x40, s30, s19, $0xb8;
	[tilespmem:$0x19100] =	vst v63  }
0x5a: {  	_ =	swait.ge [sflag:s26], $0x2000  }
0x5b: {  	[sflag:s26] =	ssyncset.done $0x0  }
0x5c: {  	s29 =	simm.s32 $0xA180;
	[sflag:s26] =	ssyncadd.s32 $0xFFFFE000  }
0x5d: {  	[tilespmem:s28], [sflag:$0x1] =	stream.indirect.gather [hbm4b:s4+s19], $0x40, s29, s19, $0xb8;
	[tilespmem:$0x19100] =	vst v63  }
0x5e: {  	s30 =	simm.s32 $0xC880  }
0x5f: {  	[spmem:s2] =	stream.indirect.scatter.add.f32 [tilespmem:s21], [sflag:$0x2], $0x40, s30, s19, $0xb8;
	[tilespmem:$0x19100] =	vst v63  }
0x60: {  	_ =	swait.ge [sflag:s18], $0x2000  }
0x61: {  	[sflag:s18] =	ssyncset.done $0x0  }
0x62: {  	[sflag:s18] =	ssyncadd.s32 $0xFFFFE000  }
0x63: {  	_ =	swait.ge [sflag:s26], $0x2000  }
0x64: {  	[sflag:s26] =	ssyncset.done $0x0  }
0x65: {  	s29 =	simm.s32 $0xA200;
	[sflag:s26] =	ssyncadd.s32 $0xFFFFE000  }
0x66: {  	[tilespmem:s21], [sflag:$0x1] =	stream.indirect.gather [hbm4b:s4+s19], $0x40, s29, s19, $0xb8;
	[tilespmem:$0x19100] =	vst v63  }
0x67: {  	s30 =	simm.s32 $0xC900  }
0x68: {  	[spmem:s2] =	stream.indirect.scatter.add.f32 [tilespmem:s23], [sflag:$0x2], $0x40, s30, s19, $0xb8;
	[tilespmem:$0x19100] =	vst v63  }
0x69: {  	_ =	swait.ge [sflag:s18], $0x2000  }
0x6a: {  	[sflag:s18] =	ssyncset.done $0x0  }
0x6b: {  	[sflag:s18] =	ssyncadd.s32 $0xFFFFE000  }
0x6c: {  	_ =	swait.ge [sflag:s26], $0x2000  }
0x6d: {  	[sflag:s26] =	ssyncset.done $0x0  }
0x6e: {  	s29 =	simm.s32 $0xA280;
	[sflag:s26] =	ssyncadd.s32 $0xFFFFE000  }
0x6f: {  	[tilespmem:s23], [sflag:$0x1] =	stream.indirect.gather [hbm4b:s4+s19], $0x40, s29, s19, $0xb8;
	[tilespmem:$0x19100] =	vst v63  }
0x70: {  	s30 =	simm.s32 $0xC980  }
0x71: {  	[spmem:s2] =	stream.indirect.scatter.add.f32 [tilespmem:s25], [sflag:$0x2], $0x40, s30, s19, $0xb8;
	[tilespmem:$0x19100] =	vst v63  }
0x72: {  	_ =	swait.ge [sflag:s18], $0x2000  }
0x73: {  	[sflag:s18] =	ssyncset.done $0x0  }
0x74: {  	[sflag:s18] =	ssyncadd.s32 $0xFFFFE000  }
0x75: {  	_ =	swait.ge [sflag:s26], $0x2000  }
0x76: {  	[sflag:s26] =	ssyncset.done $0x0  }
0x77: {  	s29 =	simm.s32 $0xA300;
	[sflag:s26] =	ssyncadd.s32 $0xFFFFE000  }
0x78: {  	[tilespmem:s25], [sflag:$0x1] =	stream.indirect.gather [hbm4b:s4+s19], $0x40, s29, s19, $0xb8;
	[tilespmem:$0x19100] =	vst v63  }
0x79: {  	s30 =	simm.s32 $0xCA00  }
0x7a: {  	[spmem:s2] =	stream.indirect.scatter.add.f32 [tilespmem:s28], [sflag:$0x2], $0x40, s30, s19, $0xb8;
	[tilespmem:$0x19100] =	vst v63  }
0x7b: {  	_ =	swait.ge [sflag:s18], $0x2000  }
0x7c: {  	s24 =	simm.s32 $0x800;
	[sflag:s18] =	ssyncset.done $0x0  }
.LBB2_4:
0x7d: {  	p3 =	sne.s32 s24, $0x9000  }
0x7e: {  	[sflag:s18] =	ssyncadd.s32 $0xFFFFE000;
	s29 =	smov.u32 s24;
	s24 =	sadd.s32 $0x800, s24  }
0x7f: {  	_ = 	snop  }
0x80: {  	_ =	swait.ge [sflag:s26], $0x2000  }
0x81: {  	s29 =	sshra.s32 s29, $0x2;
	[sflag:s26] =	ssyncset.done $0x0  }
0x82: {  	s30 =	sadd.s32 $0xA180, s29;
	[sflag:s26] =	ssyncadd.s32 $0xFFFFE000  }
0x83: {  	[tilespmem:s28], [sflag:$0x1] =	stream.indirect.gather [hbm4b:s4+s19], $0x40, s30, s19, $0xb8;
	[tilespmem:$0x19100] =	vst v63  }
0x84: {  	s30 =	sadd.s32 $0xC880, s29  }
0x85: {  	[spmem:s2] =	stream.indirect.scatter.add.f32 [tilespmem:s21], [sflag:$0x2], $0x40, s30, s19, $0xb8;
	[tilespmem:$0x19100] =	vst v63  }
0x86: {  	_ =	swait.ge [sflag:s18], $0x2000  }
0x87: {  	[sflag:s18] =	ssyncset.done $0x0  }
0x88: {  	[sflag:s18] =	ssyncadd.s32 $0xFFFFE000  }
0x89: {  	_ =	swait.ge [sflag:s26], $0x2000  }
0x8a: {  	[sflag:s26] =	ssyncset.done $0x0  }
0x8b: {  	s30 =	sadd.s32 $0xA200, s29;
	[sflag:s26] =	ssyncadd.s32 $0xFFFFE000  }
0x8c: {  	[tilespmem:s21], [sflag:$0x1] =	stream.indirect.gather [hbm4b:s4+s19], $0x40, s30, s19, $0xb8;
	[tilespmem:$0x19100] =	vst v63  }
0x8d: {  	s30 =	sadd.s32 $0xC900, s29  }
0x8e: {  	[spmem:s2] =	stream.indirect.scatter.add.f32 [tilespmem:s23], [sflag:$0x2], $0x40, s30, s19, $0xb8;
	[tilespmem:$0x19100] =	vst v63  }
0x8f: {  	_ =	swait.ge [sflag:s18], $0x2000  }
0x90: {  	[sflag:s18] =	ssyncset.done $0x0  }
0x91: {  	[sflag:s18] =	ssyncadd.s32 $0xFFFFE000  }
0x92: {  	_ =	swait.ge [sflag:s26], $0x2000  }
0x93: {  	[sflag:s26] =	ssyncset.done $0x0  }
0x94: {  	s30 =	sadd.s32 $0xA280, s29;
	[sflag:s26] =	ssyncadd.s32 $0xFFFFE000  }
0x95: {  	[tilespmem:s23], [sflag:$0x1] =	stream.indirect.gather [hbm4b:s4+s19], $0x40, s30, s19, $0xb8;
	[tilespmem:$0x19100] =	vst v63  }
0x96: {  	s30 =	sadd.s32 $0xC980, s29  }
0x97: {  	[spmem:s2] =	stream.indirect.scatter.add.f32 [tilespmem:s25], [sflag:$0x2], $0x40, s30, s19, $0xb8;
	[tilespmem:$0x19100] =	vst v63  }
0x98: {  	_ =	swait.ge [sflag:s18], $0x2000  }
0x99: {  	[sflag:s18] =	ssyncset.done $0x0  }
0x9a: {  	[sflag:s18] =	ssyncadd.s32 $0xFFFFE000  }
0x9b: {  	_ =	swait.ge [sflag:s26], $0x2000  }
0x9c: {  	[sflag:s26] =	ssyncset.done $0x0  }
0x9d: {  	s30 =	sadd.s32 $0xA300, s29;
	[sflag:s26] =	ssyncadd.s32 $0xFFFFE000  }
0x9e: {  	[tilespmem:s25], [sflag:$0x1] =	stream.indirect.gather [hbm4b:s4+s19], $0x40, s30, s19, $0xb8;
	[tilespmem:$0x19100] =	vst v63  }
.Ltmp1:
0x9f: {  	_ = 	snop;
	(pc) =	sbr.rel @p3 .LBB2_4-.Ltmp1, $4  }
0xa0: {  	s29 =	sadd.s32 $0xCA00, s29  }
0xa1: {  	[spmem:s2] =	stream.indirect.scatter.add.f32 [tilespmem:s28], [sflag:$0x2], $0x40, s29, s19, $0xb8;
	[tilespmem:$0x19100] =	vst v63  }
0xa2: {  	_ =	swait.ge [sflag:s18], $0x2000  }
0xa3: {  	[sflag:s18] =	ssyncset.done $0x0  }
0xa4: {  	[sflag:s18] =	ssyncadd.s32 $0xFFFFE000  }
0xa5: {  	_ =	swait.ge [sflag:s26], $0x2000  }
0xa6: {  	[sflag:s26] =	ssyncset.done $0x0  }
0xa7: {  	s24 =	simm.s32 $0xC780;
	[sflag:s26] =	ssyncadd.s32 $0xFFFFE000  }
0xa8: {  	[tilespmem:s28], [sflag:$0x1] =	stream.indirect.gather [hbm4b:s4+s19], $0x40, s24, s19, $0xb8;
	[tilespmem:$0x19100] =	vst v63  }
0xa9: {  	s29 =	simm.s32 $0xEE80  }
0xaa: {  	[spmem:s2] =	stream.indirect.scatter.add.f32 [tilespmem:s21], [sflag:$0x2], $0x40, s29, s19, $0xb8;
	[tilespmem:$0x19100] =	vst v63  }
0xab: {  	_ =	swait.ge [sflag:s18], $0x2000  }
0xac: {  	[sflag:s18] =	ssyncset.done $0x0  }
0xad: {  	[sflag:s18] =	ssyncadd.s32 $0xFFFFE000  }
0xae: {  	_ =	swait.ge [sflag:s26], $0x2000  }
0xaf: {  	[sflag:s26] =	ssyncset.done $0x0  }
0xb0: {  	[sflag:s26] =	ssyncadd.s32 $0xFFFFE000  }
0xb1: {  	[tilespmem:s21], [sflag:$0x1] =	stream.indirect.gather [hbm4b:s4+s19], $0x40, s31, s19, $0xb8;
	[tilespmem:$0x19100] =	vst v63  }
0xb2: {  	_ = 	snop  }
0xb3: {  	[spmem:s2] =	stream.indirect.scatter.add.f32 [tilespmem:s23], [sflag:$0x2], $0x40, s1, s19, $0xb8;
	[tilespmem:$0x19100] =	vst v63  }
0xb4: {  	_ =	swait.ge [sflag:s18], $0x2000  }
0xb5: {  	[sflag:s18] =	ssyncset.done $0x0  }
0xb6: {  	[sflag:s18] =	ssyncadd.s32 $0xFFFFE000  }
0xb7: {  	_ =	swait.ge [sflag:s26], $0x2000  }
0xb8: {  	[sflag:s26] =	ssyncset.done $0x0  }
0xb9: {  	[sflag:s26] =	ssyncadd.s32 $0xFFFFE000  }
0xba: {  	[spmem:s2] =	stream.indirect.scatter.add.f32 [tilespmem:s25], [sflag:$0x2], $0x40, s0, s19, $0xb8;
	[tilespmem:$0x19100] =	vst v63  }
0xbb: {  	_ =	swait.ge [sflag:s18], $0x2000  }
0xbc: {  	[sflag:s18] =	ssyncset.done $0x0  }
0xbd: {  	[sflag:s18] =	ssyncadd.s32 $0xFFFFE000  }
0xbe: {  	_ =	swait.ge [sflag:s26], $0x2000  }
0xbf: {  	[sflag:s26] =	ssyncset.done $0x0  }
0xc0: {  	[sflag:s26] =	ssyncadd.s32 $0xFFFFE000  }
0xc1: {  	[spmem:s2] =	stream.indirect.scatter.add.f32 [tilespmem:s28], [sflag:$0x2], $0x40, s20, s19, $0xb8;
	[tilespmem:$0x19100] =	vst v63  }
0xc2: {  	_ =	swait.ge [sflag:s18], $0x2000  }
0xc3: {  	[sflag:s18] =	ssyncset.done $0x0  }
0xc4: {  	[sflag:s18] =	ssyncadd.s32 $0xFFFFE000  }
0xc5: {  	_ =	swait.ge [sflag:s26], $0x2000  }
0xc6: {  	[sflag:s26] =	ssyncset.done $0x0  }
0xc7: {  	[sflag:s26] =	ssyncadd.s32 $0xFFFFE000  }
0xc8: {  	[spmem:s2] =	stream.indirect.scatter.add.f32 [tilespmem:s21], [sflag:$0x2], $0x40, s22, s19, $0xb8;
	[tilespmem:$0x19100] =	vst v63  }
0xc9: {  	s30 =	stileid.u32;
	_ =	swait.ge [sflag:s18], $0x2000  }
0xca: {  	s3 =	sadd.s32 $0x1, s3;
	s24 =	sshll.u32 s30, $0x6;
	[sflag:s18] =	ssyncset.done $0x0  }
0xcb: {  	p3 =	sne.s32 s3, s17;
	s24 =	sor.u32 $0x1C02, s24;
	[sflag:s18] =	ssyncadd.s32 $0xFFFFE000  }
.Ltmp2:
0xcc: {  	s29 =	sshrl.u32 s11, $0x3;
	[bflag:$0x0] =	sbarrier.arrive $0xFFFF;
	(pc) =	sbr.rel @p3 .LBB2_1-.Ltmp2, $4  }
0xcd: {  	[hbm:s16], [sflag:s24] =	dma.local [spmem:s29], $0x1400  }
0xce: {  	_ =	swait.ge [sflag:s18], $0x1400  }
0xcf: {  	[sflag:s18] =	ssyncset.done $0x0  }
0xd0: {  	[sflag:s18] =	ssyncadd.s32 $0xFFFFEC00  }
0xd1: {  	_ =	sfence.sel $0x180000  }
0xd2: {  	[bflag:$0x0] =	sbarrier.arrive $0xFFFF  }
0xd3: {  	_ =	strace $0x9000004D  }
0xd4: {  	s0 =	stileid.u32;
	[bflag:$0x2] =	sbarrier.arrive $0xFFFF  }
0xd5: {  	p0 =	sne.s32 s0, $0x0;
	s0 =	rddreg [dreg:$0x2]  }
0xd6: {  	s0 =	sadd.s32 @!p0 $0x100000, s0  }
0xd7: {  	[sflag:s0] =	ssyncadd.tile.s32 @!p0 $0x1;
	_ =	shalt  }
.Lfunc_end2:
_tile_overlayer_lowered:
.L_overlay_start_2:
0xd8: {  	(tag) =	ssettag $0x2  }
0xd9: {  	s0 =	rddreg [dreg:$0x0];
	s2 =	stileid.u32  }
0xda: {  	s1 =	rddreg [dreg:$0x1];
	p0 =	sne.s32 s2, $0x0  }
0xdb: {  	s3 =	rddreg [dreg:$0x2];
	[bflag:$0x3] =	sbarrier.arrive $0xFFFF;
	s2 =	simm.s32 @!p0 $0x1C02  }
0xdc: {  	[timem:s3], [sflag:s2] =	dma.local @!p0 [hbm:s0], s1  }
0xdd: {  	s0 =	simm.s32 @!p0 $0x2  }
0xde: {  	_ =	swait.ge @!p0 [sflag:s0], s1  }
0xdf: {  	s1 =	ssub.s32 @!p0 $0x0, s1;
	[sflag:s0] =	ssyncset.done @!p0 $0x0  }
0xe0: {  	[sflag:s0] =	ssyncadd.s32 @!p0 s1  }
0xe1: {  	[bflag:$0x3] =	sbarrier.arrive $0xFFFF  }
0xe2: {  	_ =	shalt  }

// kernel: kernel.9.cloned.1.call-start
scs
__scs_entry_jumppad:
0x0: {  	(pc) =	sbr.rel $0x88, $3  }
0x1: {  	(tag) =	ssettag $0x0;
	lr =	simm.s32 $0x1  }
0x2: {  	[smem:$0x3F98] =	sst lr;
	_ =	strace $0xD0000000  }
0x3: {  	_ = 	snop  }
0x4: {  	_ = 	snop  }
0x5: {  	_ = 	snop  }
0x6: {  	_ = 	snop  }
0x7: {  	_ = 	snop  }
__scs_overlays_trampoline_lowered:
0x8: {  	[smem:$0x3FA7] =	sst s0  }
0x9: {  	[smem:$0x3FA8] =	sst s1  }
0xa: {  	[smem:$0x3FA9] =	sst s2  }
0xb: {  	[smem:$0x3FAA] =	sst s3  }
0xc: {  	[smem:$0x3FAB] =	sst s4  }
0xd: {  	[smem:$0x3FAC] =	sst s5  }
0xe: {  	[smem:$0x3FAD] =	sst s6  }
0xf: {  	[smem:$0x3FAE] =	sst s7  }
0x10: {  	[smem:$0x3FAF] =	sst s8  }
0x11: {  	[smem:$0x3FB0] =	sst s9;
	s0 =	simm.s32 @!p0 $0x0  }
0x12: {  	s1 =	sld [smem:$0x3F96];
	s0 =	simm.s32 @p0 $0x1  }
0x13: {  	[smem:$0x3FB1] =	sst s0;
	s0 =	simm.s32 @!p1 $0x0  }
0x14: {  	s2 =	sld [smem:$0x3F95];
	s0 =	simm.s32 @p1 $0x1  }
0x15: {  	[smem:$0x3FB2] =	sst s0;
	s0 =	simm.s32 @!p2 $0x0  }
0x16: {  	s3 =	sld [smem:$0x3FDB];
	s0 =	simm.s32 @p2 $0x1  }
0x17: {  	s4 =	simm.s32 $0x1BF5;
	[smem:$0x3FB4] =	sst s0  }
0x18: {  	s0 =	sld [smem:$0x3F97];
	_ =	swait.ge [sflag:s4], $0x0  }
0x19: {  	s7 =	sld [smem:$0x3F98]  }
0x1a: {  	s8 =	sadd.s32 $0xFFFFE003, lr  }
0x1b: {  	s9 =	sadd.s32 $0xFFFFFEF7, lr;
	s5 =	simm.s32 $0xFFFFFFFF;
	p2 =	slt.u32 s8, $0xFFFFF086  }
0x1c: {  	p1 =	slt.u32 s9, $0xF7A;
	s5 =	simm.s32 @!p2 $0x0  }
0x1d: {  	s5 =	simm.s32 @p1 $0x1;
	p0 =	seq.s32 s7, s2  }
0x1e: {  	s7 =	smul.u32 @!p0 $0xF7A, s2;
	p2 =	seq.s32 @!p0 s5, $0x0  }
0x1f: {  	s9 =	smul.u32 $0xF7A, s1;
	s8 =	simm.s32 @!p0 $0x1BF5;
	p2 =	por !p2, p0  }
0x20: {  	[sflag:s8] =	ssyncset.s32 @!p0 $0xFFFFF086;
	s6 =	sadd.s32 @!p0 s3, s7;
	s7 =	simm.s32 @!p0 $0x108  }
0x21: {  	s3 =	sadd.s32 s3, s9;
	s6 =	sadd.s32 @!p0 $0x88, s6;
	s7 =	simm.s32 @p2 $0x1082  }
0x22: {  	[simem:s7], [sflag:s8] =	dma.local @!p0 [hbm:s6], $0xF7A  }
0x23: {  	s9 =	sor.u32 $0xD0000000, s2;
	s6 =	simm.s32 $0x108;
	_ =	swait.ge @!p0 [sflag:s8], $0x0  }
0x24: {  	s3 =	sadd.s32 $0x88, s3;
	s6 =	simm.s32 @!p1 $0x1082;
	[sflag:s4] =	ssyncset.s32 $0xFFFFF086  }
0x25: {  	[simem:s6], [sflag:s4] =	dma.local [hbm:s3], $0xF7A  }
0x26: {  	[smem:$0x3F98] =	sst s1;
	(tag) =	ssettag s2;
	_ =	strace s9  }
0x27: {  	s1 =	sld [smem:$0x3FA8]  }
0x28: {  	s2 =	sld [smem:$0x3FA9]  }
0x29: {  	s4 =	sld [smem:$0x3FAB]  }
0x2a: {  	p0 =	seq.s32 s5, $0x0;
	s5 =	sld [smem:$0x3FAC]  }
0x2b: {  	s6 =	sld [smem:$0x3FAD]  }
0x2c: {  	s7 =	sld [smem:$0x3FAE]  }
0x2d: {  	s3 =	simm.s32 $0x108;
	s8 =	sld [smem:$0x3FAF]  }
0x2e: {  	s3 =	simm.s32 @!p0 $0x1082;
	s9 =	sld [smem:$0x3FB0]  }
0x2f: {  	lr =	sadd.s32 s0, s3;
	s0 =	sld [smem:$0x3FA7]  }
0x30: {  	s3 =	sld [smem:$0x3FAA]  }
0x31: {  	[smem:$0x3FB3] =	sst s10  }
0x32: {  	s10 =	sld [smem:$0x3FB1];
	_ =	sdelay $0x3  }
0x33: {  	p0 =	seq.s32 s10, $0x1;
	s10 =	sld [smem:$0x3FB3];
	_ =	sdelay $0x3  }
0x34: {  	[smem:$0x3FB3] =	sst s10  }
0x35: {  	s10 =	sld [smem:$0x3FB2];
	_ =	sdelay $0x3  }
0x36: {  	p1 =	seq.s32 s10, $0x1;
	s10 =	sld [smem:$0x3FB3];
	_ =	sdelay $0x3  }
0x37: {  	[smem:$0x3FB3] =	sst s10  }
0x38: {  	s10 =	sld [smem:$0x3FB4]  }
0x39: {  	_ = 	snop;
	(pc) =	sbr.ind lr, $3  }
0x3a: {  	_ = 	snop  }
0x3b: {  	_ = 	snop  }
0x3c: {  	p2 =	seq.s32 s10, $0x1;
	s10 =	sld [smem:$0x3FB3]  }
0x3d: {  	_ =	shalt  }
0x3e: {  	_ =	shalt  }
0x3f: {  	_ =	shalt  }
0x40: {  	_ =	shalt  }
0x41: {  	_ =	shalt  }
0x42: {  	_ =	shalt  }
0x43: {  	_ =	shalt  }
0x44: {  	_ =	shalt  }
0x45: {  	_ =	shalt  }
0x46: {  	_ =	shalt  }
0x47: {  	_ =	shalt  }
0x48: {  	_ =	shalt  }
0x49: {  	_ =	shalt  }
0x4a: {  	_ =	shalt  }
0x4b: {  	_ =	shalt  }
0x4c: {  	_ =	shalt  }
0x4d: {  	_ =	shalt  }
0x4e: {  	_ =	shalt  }
0x4f: {  	_ =	shalt  }
0x50: {  	_ =	shalt  }
0x51: {  	_ =	shalt  }
0x52: {  	_ =	shalt  }
0x53: {  	_ =	shalt  }
0x54: {  	_ =	shalt  }
0x55: {  	_ =	shalt  }
0x56: {  	_ =	shalt  }
0x57: {  	_ =	shalt  }
0x58: {  	_ =	shalt  }
0x59: {  	_ =	shalt  }
0x5a: {  	_ =	shalt  }
0x5b: {  	_ =	shalt  }
0x5c: {  	_ =	shalt  }
0x5d: {  	_ =	shalt  }
0x5e: {  	_ =	shalt  }
0x5f: {  	_ =	shalt  }
0x60: {  	_ =	shalt  }
0x61: {  	_ =	shalt  }
0x62: {  	_ =	shalt  }
0x63: {  	_ =	shalt  }
0x64: {  	_ =	shalt  }
0x65: {  	_ =	shalt  }
0x66: {  	_ =	shalt  }
0x67: {  	_ =	shalt  }
0x68: {  	_ =	shalt  }
0x69: {  	_ =	shalt  }
0x6a: {  	_ =	shalt  }
0x6b: {  	_ =	shalt  }
0x6c: {  	_ =	shalt  }
0x6d: {  	_ =	shalt  }
0x6e: {  	_ =	shalt  }
0x6f: {  	_ =	shalt  }
0x70: {  	_ =	shalt  }
0x71: {  	_ =	shalt  }
0x72: {  	_ =	shalt  }
0x73: {  	_ =	shalt  }
0x74: {  	_ =	shalt  }
0x75: {  	_ =	shalt  }
0x76: {  	_ =	shalt  }
0x77: {  	_ =	shalt  }
0x78: {  	_ =	shalt  }
0x79: {  	_ =	shalt  }
0x7a: {  	_ =	shalt  }
0x7b: {  	_ =	shalt  }
0x7c: {  	_ =	shalt  }
0x7d: {  	_ =	shalt  }
0x7e: {  	_ =	shalt  }
0x7f: {  	_ =	shalt  }
0x80: {  	_ =	shalt  }
0x81: {  	_ =	shalt  }
0x82: {  	_ =	shalt  }
0x83: {  	_ =	shalt  }
0x84: {  	_ =	shalt  }
0x85: {  	_ =	shalt  }
0x86: {  	_ =	shalt  }
0x87: {  	_ =	shalt  }
.Lfunc_end0:
.L_simem_size_0:
called_computation_lowered:
.L_overlay_start_0:
0x88: {  	s2 =	sld [smem:$0x3FD9]  }
0x89: {  	s3 =	sld [smem:$0x3FFE];
	_ =	sdelay $0x1  }
0x8a: {  	s1 =	srdreg.scid  }
0x8b: {  	s0 =	sand.u32 $0x1, s1  }
0x8c: {  	s16 =	sshll.u32 s0, $0xA;
	s2 =	sadd.s32 s3, s2  }
0x8d: {  	s2 =	sadd.s32 s2, s16  }
0x8e: {  	[smem:$0x3FBF] =	sst s2  }
0x8f: {  	_ = 	snop  }
0x90: {  	(tm) =	ssettm $0x1  }
0x91: {  	s17 =	sld [smem:$0x3FFB];
	_ =	sdelay $0x3  }
0x92: {  	_ =	strace s17  }
0x93: {  	s2 =	sld [smem:$0x3FFC];
	_ =	sdelay $0x3  }
0x94: {  	_ =	strace s2  }
0x95: {  	s2 =	sld [smem:$0x3FFD];
	_ =	sdelay $0x3  }
0x96: {  	_ =	strace s2  }
0x97: {  	_ =	strace $0x8FFFFFFF  }
0x98: {  	s18 =	sld [smem:$0x3FDB];
	_ =	sdelay $0x1  }
0x99: {  	s19 =	simm.s32 $_scs_section_size  }
0x9a: {  	s4 =	simm.s32 $_size__tile_overlayer_lowered;
	s5 =	simm.s32 $_tile_overlayer_lowered  }
0x9b: {  	s22 =	simm.s32 $0x1BFF;
	s21 =	sshll.u32 s5, $0x1;
	s2 =	sadd.s32 s19, s18  }
0x9c: {  	s6 =	simm.s32 $0x0;
	s20 =	sshll.u32 s4, $0x1;
	s4 =	sadd.s32 s21, s2  }
0x9d: {  	[timem:s6], [sflag:s22] =	dma.local [hbm:s4], s20  }
0x9e: {  	_ =	swait.ge [sflag:s22], s20  }
0x9f: {  	s3 =	ssub.s32 $0x0, s20;
	[sflag:s22] =	ssyncset.done $0x0  }
0xa0: {  	[sflag:s22] =	ssyncadd.s32 s3;
	_ =	sdelay $0x1  }
0xa1: {  	s23 =	simm.s32 $0x1B8B  }
0xa2: {  	_ =	swait.ge [sflag:s23], $0x1  }
0xa3: {  	[sflag:s23] =	ssyncset.done $0x0  }
0xa4: {  	s25 =	simm.s32 $0x1B8E;
	s24 =	sld [smem:$0x3FFE];
	[sflag:s23] =	ssyncadd.s32 $0xFFFFFFFF  }
0xa5: {  	s26 =	simm.s32 $execute0_lowered;
	[smem:$0x3FD2] =	sst s25  }
0xa6: {  	s4 =	sshll.u32 s26, $0x1;
	_ =	strace $0x80000046;
	[dreg:$0x1] =	wrdreg $0xFFFFFFFF  }
0xa7: {  	s28 =	simm.s32 $_size_execute0_lowered;
	s2 =	sadd.s32 s2, s4;
	[dreg:$0x0] =	wrdreg $0x0  }
0xa8: {  	s4 =	sshll.u32 s28, $0x1;
	[dreg:$0x2] =	wrdreg s2  }
0xa9: {  	[dreg:$0x3] =	wrdreg s4  }
0xaa: {  	[dreg:$0x4] =	wrdreg $0xC0  }
0xab: {  	_ =	task [dreg:s6], $0x5FFFF  }
0xac: {  	[dreg:$0x1] =	wrdreg $0xFFFFFFFF  }
0xad: {  	[dreg:$0x0] =	wrdreg $0x60  }
0xae: {  	[dreg:$0x2] =	wrdreg s24  }
0xaf: {  	[dreg:$0x3] =	wrdreg $0x38800  }
0xb0: {  	[dreg:$0x4] =	wrdreg $0x9  }
0xb1: {  	_ =	task.clear_ibuf [dreg:s6], $0x5FFFF;
	_ =	strace $0x90000046  }
0xb2: {  	s29 =	simm.s32 $0x9;
	_ =	strace $0x80000048  }
0xb3: {  	_ =	swait.ge [sflag:s29], $0x1  }
0xb4: {  	[sflag:s29] =	ssyncadd.s32 $0xFFFFFFFF  }
0xb5: {  	_ =	strace $0x90000048  }
0xb6: {  	_ =	sfence  }
0xb7: {  	s30 =	sld [smem:$0x0];
	_ =	sdelay $0x2  }
0xb8: {  	s31 =	sshll.u32 s1, $0xD;
	s1 =	sshrl.u32 s1, $0x2  }
0xb9: {  	s3 =	sand.u32 $0x4000, s31;
	s1 =	sadd.s32 s1, s30  }
0xba: {  	s0 =	sor.u32 s3, s0;
	s1 =	sshll.u32 s1, $0x11  }
0xbb: {  	s0 =	sor.u32 s1, s0  }
0xbc: {  	s0 =	sadd.s32 $0x8F2B, s0  }
0xbd: {  	[sflag:s0] =	ssyncadd.remote.s32 $0x1  }
0xbe: {  	_ =	sfence.sel $0xFFFF  }
0xbf: {  	[dreg:$0x0] =	wrdreg $0xFFFFFFFF;
	(pc) =	sbr.abs _section_cstart, $3  }
0xc0: {  	[dreg:$0x1] =	wrdreg $0xFFFFFFFF  }
0xc1: {  	_ =	task.clear_ibuf [dreg:s6], $0x2FFFF;
	_ =	strace $0x9FFFFFFF  }
0xc2: {  	(tm) =	ssettm $0x7FFFFFFF  }
0xc3: {  	_ =	shalt  }
tec
execute0_lowered:
.L_overlay_start_1:
0x0: {  	(tag) =	ssettag $0x1  }
0x1: {  	s0 =	srdreg.scid;
	s8 =	rddreg [dreg:$0x0]  }
0x2: {  	s2 =	rddreg [dreg:$0x1];
	s3 =	simm.s32 $0x0;
	s16 =	simm.s32 $0x80  }
0x3: {  	s17 =	simm.s32 $0x1000;
	s18 =	simm.s32 $0x800;
	s19 =	simm.s32 $0x1080  }
0x4: {  	s20 =	simm.s32 $0x1100;
	s21 =	simm.s32 $0x1180;
	s22 =	simm.s32 $0x1  }
0x5: {  	s23 =	simm.s32 $0x3800;
	s4 =	sand.u32 $0x1, s0;
	s0 =	stileid.u32  }
0x6: {  	s24 =	simm.s32 $0x0;
	[smem:$0x7FF] =	sst s3;
	s6 =	smul.u32 $0x500, s0  }
0x7: {  	s1 =	sshll.u32 s4, $0x4;
	s7 =	smul.u32 $0x5000, s4;
	s9 =	ssub.s32 $0x2, s4  }
0x8: {  	s10 =	smul.u32 $0xA000, s0;
	s4 =	sadd.s32 $0x16600, s8;
	s15 =	sor.u32 s0, s1  }
0x9: {  	s1 =	rddreg [dreg:$0x2];
	_ =	strace $0x80000047;
	s30 =	sshrl.u32 s9, $0x1  }
0xa: {  	s5 =	smul.u32 $0x510, s15;
	s6 =	sadd.s32 s6, s7;
	s14 =	ssub.s32 s9, s30  }
0xb: {  	s31 =	sshrl.u32 s10, $0x2;
	p0 =	seq.s32 s15, $0x1F;
	p1 =	sgt.u32 s15, $0x1D  }
0xc: {  	s13 =	sadd.s32 s6, s8;
	s6 =	sadd.s32 $0x166B0, s8;
	s7 =	sadd.s32 s31, s2  }
0xd: {  	s14 =	smax.u32 s14, $0x1;
	p2 =	sne.s32 @!p0 s15, $0x1E;
	s15 =	simm.s32 $0x2  }
0xe: {  	s5 =	sadd.s32 s5, s8;
	s8 =	sadd.s32 $0x15FE0, s8;
	s9 =	sadd.s32 $0x800, s7  }
0xf: {  	s10 =	sadd.s32 $0x1000, s7;
	s11 =	sadd.s32 $0x1800, s7;
	s12 =	sadd.s32 $0x2000, s7  }
0x10: {  	v0 =	vimm.f32 $0.0e+00;
	v1 =	vimm.f32 $1.000000000e+00;
	s13 =	sadd.s32 $0x16C00, s13;
	p2 =	por p2, p0;
	s5 =	sadd.s32 $0xC800, s5  }
.LBB2_1:
0x11: {  	s25 =	simm.s32 $0x40;
	s26 =	simm.s32 $0x0  }
.LBB2_2:
0x12: {  	p3 =	sne.s32 s25, $0x1FC0;
	[tilespmem:s26+$0x0] =	vst v0;
	s28 =	smov.u32 s25;
	s25 =	sadd.s32 $0x40, s25  }
.Ltmp0:
0x13: {  	[tilespmem:s26+$0x800] =	vst v1;
	(pc) =	sbr.rel @p3 .LBB2_2-.Ltmp0, $2  }
0x14: {  	_ =	sdelay $0x2  }
0x15: {  	s26 =	sshra.s32 s28, $0x2  }
0x16: {  	[tilespmem:s26+$0x0] =	vst v0  }
0x17: {  	[tilespmem:s26+$0x800] =	vst v1;
	s25 =	simm.s32 @!p1 $0x0;
	s26 =	simm.s32 @!p1 $0x1000  }
0x18: {  	[tilespmem:s26], [sflag:$0x2] =	stream.linear.gather @!p1 [hbm4b:s5+s25], $0x2880, $0x38;
	[tilespmem:$0x6080] =	vst v63  }
0x19: {  	s25 =	simm.s32 @!p1 $0x2  }
0x1a: {  	_ =	swait.ge @!p1 [sflag:s25], $0x2880  }
0x1b: {  	[sflag:s25] =	ssyncset.done @!p1 $0x0  }
0x1c: {  	s26 =	simm.s32 @p0 $0x1000;
	[sflag:s25] =	ssyncadd.s32 @!p1 $0xFFFFD780;
	s25 =	simm.s32 @p0 $0x0  }
0x1d: {  	[tilespmem:s26], [sflag:$0x2] =	stream.linear.gather @p0 [hbm4b:s6+s25], $0x2880, $0x38;
	[tilespmem:$0x6080] =	vst v63  }
0x1e: {  	s25 =	simm.s32 @p0 $0x2  }
0x1f: {  	_ =	swait.ge @p0 [sflag:s25], $0x2880  }
0x20: {  	[sflag:s25] =	ssyncset.done @p0 $0x0  }
0x21: {  	s26 =	simm.s32 @!p2 $0x1000;
	[sflag:s25] =	ssyncadd.s32 @p0 $0xFFFFD780;
	s25 =	simm.s32 @!p2 $0x0  }
0x22: {  	[tilespmem:s26], [sflag:$0x2] =	stream.linear.gather @!p2 [hbm4b:s8+s25], $0x2300, $0x38;
	[tilespmem:$0x6080] =	vst v63  }
0x23: {  	s26 =	simm.s32 @!p2 $0x2  }
0x24: {  	_ =	swait.ge @!p2 [sflag:s26], $0x2300  }
0x25: {  	[sflag:s26] =	ssyncset.done @!p2 $0x0  }
0x26: {  	s28 =	simm.s32 @!p2 $0x3300;
	[sflag:s26] =	ssyncadd.s32 @!p2 $0xFFFFDD00  }
0x27: {  	[tilespmem:s28], [sflag:$0x2] =	stream.linear.gather @!p2 [hbm4b:s4+s25], $0x580, $0x38;
	[tilespmem:$0x6080] =	vst v63  }
0x28: {  	_ =	swait.ge @!p2 [sflag:s26], $0x580  }
0x29: {  	[sflag:s26] =	ssyncset.done @!p2 $0x0  }
0x2a: {  	[sflag:s26] =	ssyncadd.s32 @!p2 $0xFFFFFA80  }
0x2b: {  	[spmem:s7] =	stream.linear.scatter [tilespmem:s3], [sflag:$0x2], $0x800, $0x38;
	[tilespmem:$0x6080] =	vst v63  }
0x2c: {  	_ =	swait.ge [sflag:s15], $0x800  }
0x2d: {  	[sflag:s15] =	ssyncset.done $0x0  }
0x2e: {  	[sflag:s15] =	ssyncadd.s32 $0xFFFFF800  }
0x2f: {  	[spmem:s9] =	stream.linear.scatter [tilespmem:s3], [sflag:$0x2], $0x800, $0x38;
	[tilespmem:$0x6080] =	vst v63  }
0x30: {  	_ =	swait.ge [sflag:s15], $0x800  }
0x31: {  	[sflag:s15] =	ssyncset.done $0x0  }
0x32: {  	[sflag:s15] =	ssyncadd.s32 $0xFFFFF800  }
0x33: {  	[spmem:s10] =	stream.linear.scatter [tilespmem:s3], [sflag:$0x2], $0x800, $0x38;
	[tilespmem:$0x6080] =	vst v63  }
0x34: {  	_ =	swait.ge [sflag:s15], $0x800  }
0x35: {  	[sflag:s15] =	ssyncset.done $0x0  }
0x36: {  	[sflag:s15] =	ssyncadd.s32 $0xFFFFF800  }
0x37: {  	[spmem:s11] =	stream.linear.scatter [tilespmem:s3], [sflag:$0x2], $0x800, $0x38;
	[tilespmem:$0x6080] =	vst v63  }
0x38: {  	_ =	swait.ge [sflag:s15], $0x800  }
0x39: {  	[sflag:s15] =	ssyncset.done $0x0  }
0x3a: {  	[sflag:s15] =	ssyncadd.s32 $0xFFFFF800  }
0x3b: {  	[spmem:s12] =	stream.linear.scatter [tilespmem:s3], [sflag:$0x2], $0x800, $0x38;
	[tilespmem:$0x6080] =	vst v63  }
0x3c: {  	_ =	swait.ge [sflag:s15], $0x800  }
0x3d: {  	[sflag:s15] =	ssyncset.done $0x0  }
0x3e: {  	[sflag:s15] =	ssyncadd.s32 $0xFFFFF800  }
0x3f: {  	[bflag:$0x0] =	sbarrier.arrive $0xFFFF  }
0x40: {  	[spmem:s2] =	stream.indirect.scatter.add.f32 [tilespmem:s18], [sflag:$0x1], $0x10, s17, s16, $0xb8;
	[tilespmem:$0x6080] =	vst v63  }
0x41: {  	_ = 	snop  }
0x42: {  	[spmem:s2] =	stream.indirect.scatter.add.f32 [tilespmem:s18], [sflag:$0x1], $0x10, s19, s16, $0xb8;
	[tilespmem:$0x6080] =	vst v63  }
0x43: {  	_ = 	snop  }
0x44: {  	[spmem:s2] =	stream.indirect.scatter.add.f32 [tilespmem:s18], [sflag:$0x1], $0x10, s20, s16, $0xb8;
	[tilespmem:$0x6080] =	vst v63  }
0x45: {  	_ = 	snop  }
0x46: {  	[spmem:s2] =	stream.indirect.scatter.add.f32 [tilespmem:s18], [sflag:$0x1], $0x10, s21, s16, $0xb8;
	[tilespmem:$0x6080] =	vst v63  }
0x47: {  	s30 =	simm.s32 $0x1200  }
0x48: {  	[spmem:s2] =	stream.indirect.scatter.add.f32 [tilespmem:s18], [sflag:$0x1], $0x10, s30, s16, $0xb8;
	[tilespmem:$0x6080] =	vst v63  }
0x49: {  	_ =	swait.ge [sflag:s22], $0x800  }
0x4a: {  	[sflag:s22] =	ssyncset.done $0x0  }
0x4b: {  	s31 =	simm.s32 $0x1280;
	[sflag:s22] =	ssyncadd.s32 $0xFFFFF800  }
0x4c: {  	[spmem:s2] =	stream.indirect.scatter.add.f32 [tilespmem:s18], [sflag:$0x1], $0x10, s31, s16, $0xb8;
	[tilespmem:$0x6080] =	vst v63  }
0x4d: {  	_ =	swait.ge [sflag:s22], $0x800  }
0x4e: {  	s25 =	simm.s32 $0xFFFFDB00;
	s26 =	simm.s32 $0xFFFF7000;
	[sflag:s22] =	ssyncset.done $0x0  }
.LBB2_4:
0x4f: {  	s28 =	sadd.s32 $0x3800, s25  }
0x50: {  	[sflag:s22] =	ssyncadd.s32 $0xFFFFF800;
	s29 =	smov.u32 s26;
	s30 =	sadd.s32 $0x400, s26  }
0x51: {  	[spmem:s2] =	stream.indirect.scatter.add.f32 [tilespmem:s18], [sflag:$0x1], $0x10, s28, s16, $0xb8;
	[tilespmem:$0x6080] =	vst v63  }
0x52: {  	p3 =	sne.s32 s26, $0xFFFFFC00;
	_ =	swait.ge [sflag:s22], $0x800  }
.Ltmp1:
0x53: {  	[sflag:s22] =	ssyncset.done $0x0;
	(pc) =	sbr.rel @p3 .LBB2_4-.Ltmp1, $4  }
0x54: {  	s25 =	sadd.s32 $0x3880, s25;
	[sflag:s22] =	ssyncadd.s32 $0xFFFFF800  }
0x55: {  	[spmem:s2] =	stream.indirect.scatter.add.f32 [tilespmem:s18], [sflag:$0x1], $0x10, s25, s16, $0xb8;
	[tilespmem:$0x6080] =	vst v63  }
0x56: {  	_ =	swait.ge [sflag:s22], $0x800  }
0x57: {  	s26 =	smov.u32 s30;
	s25 =	sshra.s32 s29, $0x2;
	[sflag:s22] =	ssyncset.done $0x0  }
0x58: {  	s26 =	sadd.s32 $0x3800, s25;
	[sflag:s22] =	ssyncadd.s32 $0xFFFFF800  }
0x59: {  	[spmem:s2] =	stream.indirect.scatter.add.f32 [tilespmem:s18], [sflag:$0x1], $0x10, s26, s16, $0xb8;
	[tilespmem:$0x6080] =	vst v63  }
0x5a: {  	_ =	swait.ge [sflag:s22], $0x800  }
0x5b: {  	[sflag:s22] =	ssyncset.done $0x0  }
0x5c: {  	s29 =	sadd.s32 $0x3880, s25;
	[sflag:s22] =	ssyncadd.s32 $0xFFFFF800  }
0x5d: {  	[spmem:s2] =	stream.indirect.scatter.add.f32 [tilespmem:s18], [sflag:$0x1], $0x10, s29, s16, $0xb8;
	[tilespmem:$0x6080] =	vst v63  }
0x5e: {  	_ =	swait.ge [sflag:s22], $0x800  }
0x5f: {  	[sflag:s22] =	ssyncset.done $0x0  }
0x60: {  	[sflag:s22] =	ssyncadd.s32 $0xFFFFF800  }
0x61: {  	[spmem:s2] =	stream.indirect.scatter.add.f32 [tilespmem:s18], [sflag:$0x1], $0x10, s23, s16, $0xb8;
	[tilespmem:$0x6080] =	vst v63  }
0x62: {  	_ =	swait.ge [sflag:s22], $0x800  }
0x63: {  	[sflag:s22] =	ssyncset.done $0x0  }
0x64: {  	[sflag:s22] =	ssyncadd.s32 $0xFFFFF800  }
0x65: {  	_ =	swait.ge [sflag:s22], $0x800  }
0x66: {  	[sflag:s22] =	ssyncset.done $0x0  }
0x67: {  	[sflag:s22] =	ssyncadd.s32 $0xFFFFF800  }
0x68: {  	_ =	swait.ge [sflag:s22], $0x800  }
0x69: {  	[sflag:s22] =	ssyncset.done $0x0  }
0x6a: {  	[sflag:s22] =	ssyncadd.s32 $0xFFFFF800  }
0x6b: {  	_ =	swait.ge [sflag:s22], $0x800  }
0x6c: {  	[sflag:s22] =	ssyncset.done $0x0  }
0x6d: {  	[sflag:s22] =	ssyncadd.s32 $0xFFFFF800  }
0x6e: {  	_ =	swait.ge [sflag:s22], $0x800  }
0x6f: {  	s30 =	sshll.u32 s0, $0x6;
	s24 =	sadd.s32 $0x1, s24;
	[sflag:s22] =	ssyncset.done $0x0  }
0x70: {  	s31 =	sshrl.u32 s7, $0x3;
	p3 =	sne.s32 s24, s14;
	[sflag:s22] =	ssyncadd.s32 $0xFFFFF800  }
.Ltmp2:
0x71: {  	s25 =	sor.u32 $0x1C02, s30;
	[bflag:$0x0] =	sbarrier.arrive $0xFFFF;
	(pc) =	sbr.rel @p3 .LBB2_1-.Ltmp2, $4  }
0x72: {  	[hbm:s13], [sflag:s25] =	dma.local [spmem:s31], $0x500  }
0x73: {  	_ =	swait.ge [sflag:s15], $0x500  }
0x74: {  	[sflag:s15] =	ssyncset.done $0x0  }
0x75: {  	[sflag:s15] =	ssyncadd.s32 $0xFFFFFB00  }
0x76: {  	_ =	sfence.sel $0x180000  }
0x77: {  	[bflag:$0x0] =	sbarrier.arrive $0xFFFF  }
0x78: {  	p0 =	sne.s32 s0, $0x0;
	_ =	strace $0x90000047  }
0x79: {  	s0 =	sadd.s32 @!p0 $0x100000, s1;
	[bflag:$0x2] =	sbarrier.arrive $0xFFFF  }
0x7a: {  	[sflag:s0] =	ssyncadd.tile.s32 @!p0 $0x1;
	_ =	shalt  }
.Lfunc_end2:
_tile_overlayer_lowered:
.L_overlay_start_2:
0x7b: {  	(tag) =	ssettag $0x2  }
0x7c: {  	s0 =	rddreg [dreg:$0x0];
	s2 =	stileid.u32  }
0x7d: {  	s1 =	rddreg [dreg:$0x1];
	p0 =	sne.s32 s2, $0x0  }
0x7e: {  	s3 =	rddreg [dreg:$0x2];
	[bflag:$0x3] =	sbarrier.arrive $0xFFFF;
	s2 =	simm.s32 @!p0 $0x1C02  }
0x7f: {  	[timem:s3], [sflag:s2] =	dma.local @!p0 [hbm:s0], s1  }
0x80: {  	s0 =	simm.s32 @!p0 $0x2  }
0x81: {  	_ =	swait.ge @!p0 [sflag:s0], s1  }
0x82: {  	s1 =	ssub.s32 @!p0 $0x0, s1;
	[sflag:s0] =	ssyncset.done @!p0 $0x0  }
0x83: {  	[sflag:s0] =	ssyncadd.s32 @!p0 s1  }
0x84: {  	[bflag:$0x3] =	sbarrier.arrive $0xFFFF  }
0x85: {  	_ =	shalt  }

</sc_bundles>
